<compile_context>
chip_gen: v7x
topology: tpu7x:2x2x1
jax: 0.10.2.dev20260603
libtpu: 0.0.44.dev20260713+nightly
codegen_flags: <defaults>
</compile_context>

<pallas_src>
import functools

import jax
import jax.numpy as jnp
from jax import lax
from jax.experimental import pallas as pl
from jax.experimental.pallas import tpu as pltpu
from jax.experimental.pallas import tpu_sc as plsc

NC = 2
NS = 16
NW = NC * NS
B = 128
TW = 128


def _round_up(v, m):
    return (v + m - 1) // m * m




def _sc_gather(srcg, dstg, ts, td, packs):
    ep = srcg.shape[0]
    chunk = ep // NW
    iters = chunk // B
    mesh = plsc.VectorSubcoreMesh(core_axis_name="c", subcore_axis_name="s",
                                  num_cores=NC, num_subcores=NS)

    @functools.partial(
        pl.kernel,
        mesh=mesh,
        out_type=jax.ShapeDtypeStruct((ep, TW), jnp.float32),
        scratch_types=[
            pltpu.VMEM((B,), jnp.int32),
            pltpu.VMEM((B,), jnp.int32),
            pltpu.VMEM((B, TW), jnp.float32),
            pltpu.VMEM((B, TW), jnp.float32),
            pltpu.SemaphoreType.DMA,
            pltpu.SemaphoreType.DMA,
        ],
    )
    def gk(srcg_h, dstg_h, ts_h, td_h, out_h,
           sidx, didx, sbuf, dbuf, sem1, sem2):
        wid = lax.axis_index("s") * NC + lax.axis_index("c")
        base = wid * chunk

        def body(i, carry):
            off = base + i * B
            pltpu.sync_copy(srcg_h.at[pl.ds(off, B)], sidx)
            pltpu.sync_copy(dstg_h.at[pl.ds(off, B)], didx)
            cp1 = pltpu.async_copy(ts_h.at[sidx], sbuf, sem1)
            cp2 = pltpu.async_copy(td_h.at[didx], dbuf, sem2)
            cp1.wait()
            cp2.wait()

            def pk(r, carry2):
                for dcol, scol in packs:
                    sbuf[r, pl.ds(scol, 16)] = dbuf[r, pl.ds(dcol, 16)]
                return carry2

            lax.fori_loop(0, B, pk, 0)
            pltpu.sync_copy(sbuf, out_h.at[pl.ds(off, B)])
            return carry

        lax.fori_loop(0, iters, body, 0)

    return gk(srcg, dstg, ts, td)


def _segsum(rows, dsts, nr):
    return jax.ops.segment_sum(rows, dsts, num_segments=nr)




def _prep_body(x_ref, pos_ref, lin_ref, lsrc_ref, ldst_ref, ts_ref, td_ref):
    x = x_ref[...]
    pos = pos_ref[...]
    nb = x.shape[0]
    c = lin_ref.shape[1]
    xv = jnp.dot(x, lin_ref[...], preferred_element_type=jnp.float32)
    a_s = jnp.dot(x, lsrc_ref[...], preferred_element_type=jnp.float32)
    a_d = jnp.dot(x, ldst_ref[...], preferred_element_type=jnp.float32)
    pad_s = jnp.zeros((nb, TW - 2 * c - 2), jnp.float32)
    pad_d = jnp.zeros((nb, TW - c - 2), jnp.float32)
    ts_ref[...] = jnp.concatenate([xv, a_s, pos, pad_s], axis=1)
    td_ref[...] = jnp.concatenate([a_d, pos, pad_d], axis=1)


def _prep(x, pos, lin, lsrc, ldst, nb=400):
    n, cin = x.shape
    c = lin.shape[1]
    grid = n // nb
    row = lambda i: (i, 0)
    w0 = lambda i: (0, 0)
    return pl.pallas_call(
        _prep_body,
        grid=(grid,),
        in_specs=[
            pl.BlockSpec((nb, cin), row),
            pl.BlockSpec((nb, 2), row),
            pl.BlockSpec((cin, c), w0),
            pl.BlockSpec((cin, c), w0),
            pl.BlockSpec((cin, c), w0),
        ],
        out_specs=[
            pl.BlockSpec((nb, TW), row),
            pl.BlockSpec((nb, TW), row),
        ],
        out_shape=[
            jax.ShapeDtypeStruct((n, TW), jnp.float32),
            jax.ShapeDtypeStruct((n, TW), jnp.float32),
        ],
    )(x, pos, lin, lsrc, ldst)


def _mid_body(c, offs, sg_ref,
              pw1_ref, pb1_ref, pw2_ref, pb2_ref,
              aw1_ref, ab1_ref, aw2_ref, ab2_ref, out_ref):
    xo, ao, po, ado, pdo = offs
    sg = sg_ref[...]
    xv = sg[:, xo:xo + c]
    a_s = sg[:, ao:ao + c]
    pos_s = sg[:, po:po + 2]
    a_d = sg[:, ado:ado + c]
    pos_d = sg[:, pdo:pdo + 2]
    pd = pos_d - pos_s
    hp = jax.nn.relu(
        jnp.dot(pd, pw1_ref[...], preferred_element_type=jnp.float32)
        + pb1_ref[...])
    delta = jnp.dot(hp, pw2_ref[...], preferred_element_type=jnp.float32) + pb2_ref[...]
    apre = a_d - a_s + delta
    hid = jax.nn.relu(
        jnp.dot(apre, aw1_ref[...], preferred_element_type=jnp.float32)
        + ab1_ref[...])
    alpha = jnp.dot(hid, aw2_ref[...], preferred_element_type=jnp.float32) + ab2_ref[...]
    ex = jnp.exp(alpha)
    v = ex * (xv + delta)
    out_ref[...] = jnp.concatenate([v, ex], axis=1)


def _mid(c, offs, sg, pw1, pb1, pw2, pb2, aw1, ab1, aw2, ab2, be=2048):
    ep = sg.shape[0]
    sw = TW
    hidden = pw1.shape[1]
    grid = ep // be
    row = lambda i: (i, 0)
    w0 = lambda i: (0, 0)
    b0 = lambda i: (0,)
    return pl.pallas_call(
        functools.partial(_mid_body, c, offs),
        grid=(grid,),
        in_specs=[
            pl.BlockSpec((be, sw), row),
            pl.BlockSpec((2, hidden), w0), pl.BlockSpec((hidden,), b0),
            pl.BlockSpec((hidden, c), w0), pl.BlockSpec((c,), b0),
            pl.BlockSpec((c, hidden), w0), pl.BlockSpec((hidden,), b0),
            pl.BlockSpec((hidden, c), w0), pl.BlockSpec((c,), b0),
        ],
        out_specs=[pl.BlockSpec((be, 2 * c), row)],
        out_shape=[jax.ShapeDtypeStruct((ep, 2 * c), jnp.float32)],
    )(sg, pw1, pb1, pw2, pb2, aw1, ab1, aw2, ab2)[0]


def _selfloop_terms(a_d, a_s, xv, pw1b, pw2, pb2, aw1, ab1, aw2, ab2):
    hp0 = jax.nn.relu(pw1b)
    delta0 = jnp.dot(hp0.reshape(1, -1), pw2,
                     preferred_element_type=jnp.float32) + pb2
    apre = a_d - a_s + delta0
    hid = jax.nn.relu(
        jnp.dot(apre, aw1, preferred_element_type=jnp.float32) + ab1)
    alpha = jnp.dot(hid, aw2, preferred_element_type=jnp.float32) + ab2
    ex = jnp.exp(alpha)
    return ex, ex * (xv + delta0)


def _final1_body(c, acc_ref, ts_ref, td_ref,
                 pb1_ref, pw2_ref, pb2_ref, aw1_ref, ab1_ref, aw2_ref, ab2_ref,
                 lin2_ref, lsrc2_ref, ldst2_ref, t2_ref):
    num = acc_ref[:, 0:c]
    den = acc_ref[:, c:2 * c]
    sg = ts_ref[...]
    dg = td_ref[...]
    xv = sg[:, 0:c]
    a_s = sg[:, c:2 * c]
    pos = sg[:, 2 * c:2 * c + 2]
    a_d = dg[:, 0:c]
    ex_sl, v_sl = _selfloop_terms(
        a_d, a_s, xv, pb1_ref[...], pw2_ref[...], pb2_ref[...],
        aw1_ref[...], ab1_ref[...], aw2_ref[...], ab2_ref[...])
    hmat = jax.nn.relu((num + v_sl) / (den + ex_sl + 1e-16))
    nb = hmat.shape[0]
    c2 = lin2_ref.shape[1]
    xv2 = jnp.dot(hmat, lin2_ref[...], preferred_element_type=jnp.float32)
    a_s2 = jnp.dot(hmat, lsrc2_ref[...], preferred_element_type=jnp.float32)
    a_d2 = jnp.dot(hmat, ldst2_ref[...], preferred_element_type=jnp.float32)
    z6 = jnp.zeros((nb, 6), jnp.float32)
    zrest = jnp.zeros((nb, TW - 34), jnp.float32)
    t2_ref[...] = jnp.concatenate(
        [xv2, a_s2, pos, z6, a_d2, pos, zrest], axis=1)


def _final1(c, acc, ts, td, pb1, pw2, pb2, aw1, ab1, aw2, ab2,
            lin2, lsrc2, ldst2, nb=400):
    n = ts.shape[0]
    hidden = pw2.shape[0]
    c2 = lin2.shape[1]
    grid = n // nb
    row = lambda i: (i, 0)
    w0 = lambda i: (0, 0)
    b0 = lambda i: (0,)
    return pl.pallas_call(
        functools.partial(_final1_body, c),
        grid=(grid,),
        in_specs=[
            pl.BlockSpec((nb, 2 * c), row),
            pl.BlockSpec((nb, TW), row),
            pl.BlockSpec((nb, TW), row),
            pl.BlockSpec((hidden,), b0),
            pl.BlockSpec((hidden, c), w0), pl.BlockSpec((c,), b0),
            pl.BlockSpec((c, hidden), w0), pl.BlockSpec((hidden,), b0),
            pl.BlockSpec((hidden, c), w0), pl.BlockSpec((c,), b0),
            pl.BlockSpec((c, c2), w0), pl.BlockSpec((c, c2), w0),
            pl.BlockSpec((c, c2), w0),
        ],
        out_specs=[pl.BlockSpec((nb, TW), row)],
        out_shape=[jax.ShapeDtypeStruct((n, TW), jnp.float32)],
    )(acc, ts, td, pb1, pw2, pb2, aw1, ab1, aw2, ab2,
      lin2, lsrc2, ldst2)[0]


def _final2_body(c, acc_ref, t2_ref,
                 pb1_ref, pw2_ref, pb2_ref, aw1_ref, ab1_ref, aw2_ref, ab2_ref,
                 out_ref):
    num = acc_ref[:, 0:c]
    den = acc_ref[:, c:2 * c]
    t2 = t2_ref[...]
    xv = t2[:, 0:c]
    a_s = t2[:, c:2 * c]
    a_d = t2[:, 24:24 + c]
    ex_sl, v_sl = _selfloop_terms(
        a_d, a_s, xv, pb1_ref[...], pw2_ref[...], pb2_ref[...],
        aw1_ref[...], ab1_ref[...], aw2_ref[...], ab2_ref[...])
    out_ref[...] = (num + v_sl) / (den + ex_sl + 1e-16)


def _final2(c, acc, t2, pb1, pw2, pb2, aw1, ab1, aw2, ab2, nb=400):
    n = t2.shape[0]
    hidden = pw2.shape[0]
    grid = n // nb
    row = lambda i: (i, 0)
    w0 = lambda i: (0, 0)
    b0 = lambda i: (0,)
    return pl.pallas_call(
        functools.partial(_final2_body, c),
        grid=(grid,),
        in_specs=[
            pl.BlockSpec((nb, 2 * c), row),
            pl.BlockSpec((nb, TW), row),
            pl.BlockSpec((hidden,), b0),
            pl.BlockSpec((hidden, c), w0), pl.BlockSpec((c,), b0),
            pl.BlockSpec((c, hidden), w0), pl.BlockSpec((hidden,), b0),
            pl.BlockSpec((hidden, c), w0), pl.BlockSpec((c,), b0),
        ],
        out_specs=[pl.BlockSpec((nb, c), row)],
        out_shape=[jax.ShapeDtypeStruct((n, c), jnp.float32)],
    )(acc, t2, pb1, pw2, pb2, aw1, ab1, aw2, ab2)[0]




def kernel(x, pos, edge_index,
           l1_lin, l1_lsrc, l1_ldst, l1_pw1, l1_pb1, l1_pw2, l1_pb2,
           l1_aw1, l1_ab1, l1_aw2, l1_ab2,
           l2_lin, l2_lsrc, l2_ldst, l2_pw1, l2_pb1, l2_pw2, l2_pb2,
           l2_aw1, l2_ab1, l2_aw2, l2_ab2):
    n = x.shape[0]
    e = edge_index.shape[1]
    ep = _round_up(e, NW * B)
    pad = ep - e

    src = edge_index[0]
    dst = edge_index[1]
    zpad = jnp.zeros((pad,), jnp.int32)
    srcg = jnp.concatenate([src, zpad])
    dstg = jnp.concatenate([dst, zpad])
    dsts = jnp.concatenate([dst, jnp.full((pad,), n, jnp.int32)])

    c1, c2 = l1_lin.shape[1], l2_lin.shape[1]

    t1s, t1d = _prep(x, pos, l1_lin, l1_lsrc, l1_ldst)
    sg1 = _sc_gather(srcg, dstg, t1s, t1d, [(0, 80), (16, 96), (32, 112)])
    rows1 = _mid(c1, (0, 32, 64, 80, 112), sg1, l1_pw1, l1_pb1, l1_pw2,
                 l1_pb2, l1_aw1, l1_ab1, l1_aw2, l1_ab2)
    acc1 = _segsum(rows1, dsts, n)
    t2 = _final1(c1, acc1, t1s, t1d, l1_pb1, l1_pw2, l1_pb2,
                 l1_aw1, l1_ab1, l1_aw2, l1_ab2,
                 l2_lin, l2_lsrc, l2_ldst)

    sg2 = _sc_gather(srcg, dstg, t2, t2, [(24, 32)])
    rows2 = _mid(c2, (0, 8, 16, 32, 40), sg2, l2_pw1, l2_pb1, l2_pw2,
                 l2_pb2, l2_aw1, l2_ab1, l2_aw2, l2_ab2)
    acc2 = _segsum(rows2, dsts, n)
    out = _final2(c2, acc2, t2, l2_pb1, l2_pw2, l2_pb2,
                  l2_aw1, l2_ab1, l2_aw2, l2_ab2)
    return out

# --- scband reference (transcript-rebuilt; emitter-appended) ---
"""Pipeline reference for scband-point-transformer-18562848653514 (READ-ONLY COPY).

The authoritative reference and input builder live on the scoring server;
editing this copy changes nothing except your own understanding.
"""

import jax, jax.numpy as jnp
import numpy as np

N = 50000
E = 800000


def mlp(x, W1, b1, W2, b2):
    # MLP(input_size, output_size, hidden_size, hidden_layers=1):
    # Linear(in, hidden) -> ReLU -> Linear(hidden, out)
    return jax.nn.relu(x @ W1 + b1) @ W2 + b2


def ptconv(x, pos, src, dst, n, lin, lsrc, ldst, pw1, pb1, pw2, pb2, aw1, ab1, aw2, ab2):
    # Faithful PyG PointTransformerConv (add_self_loops already applied by caller):
    # alpha_i - alpha_j + delta -> attn_nn -> per-dst softmax; out_i = sum alpha * (lin(x_j) + delta)
    a_src = x @ lsrc
    a_dst = x @ ldst
    xv = x @ lin
    delta = mlp(pos[dst] - pos[src], pw1, pb1, pw2, pb2)
    alpha = a_dst[dst] - a_src[src] + delta
    alpha = mlp(alpha, aw1, ab1, aw2, ab2)
    amax = jax.ops.segment_max(alpha, dst, num_segments=n)
    ex = jnp.exp(alpha - amax[dst])
    denom = jax.ops.segment_sum(ex, dst, num_segments=n)
    w = ex / (denom[dst] + 1e-16)
    return jax.ops.segment_sum(w * (xv[src] + delta), dst, num_segments=n)


def setup_inputs(seed: int = 0):
    key = jax.random.key(seed)
    ks = jax.random.split(key, 30)
    p = lambda k, s: jax.random.normal(k, s, dtype=jnp.float32) * 0.1
    inp = {}
    inp["x"] = jax.random.normal(ks[0], (N, 32), dtype=jnp.float32)
    inp["pos"] = jax.random.normal(ks[1], (N, 2), dtype=jnp.float32)
    inp["edge_index"] = jax.random.randint(ks[2], (2, E), 0, N, dtype=jnp.int32)
    # layer 1: in=32, out=32
    inp["l1_lin"] = p(ks[3], (32, 32))
    inp["l1_lsrc"] = p(ks[4], (32, 32))
    inp["l1_ldst"] = p(ks[5], (32, 32))
    inp["l1_pw1"] = p(ks[6], (2, 32))
    inp["l1_pb1"] = p(ks[7], (32,))
    inp["l1_pw2"] = p(ks[8], (32, 32))
    inp["l1_pb2"] = p(ks[9], (32,))
    inp["l1_aw1"] = p(ks[10], (32, 32))
    inp["l1_ab1"] = p(ks[11], (32,))
    inp["l1_aw2"] = p(ks[12], (32, 32))
    inp["l1_ab2"] = p(ks[13], (32,))
    # output layer: in=32, out=8
    inp["l2_lin"] = p(ks[14], (32, 8))
    inp["l2_lsrc"] = p(ks[15], (32, 8))
    inp["l2_ldst"] = p(ks[16], (32, 8))
    inp["l2_pw1"] = p(ks[17], (2, 32))
    inp["l2_pb1"] = p(ks[18], (32,))
    inp["l2_pw2"] = p(ks[19], (32, 8))
    inp["l2_pb2"] = p(ks[20], (8,))
    inp["l2_aw1"] = p(ks[21], (8, 32))
    inp["l2_ab1"] = p(ks[22], (32,))
    inp["l2_aw2"] = p(ks[23], (32, 8))
    inp["l2_ab2"] = p(ks[24], (8,))
    return inp


def reference(x, pos, edge_index, l1_lin, l1_lsrc, l1_ldst, l1_pw1, l1_pb1, l1_pw2, l1_pb2, l1_aw1, l1_ab1, l1_aw2, l1_ab2, l2_lin, l2_lsrc, l2_ldst, l2_pw1, l2_pb1, l2_pw2, l2_pb2, l2_aw1, l2_ab1, l2_aw2, l2_ab2):
    n = x.shape[0]
    loops = jnp.arange(n, dtype=edge_index.dtype)
    src = jnp.concatenate([edge_index[0], loops])
    dst = jnp.concatenate([edge_index[1], loops])
    h = ptconv(x, pos, src, dst, n, l1_lin, l1_lsrc, l1_ldst, l1_pw1, l1_pb1, l1_pw2, l1_pb2, l1_aw1, l1_ab1, l1_aw2, l1_ab2)
    h = jax.nn.relu(h)
    out = ptconv(h, pos, src, dst, n, l2_lin, l2_lsrc, l2_ldst, l2_pw1, l2_pb1, l2_pw2, l2_pb2, l2_aw1, l2_ab1, l2_aw2, l2_ab2)
    return out

if __name__ == "__main__":
    import jax
    _d = setup_inputs()
    print(jax.jit(kernel)(*tuple(_d.values())))

</pallas_src>

<mosaic_0001>
#map = affine_map<(d0, d1) -> (0)>
#map1 = affine_map<(d0, d1) -> (0, 0)>
module attributes {stable_mosaic.version = 14 : i64} {
  func.func @gk(%arg0: i32, %arg1: i32, %arg2: memref<802816xi32, #tpu.memory_space<hbm>>, %arg3: memref<802816xi32, #tpu.memory_space<hbm>>, %arg4: memref<50000x128xf32, #tpu.memory_space<hbm>>, %arg5: memref<50000x128xf32, #tpu.memory_space<hbm>>, %arg6: memref<802816x128xf32, #tpu.memory_space<hbm>>, %arg7: memref<128xi32, #tpu.memory_space<vmem>>, %arg8: memref<128xi32, #tpu.memory_space<vmem>>, %arg9: memref<128x128xf32, #tpu.memory_space<vmem>>, %arg10: memref<128x128xf32, #tpu.memory_space<vmem>>, %arg11: memref<!tpu.dma_semaphore, #tpu.memory_space<semaphore_mem>>, %arg12: memref<!tpu.dma_semaphore, #tpu.memory_space<semaphore_mem>>) attributes {dimension_semantics = [#tpu.dimension_semantics<core_parallel>, #tpu.dimension_semantics<subcore_parallel>], iteration_bounds = array<i64: 2, 16>, scalar_prefetch = 0 : i64, scratch_operands = 6 : i64, tpu.core_type = #tpu.core_type<sc_vector_subcore>, window_params = [{transform_indices = #map}, {transform_indices = #map}, {transform_indices = #map1}, {transform_indices = #map1}, {transform_indices = #map1}]} {
    %mul3A = arith.constant 2 : i32
    %mul3A_0 = arith.muli %arg1, %mul3A : i32
    %add3A = arith.addi %mul3A_0, %arg0 : i32
    %mul3A_1 = arith.constant 25088 : i32
    %mul3A_2 = arith.muli %add3A, %mul3A_1 : i32
    %scan3A = arith.constant 0 : i32
    %scan3A_3 = arith.constant 0 : i32
    %scan3A_4 = arith.constant 196 : i32
    %scan3A_5 = arith.addi %scan3A_3, %scan3A_4 : i32
    %scan3A_6 = arith.constant 1 : i32
    scf.for %scan3A_8 = %scan3A_3 to %scan3A_5 step %scan3A_6  : i32 {
      %mul3A_9 = arith.constant 128 : i32
      %mul3A_10 = arith.muli %scan3A_8, %mul3A_9 : i32
      %add3A_11 = arith.addi %mul3A_2, %mul3A_10 : i32
      "tpu.region"() ({
        %run_scoped3A = tpu.sem_alloc : memref<!tpu.dma_semaphore, #tpu.memory_space<semaphore_mem>>
        %dma_start3A_28 = tpu.memref_slice %arg2[%add3A_11] : memref<802816xi32, #tpu.memory_space<hbm>> -> memref<128xi32, #tpu.memory_space<hbm>>
        %dma_start3A_29 = tpu.memref_slice %arg2[%add3A_11] : memref<802816xi32, #tpu.memory_space<hbm>> -> memref<128xi32, #tpu.memory_space<hbm>>
        tpu.enqueue_dma source(%dma_start3A_29 : memref<128xi32, #tpu.memory_space<hbm>>) target(%arg7 : memref<128xi32, #tpu.memory_space<vmem>>) target_semaphore(%run_scoped3A : memref<!tpu.dma_semaphore, #tpu.memory_space<semaphore_mem>>)
        %dma_wait3A_30 = tpu.memref_slice %arg2[%add3A_11] : memref<802816xi32, #tpu.memory_space<hbm>> -> memref<128xi32, #tpu.memory_space<hbm>>
        %dma_wait3A_31 = tpu.memref_slice %arg2[%add3A_11] : memref<802816xi32, #tpu.memory_space<hbm>> -> memref<128xi32, #tpu.memory_space<hbm>>
        tpu.wait_dma2 semaphore(%run_scoped3A : memref<!tpu.dma_semaphore, #tpu.memory_space<semaphore_mem>>) src(%dma_wait3A_31 : memref<128xi32, #tpu.memory_space<hbm>>) dst(%arg7 : memref<128xi32, #tpu.memory_space<vmem>>)
        tpu.yield
      }) : () -> ()
      "tpu.region"() ({
        %run_scoped3A = tpu.sem_alloc : memref<!tpu.dma_semaphore, #tpu.memory_space<semaphore_mem>>
        %dma_start3A_28 = tpu.memref_slice %arg3[%add3A_11] : memref<802816xi32, #tpu.memory_space<hbm>> -> memref<128xi32, #tpu.memory_space<hbm>>
        %dma_start3A_29 = tpu.memref_slice %arg3[%add3A_11] : memref<802816xi32, #tpu.memory_space<hbm>> -> memref<128xi32, #tpu.memory_space<hbm>>
        tpu.enqueue_dma source(%dma_start3A_29 : memref<128xi32, #tpu.memory_space<hbm>>) target(%arg8 : memref<128xi32, #tpu.memory_space<vmem>>) target_semaphore(%run_scoped3A : memref<!tpu.dma_semaphore, #tpu.memory_space<semaphore_mem>>)
        %dma_wait3A_30 = tpu.memref_slice %arg3[%add3A_11] : memref<802816xi32, #tpu.memory_space<hbm>> -> memref<128xi32, #tpu.memory_space<hbm>>
        %dma_wait3A_31 = tpu.memref_slice %arg3[%add3A_11] : memref<802816xi32, #tpu.memory_space<hbm>> -> memref<128xi32, #tpu.memory_space<hbm>>
        tpu.wait_dma2 semaphore(%run_scoped3A : memref<!tpu.dma_semaphore, #tpu.memory_space<semaphore_mem>>) src(%dma_wait3A_31 : memref<128xi32, #tpu.memory_space<hbm>>) dst(%arg8 : memref<128xi32, #tpu.memory_space<vmem>>)
        tpu.yield
      }) : () -> ()
      %dma_start3A = arith.constant 0 : i32
      %dma_start3A_12 = arith.constant 0 : i32
      %dma_start3A_13 = tpu.memref_slice %arg4[%dma_start3A, %dma_start3A_12] : memref<50000x128xf32, #tpu.memory_space<hbm>> -> memref<50000x128xf32, #tpu.memory_space<hbm>>
      tpu.enqueue_indirect_dma source(%dma_start3A_13 : memref<50000x128xf32, #tpu.memory_space<hbm>>) target(%arg9 : memref<128x128xf32, #tpu.memory_space<vmem>>) offsets(%arg7 : memref<128xi32, #tpu.memory_space<vmem>>) semaphore(%arg11 : memref<!tpu.dma_semaphore, #tpu.memory_space<semaphore_mem>>)
      %dma_start3A_14 = arith.constant 0 : i32
      %dma_start3A_15 = arith.constant 0 : i32
      %dma_start3A_16 = tpu.memref_slice %arg5[%dma_start3A_14, %dma_start3A_15] : memref<50000x128xf32, #tpu.memory_space<hbm>> -> memref<50000x128xf32, #tpu.memory_space<hbm>>
      tpu.enqueue_indirect_dma source(%dma_start3A_16 : memref<50000x128xf32, #tpu.memory_space<hbm>>) target(%arg10 : memref<128x128xf32, #tpu.memory_space<vmem>>) offsets(%arg8 : memref<128xi32, #tpu.memory_space<vmem>>) semaphore(%arg12 : memref<!tpu.dma_semaphore, #tpu.memory_space<semaphore_mem>>)
      %dma_wait3A = arith.constant 0 : i32
      %dma_wait3A_17 = arith.constant 0 : i32
      %dma_wait3A_18 = tpu.memref_slice %arg4[%dma_wait3A, %dma_wait3A_17] : memref<50000x128xf32, #tpu.memory_space<hbm>> -> memref<50000x128xf32, #tpu.memory_space<hbm>>
      tpu.wait_indirect_dma semaphore(%arg11 : memref<!tpu.dma_semaphore, #tpu.memory_space<semaphore_mem>>) src(%dma_wait3A_18 : memref<50000x128xf32, #tpu.memory_space<hbm>>) dst(%arg9 : memref<128x128xf32, #tpu.memory_space<vmem>>)
      %dma_wait3A_19 = arith.constant 0 : i32
      %dma_wait3A_20 = arith.constant 0 : i32
      %dma_wait3A_21 = tpu.memref_slice %arg5[%dma_wait3A_19, %dma_wait3A_20] : memref<50000x128xf32, #tpu.memory_space<hbm>> -> memref<50000x128xf32, #tpu.memory_space<hbm>>
      tpu.wait_indirect_dma semaphore(%arg12 : memref<!tpu.dma_semaphore, #tpu.memory_space<semaphore_mem>>) src(%dma_wait3A_21 : memref<50000x128xf32, #tpu.memory_space<hbm>>) dst(%arg10 : memref<128x128xf32, #tpu.memory_space<vmem>>)
      %scan3A_22 = arith.constant 0 : i32
      %scan3A_23 = arith.constant 0 : i32
      %scan3A_24 = arith.constant 128 : i32
      %scan3A_25 = arith.addi %scan3A_23, %scan3A_24 : i32
      %scan3A_26 = arith.constant 1 : i32
      scf.for %scan3A_28 = %scan3A_23 to %scan3A_25 step %scan3A_26  : i32 {
        %get3A = arith.index_cast %scan3A_28 : i32 to index
        %get3A_29 = arith.constant 0 : index
        %get3A_30 = tpu.vector_load %arg10[%get3A, %get3A_29] {strides = array<i32>} : memref<128x128xf32, #tpu.memory_space<vmem>>, vector<1x16xf32>,
        %get3A_31 = vector.shape_cast %get3A_30 : vector<1x16xf32> to vector<16xf32>
        %swap3A = arith.index_cast %scan3A_28 : i32 to index
        %swap3A_32 = arith.constant 80 : index
        %swap3A_33 = tpu.vector_load %arg9[%swap3A, %swap3A_32] {strides = array<i32>} : memref<128x128xf32, #tpu.memory_space<vmem>>, vector<1x16xf32>,
        %swap3A_34 = vector.shape_cast %swap3A_33 : vector<1x16xf32> to vector<16xf32>
        %swap3A_35 = vector.shape_cast %get3A_31 : vector<16xf32> to vector<1x16xf32>
        tpu.vector_store %arg9[%swap3A, %swap3A_32], %swap3A_35 {strides = array<i32>} : memref<128x128xf32, #tpu.memory_space<vmem>>, vector<1x16xf32>,
        %get3A_36 = arith.index_cast %scan3A_28 : i32 to index
        %get3A_37 = arith.constant 16 : index
        %get3A_38 = tpu.vector_load %arg10[%get3A_36, %get3A_37] {strides = array<i32>} : memref<128x128xf32, #tpu.memory_space<vmem>>, vector<1x16xf32>,
        %get3A_39 = vector.shape_cast %get3A_38 : vector<1x16xf32> to vector<16xf32>
        %swap3A_40 = arith.index_cast %scan3A_28 : i32 to index
        %swap3A_41 = arith.constant 96 : index
        %swap3A_42 = tpu.vector_load %arg9[%swap3A_40, %swap3A_41] {strides = array<i32>} : memref<128x128xf32, #tpu.memory_space<vmem>>, vector<1x16xf32>,
        %swap3A_43 = vector.shape_cast %swap3A_42 : vector<1x16xf32> to vector<16xf32>
        %swap3A_44 = vector.shape_cast %get3A_39 : vector<16xf32> to vector<1x16xf32>
        tpu.vector_store %arg9[%swap3A_40, %swap3A_41], %swap3A_44 {strides = array<i32>} : memref<128x128xf32, #tpu.memory_space<vmem>>, vector<1x16xf32>,
        %get3A_45 = arith.index_cast %scan3A_28 : i32 to index
        %get3A_46 = arith.constant 32 : index
        %get3A_47 = tpu.vector_load %arg10[%get3A_45, %get3A_46] {strides = array<i32>} : memref<128x128xf32, #tpu.memory_space<vmem>>, vector<1x16xf32>,
        %get3A_48 = vector.shape_cast %get3A_47 : vector<1x16xf32> to vector<16xf32>
        %swap3A_49 = arith.index_cast %scan3A_28 : i32 to index
        %swap3A_50 = arith.constant 112 : index
        %swap3A_51 = tpu.vector_load %arg9[%swap3A_49, %swap3A_50] {strides = array<i32>} : memref<128x128xf32, #tpu.memory_space<vmem>>, vector<1x16xf32>,
        %swap3A_52 = vector.shape_cast %swap3A_51 : vector<1x16xf32> to vector<16xf32>
        %swap3A_53 = vector.shape_cast %get3A_48 : vector<16xf32> to vector<1x16xf32>
        tpu.vector_store %arg9[%swap3A_49, %swap3A_50], %swap3A_53 {strides = array<i32>} : memref<128x128xf32, #tpu.memory_space<vmem>>, vector<1x16xf32>,
      }
      %scan3A_27 = arith.constant 128 : i32
      "tpu.region"() ({
        %run_scoped3A = tpu.sem_alloc : memref<!tpu.dma_semaphore, #tpu.memory_space<semaphore_mem>>
        %dma_start3A_28 = arith.constant 0 : i32
        %dma_start3A_29 = tpu.memref_slice %arg6[%add3A_11, %dma_start3A_28] : memref<802816x128xf32, #tpu.memory_space<hbm>> -> memref<128x128xf32, #tpu.memory_space<hbm>>
        %dma_start3A_30 = arith.constant 0 : i32
        %dma_start3A_31 = tpu.memref_slice %arg6[%add3A_11, %dma_start3A_30] : memref<802816x128xf32, #tpu.memory_space<hbm>> -> memref<128x128xf32, #tpu.memory_space<hbm>>
        tpu.enqueue_dma source(%arg9 : memref<128x128xf32, #tpu.memory_space<vmem>>) target(%dma_start3A_31 : memref<128x128xf32, #tpu.memory_space<hbm>>) target_semaphore(%run_scoped3A : memref<!tpu.dma_semaphore, #tpu.memory_space<semaphore_mem>>)
        %dma_wait3A_32 = arith.constant 0 : i32
        %dma_wait3A_33 = tpu.memref_slice %arg6[%add3A_11, %dma_wait3A_32] : memref<802816x128xf32, #tpu.memory_space<hbm>> -> memref<128x128xf32, #tpu.memory_space<hbm>>
        %dma_wait3A_34 = arith.constant 0 : i32
        %dma_wait3A_35 = tpu.memref_slice %arg6[%add3A_11, %dma_wait3A_34] : memref<802816x128xf32, #tpu.memory_space<hbm>> -> memref<128x128xf32, #tpu.memory_space<hbm>>
        tpu.wait_dma2 semaphore(%run_scoped3A : memref<!tpu.dma_semaphore, #tpu.memory_space<semaphore_mem>>) src(%arg9 : memref<128x128xf32, #tpu.memory_space<vmem>>) dst(%dma_wait3A_35 : memref<128x128xf32, #tpu.memory_space<hbm>>)
        tpu.yield
      }) : () -> ()
    }
    %scan3A_7 = arith.constant 196 : i32
    return
  }
}

#map = affine_map<(d0, d1) -> (0)>
#map1 = affine_map<(d0, d1) -> (0, 0)>
module attributes {stable_mosaic.version = 14 : i64} {
  func.func @gk(%arg0: i32, %arg1: i32, %arg2: memref<802816xi32, #tpu.memory_space<hbm>>, %arg3: memref<802816xi32, #tpu.memory_space<hbm>>, %arg4: memref<50000x128xf32, #tpu.memory_space<hbm>>, %arg5: memref<50000x128xf32, #tpu.memory_space<hbm>>, %arg6: memref<802816x128xf32, #tpu.memory_space<hbm>>, %arg7: memref<128xi32, #tpu.memory_space<vmem>>, %arg8: memref<128xi32, #tpu.memory_space<vmem>>, %arg9: memref<128x128xf32, #tpu.memory_space<vmem>>, %arg10: memref<128x128xf32, #tpu.memory_space<vmem>>, %arg11: memref<!tpu.dma_semaphore, #tpu.memory_space<semaphore_mem>>, %arg12: memref<!tpu.dma_semaphore, #tpu.memory_space<semaphore_mem>>) attributes {dimension_semantics = [#tpu.dimension_semantics<core_parallel>, #tpu.dimension_semantics<subcore_parallel>], iteration_bounds = array<i64: 2, 16>, scalar_prefetch = 0 : i64, scratch_operands = 6 : i64, tpu.core_type = #tpu.core_type<sc_vector_subcore>, window_params = [{transform_indices = #map}, {transform_indices = #map}, {transform_indices = #map1}, {transform_indices = #map1}, {transform_indices = #map1}]} {
    %mul3A = arith.constant 2 : i32
    %mul3A_0 = arith.muli %arg1, %mul3A : i32
    %add3A = arith.addi %mul3A_0, %arg0 : i32
    %mul3A_1 = arith.constant 25088 : i32
    %mul3A_2 = arith.muli %add3A, %mul3A_1 : i32
    %scan3A = arith.constant 0 : i32
    %scan3A_3 = arith.constant 0 : i32
    %scan3A_4 = arith.constant 196 : i32
    %scan3A_5 = arith.addi %scan3A_3, %scan3A_4 : i32
    %scan3A_6 = arith.constant 1 : i32
    scf.for %scan3A_8 = %scan3A_3 to %scan3A_5 step %scan3A_6  : i32 {
      %mul3A_9 = arith.constant 128 : i32
      %mul3A_10 = arith.muli %scan3A_8, %mul3A_9 : i32
      %add3A_11 = arith.addi %mul3A_2, %mul3A_10 : i32
      "tpu.region"() ({
        %run_scoped3A = tpu.sem_alloc : memref<!tpu.dma_semaphore, #tpu.memory_space<semaphore_mem>>
        %dma_start3A_28 = tpu.memref_slice %arg2[%add3A_11] : memref<802816xi32, #tpu.memory_space<hbm>> -> memref<128xi32, #tpu.memory_space<hbm>>
        %dma_start3A_29 = tpu.memref_slice %arg2[%add3A_11] : memref<802816xi32, #tpu.memory_space<hbm>> -> memref<128xi32, #tpu.memory_space<hbm>>
        tpu.enqueue_dma source(%dma_start3A_29 : memref<128xi32, #tpu.memory_space<hbm>>) target(%arg7 : memref<128xi32, #tpu.memory_space<vmem>>) target_semaphore(%run_scoped3A : memref<!tpu.dma_semaphore, #tpu.memory_space<semaphore_mem>>)
        %dma_wait3A_30 = tpu.memref_slice %arg2[%add3A_11] : memref<802816xi32, #tpu.memory_space<hbm>> -> memref<128xi32, #tpu.memory_space<hbm>>
        %dma_wait3A_31 = tpu.memref_slice %arg2[%add3A_11] : memref<802816xi32, #tpu.memory_space<hbm>> -> memref<128xi32, #tpu.memory_space<hbm>>
        tpu.wait_dma2 semaphore(%run_scoped3A : memref<!tpu.dma_semaphore, #tpu.memory_space<semaphore_mem>>) src(%dma_wait3A_31 : memref<128xi32, #tpu.memory_space<hbm>>) dst(%arg7 : memref<128xi32, #tpu.memory_space<vmem>>)
        tpu.yield
      }) : () -> ()
      "tpu.region"() ({
        %run_scoped3A = tpu.sem_alloc : memref<!tpu.dma_semaphore, #tpu.memory_space<semaphore_mem>>
        %dma_start3A_28 = tpu.memref_slice %arg3[%add3A_11] : memref<802816xi32, #tpu.memory_space<hbm>> -> memref<128xi32, #tpu.memory_space<hbm>>
        %dma_start3A_29 = tpu.memref_slice %arg3[%add3A_11] : memref<802816xi32, #tpu.memory_space<hbm>> -> memref<128xi32, #tpu.memory_space<hbm>>
        tpu.enqueue_dma source(%dma_start3A_29 : memref<128xi32, #tpu.memory_space<hbm>>) target(%arg8 : memref<128xi32, #tpu.memory_space<vmem>>) target_semaphore(%run_scoped3A : memref<!tpu.dma_semaphore, #tpu.memory_space<semaphore_mem>>)
        %dma_wait3A_30 = tpu.memref_slice %arg3[%add3A_11] : memref<802816xi32, #tpu.memory_space<hbm>> -> memref<128xi32, #tpu.memory_space<hbm>>
        %dma_wait3A_31 = tpu.memref_slice %arg3[%add3A_11] : memref<802816xi32, #tpu.memory_space<hbm>> -> memref<128xi32, #tpu.memory_space<hbm>>
        tpu.wait_dma2 semaphore(%run_scoped3A : memref<!tpu.dma_semaphore, #tpu.memory_space<semaphore_mem>>) src(%dma_wait3A_31 : memref<128xi32, #tpu.memory_space<hbm>>) dst(%arg8 : memref<128xi32, #tpu.memory_space<vmem>>)
        tpu.yield
      }) : () -> ()
      %dma_start3A = arith.constant 0 : i32
      %dma_start3A_12 = arith.constant 0 : i32
      %dma_start3A_13 = tpu.memref_slice %arg4[%dma_start3A, %dma_start3A_12] : memref<50000x128xf32, #tpu.memory_space<hbm>> -> memref<50000x128xf32, #tpu.memory_space<hbm>>
      tpu.enqueue_indirect_dma source(%dma_start3A_13 : memref<50000x128xf32, #tpu.memory_space<hbm>>) target(%arg9 : memref<128x128xf32, #tpu.memory_space<vmem>>) offsets(%arg7 : memref<128xi32, #tpu.memory_space<vmem>>) semaphore(%arg11 : memref<!tpu.dma_semaphore, #tpu.memory_space<semaphore_mem>>)
      %dma_start3A_14 = arith.constant 0 : i32
      %dma_start3A_15 = arith.constant 0 : i32
      %dma_start3A_16 = tpu.memref_slice %arg5[%dma_start3A_14, %dma_start3A_15] : memref<50000x128xf32, #tpu.memory_space<hbm>> -> memref<50000x128xf32, #tpu.memory_space<hbm>>
      tpu.enqueue_indirect_dma source(%dma_start3A_16 : memref<50000x128xf32, #tpu.memory_space<hbm>>) target(%arg10 : memref<128x128xf32, #tpu.memory_space<vmem>>) offsets(%arg8 : memref<128xi32, #tpu.memory_space<vmem>>) semaphore(%arg12 : memref<!tpu.dma_semaphore, #tpu.memory_space<semaphore_mem>>)
      %dma_wait3A = arith.constant 0 : i32
      %dma_wait3A_17 = arith.constant 0 : i32
      %dma_wait3A_18 = tpu.memref_slice %arg4[%dma_wait3A, %dma_wait3A_17] : memref<50000x128xf32, #tpu.memory_space<hbm>> -> memref<50000x128xf32, #tpu.memory_space<hbm>>
      tpu.wait_indirect_dma semaphore(%arg11 : memref<!tpu.dma_semaphore, #tpu.memory_space<semaphore_mem>>) src(%dma_wait3A_18 : memref<50000x128xf32, #tpu.memory_space<hbm>>) dst(%arg9 : memref<128x128xf32, #tpu.memory_space<vmem>>)
      %dma_wait3A_19 = arith.constant 0 : i32
      %dma_wait3A_20 = arith.constant 0 : i32
      %dma_wait3A_21 = tpu.memref_slice %arg5[%dma_wait3A_19, %dma_wait3A_20] : memref<50000x128xf32, #tpu.memory_space<hbm>> -> memref<50000x128xf32, #tpu.memory_space<hbm>>
      tpu.wait_indirect_dma semaphore(%arg12 : memref<!tpu.dma_semaphore, #tpu.memory_space<semaphore_mem>>) src(%dma_wait3A_21 : memref<50000x128xf32, #tpu.memory_space<hbm>>) dst(%arg10 : memref<128x128xf32, #tpu.memory_space<vmem>>)
      %scan3A_22 = arith.constant 0 : i32
      %scan3A_23 = arith.constant 0 : i32
      %scan3A_24 = arith.constant 128 : i32
      %scan3A_25 = arith.addi %scan3A_23, %scan3A_24 : i32
      %scan3A_26 = arith.constant 1 : i32
      scf.for %scan3A_28 = %scan3A_23 to %scan3A_25 step %scan3A_26  : i32 {
        %get3A = arith.index_cast %scan3A_28 : i32 to index
        %get3A_29 = arith.constant 24 : index
        %get3A_30 = tpu.vector_load %arg10[%get3A, %get3A_29] {strides = array<i32>} : memref<128x128xf32, #tpu.memory_space<vmem>>, vector<1x16xf32>,
        %get3A_31 = vector.shape_cast %get3A_30 : vector<1x16xf32> to vector<16xf32>
        %swap3A = arith.index_cast %scan3A_28 : i32 to index
        %swap3A_32 = arith.constant 32 : index
        %swap3A_33 = tpu.vector_load %arg9[%swap3A, %swap3A_32] {strides = array<i32>} : memref<128x128xf32, #tpu.memory_space<vmem>>, vector<1x16xf32>,
        %swap3A_34 = vector.shape_cast %swap3A_33 : vector<1x16xf32> to vector<16xf32>
        %swap3A_35 = vector.shape_cast %get3A_31 : vector<16xf32> to vector<1x16xf32>
        tpu.vector_store %arg9[%swap3A, %swap3A_32], %swap3A_35 {strides = array<i32>} : memref<128x128xf32, #tpu.memory_space<vmem>>, vector<1x16xf32>,
      }
      %scan3A_27 = arith.constant 128 : i32
      "tpu.region"() ({
        %run_scoped3A = tpu.sem_alloc : memref<!tpu.dma_semaphore, #tpu.memory_space<semaphore_mem>>
        %dma_start3A_28 = arith.constant 0 : i32
        %dma_start3A_29 = tpu.memref_slice %arg6[%add3A_11, %dma_start3A_28] : memref<802816x128xf32, #tpu.memory_space<hbm>> -> memref<128x128xf32, #tpu.memory_space<hbm>>
        %dma_start3A_30 = arith.constant 0 : i32
        %dma_start3A_31 = tpu.memref_slice %arg6[%add3A_11, %dma_start3A_30] : memref<802816x128xf32, #tpu.memory_space<hbm>> -> memref<128x128xf32, #tpu.memory_space<hbm>>
        tpu.enqueue_dma source(%arg9 : memref<128x128xf32, #tpu.memory_space<vmem>>) target(%dma_start3A_31 : memref<128x128xf32, #tpu.memory_space<hbm>>) target_semaphore(%run_scoped3A : memref<!tpu.dma_semaphore, #tpu.memory_space<semaphore_mem>>)
        %dma_wait3A_32 = arith.constant 0 : i32
        %dma_wait3A_33 = tpu.memref_slice %arg6[%add3A_11, %dma_wait3A_32] : memref<802816x128xf32, #tpu.memory_space<hbm>> -> memref<128x128xf32, #tpu.memory_space<hbm>>
        %dma_wait3A_34 = arith.constant 0 : i32
        %dma_wait3A_35 = tpu.memref_slice %arg6[%add3A_11, %dma_wait3A_34] : memref<802816x128xf32, #tpu.memory_space<hbm>> -> memref<128x128xf32, #tpu.memory_space<hbm>>
        tpu.wait_dma2 semaphore(%run_scoped3A : memref<!tpu.dma_semaphore, #tpu.memory_space<semaphore_mem>>) src(%arg9 : memref<128x128xf32, #tpu.memory_space<vmem>>) dst(%dma_wait3A_35 : memref<128x128xf32, #tpu.memory_space<hbm>>)
        tpu.yield
      }) : () -> ()
    }
    %scan3A_7 = arith.constant 196 : i32
    return
  }
}

module attributes {stable_mosaic.version = 14 : i64} {
  func.func @_prep_body(%arg0: i32, %arg1: memref<400x32xf32, #tpu.memory_space<vmem>>, %arg2: memref<400x2xf32, #tpu.memory_space<vmem>>, %arg3: memref<32x32xf32, #tpu.memory_space<vmem>>, %arg4: memref<32x32xf32, #tpu.memory_space<vmem>>, %arg5: memref<32x32xf32, #tpu.memory_space<vmem>>, %arg6: memref<400x128xf32, #tpu.memory_space<vmem>>, %arg7: memref<400x128xf32, #tpu.memory_space<vmem>>) attributes {dimension_semantics = [#tpu.dimension_semantics<arbitrary>], iteration_bounds = array<i64: 125>, scalar_prefetch = 0 : i64, scratch_operands = 0 : i64, tpu.core_type = #tpu.core_type<tc>, window_params = [{transform_indices = @transform_0, window_bounds = array<i64: 400, 32>}, {transform_indices = @transform_1, window_bounds = array<i64: 400, 2>}, {pipeline_mode = #tpu.pipeline_mode<synchronous>, transform_indices = @transform_2, window_bounds = array<i64: 32, 32>}, {pipeline_mode = #tpu.pipeline_mode<synchronous>, transform_indices = @transform_3, window_bounds = array<i64: 32, 32>}, {pipeline_mode = #tpu.pipeline_mode<synchronous>, transform_indices = @transform_4, window_bounds = array<i64: 32, 32>}, {transform_indices = @transform_5, window_bounds = array<i64: 400, 128>}, {transform_indices = @transform_6, window_bounds = array<i64: 400, 128>}]} {
    %get3A = arith.constant 0 : index
    %get3A_0 = arith.constant 0 : index
    %get3A_1 = vector.load %arg1[%get3A, %get3A_0] : memref<400x32xf32, #tpu.memory_space<vmem>>, vector<400x32xf32>
    %get3A_2 = arith.constant 0 : index
    %get3A_3 = arith.constant 0 : index
    %get3A_4 = vector.load %arg2[%get3A_2, %get3A_3] : memref<400x2xf32, #tpu.memory_space<vmem>>, vector<400x2xf32>
    %get3A_5 = arith.constant 0 : index
    %get3A_6 = arith.constant 0 : index
    %get3A_7 = vector.load %arg3[%get3A_5, %get3A_6] : memref<32x32xf32, #tpu.memory_space<vmem>>, vector<32x32xf32>
    %dot_general3A = arith.constant dense<0.000000e+00> : vector<400x32xf32>
    %dot_general3A_8 = tpu.matmul %get3A_1, %get3A_7, %dot_general3A {dimension_numbers = #tpu.dot_dimension_numbers<[1], [0], [0], [1], [0, 0, 1, 1], [], []>, transpose_lhs_hint = false} : vector<400x32xf32>, vector<32x32xf32>, vector<400x32xf32> -> vector<400x32xf32>
    %get3A_9 = arith.constant 0 : index
    %get3A_10 = arith.constant 0 : index
    %get3A_11 = vector.load %arg4[%get3A_9, %get3A_10] : memref<32x32xf32, #tpu.memory_space<vmem>>, vector<32x32xf32>
    %dot_general3A_12 = arith.constant dense<0.000000e+00> : vector<400x32xf32>
    %dot_general3A_13 = tpu.matmul %get3A_1, %get3A_11, %dot_general3A_12 {dimension_numbers = #tpu.dot_dimension_numbers<[1], [0], [0], [1], [0, 0, 1, 1], [], []>, transpose_lhs_hint = false} : vector<400x32xf32>, vector<32x32xf32>, vector<400x32xf32> -> vector<400x32xf32>
    %get3A_14 = arith.constant 0 : index
    %get3A_15 = arith.constant 0 : index
    %get3A_16 = vector.load %arg5[%get3A_14, %get3A_15] : memref<32x32xf32, #tpu.memory_space<vmem>>, vector<32x32xf32>
    %dot_general3A_17 = arith.constant dense<0.000000e+00> : vector<400x32xf32>
    %dot_general3A_18 = tpu.matmul %get3A_1, %get3A_16, %dot_general3A_17 {dimension_numbers = #tpu.dot_dimension_numbers<[1], [0], [0], [1], [0, 0, 1, 1], [], []>, transpose_lhs_hint = false} : vector<400x32xf32>, vector<32x32xf32>, vector<400x32xf32> -> vector<400x32xf32>
    %broadcast_in_dim3A = arith.constant 0.000000e+00 : f32
    %broadcast_in_dim3A_19 = vector.broadcast %broadcast_in_dim3A : f32 to vector<400x62xf32>
    %broadcast_in_dim3A_20 = arith.constant 0.000000e+00 : f32
    %broadcast_in_dim3A_21 = vector.broadcast %broadcast_in_dim3A_20 : f32 to vector<400x94xf32>
    %concatenate3A = tpu.concatenate %dot_general3A_8, %dot_general3A_13, %get3A_4, %broadcast_in_dim3A_19 in 1 : vector<400x32xf32>, vector<400x32xf32>, vector<400x2xf32>, vector<400x62xf32> -> vector<400x128xf32>
    %swap3A = arith.constant 0 : index
    %swap3A_22 = arith.constant 0 : index
    %swap3A_23 = vector.load %arg6[%swap3A, %swap3A_22] : memref<400x128xf32, #tpu.memory_space<vmem>>, vector<400x128xf32>
    tpu.vector_store %arg6[%swap3A, %swap3A_22], %concatenate3A {strides = array<i32>} : memref<400x128xf32, #tpu.memory_space<vmem>>, vector<400x128xf32>,
    %concatenate3A_24 = tpu.concatenate %dot_general3A_18, %get3A_4, %broadcast_in_dim3A_21 in 1 : vector<400x32xf32>, vector<400x2xf32>, vector<400x94xf32> -> vector<400x128xf32>
    %swap3A_25 = arith.constant 0 : index
    %swap3A_26 = arith.constant 0 : index
    %swap3A_27 = vector.load %arg7[%swap3A_25, %swap3A_26] : memref<400x128xf32, #tpu.memory_space<vmem>>, vector<400x128xf32>
    tpu.vector_store %arg7[%swap3A_25, %swap3A_26], %concatenate3A_24 {strides = array<i32>} : memref<400x128xf32, #tpu.memory_space<vmem>>, vector<400x128xf32>,
    return
  }
  func.func @transform_0(%arg0: i32) -> (i32, i32) {
    %c0_i32 = arith.constant 0 : i32
    %c0_i32_0 = arith.constant 0 : i32
    return %arg0, %c0_i32 : i32, i32
  }
  func.func @transform_1(%arg0: i32) -> (i32, i32) {
    %c0_i32 = arith.constant 0 : i32
    %c0_i32_0 = arith.constant 0 : i32
    return %arg0, %c0_i32 : i32, i32
  }
  func.func @transform_2(%arg0: i32) -> (i32, i32) {
    %c0_i32 = arith.constant 0 : i32
    %c0_i32_0 = arith.constant 0 : i32
    %c0_i32_1 = arith.constant 0 : i32
    return %c0_i32, %c0_i32_0 : i32, i32
  }
  func.func @transform_3(%arg0: i32) -> (i32, i32) {
    %c0_i32 = arith.constant 0 : i32
    %c0_i32_0 = arith.constant 0 : i32
    %c0_i32_1 = arith.constant 0 : i32
    return %c0_i32, %c0_i32_0 : i32, i32
  }
  func.func @transform_4(%arg0: i32) -> (i32, i32) {
    %c0_i32 = arith.constant 0 : i32
    %c0_i32_0 = arith.constant 0 : i32
    %c0_i32_1 = arith.constant 0 : i32
    return %c0_i32, %c0_i32_0 : i32, i32
  }
  func.func @transform_5(%arg0: i32) -> (i32, i32) {
    %c0_i32 = arith.constant 0 : i32
    %c0_i32_0 = arith.constant 0 : i32
    return %arg0, %c0_i32 : i32, i32
  }
  func.func @transform_6(%arg0: i32) -> (i32, i32) {
    %c0_i32 = arith.constant 0 : i32
    %c0_i32_0 = arith.constant 0 : i32
    return %arg0, %c0_i32 : i32, i32
  }
}

module attributes {stable_mosaic.version = 14 : i64} {
  func.func @_mid_body(%arg0: i32, %arg1: memref<2048x128xf32, #tpu.memory_space<vmem>>, %arg2: memref<2x32xf32, #tpu.memory_space<vmem>>, %arg3: memref<32xf32, #tpu.memory_space<vmem>>, %arg4: memref<32x32xf32, #tpu.memory_space<vmem>>, %arg5: memref<32xf32, #tpu.memory_space<vmem>>, %arg6: memref<32x32xf32, #tpu.memory_space<vmem>>, %arg7: memref<32xf32, #tpu.memory_space<vmem>>, %arg8: memref<32x32xf32, #tpu.memory_space<vmem>>, %arg9: memref<32xf32, #tpu.memory_space<vmem>>, %arg10: memref<2048x64xf32, #tpu.memory_space<vmem>>) attributes {dimension_semantics = [#tpu.dimension_semantics<arbitrary>], iteration_bounds = array<i64: 392>, scalar_prefetch = 0 : i64, scratch_operands = 0 : i64, tpu.core_type = #tpu.core_type<tc>, window_params = [{transform_indices = @transform_0, window_bounds = array<i64: 2048, 128>}, {pipeline_mode = #tpu.pipeline_mode<synchronous>, transform_indices = @transform_1, window_bounds = array<i64: 2, 32>}, {pipeline_mode = #tpu.pipeline_mode<synchronous>, transform_indices = @transform_2, window_bounds = array<i64: 32>}, {pipeline_mode = #tpu.pipeline_mode<synchronous>, transform_indices = @transform_3, window_bounds = array<i64: 32, 32>}, {pipeline_mode = #tpu.pipeline_mode<synchronous>, transform_indices = @transform_4, window_bounds = array<i64: 32>}, {pipeline_mode = #tpu.pipeline_mode<synchronous>, transform_indices = @transform_5, window_bounds = array<i64: 32, 32>}, {pipeline_mode = #tpu.pipeline_mode<synchronous>, transform_indices = @transform_6, window_bounds = array<i64: 32>}, {pipeline_mode = #tpu.pipeline_mode<synchronous>, transform_indices = @transform_7, window_bounds = array<i64: 32, 32>}, {pipeline_mode = #tpu.pipeline_mode<synchronous>, transform_indices = @transform_8, window_bounds = array<i64: 32>}, {transform_indices = @transform_9, window_bounds = array<i64: 2048, 64>}]} {
    %get3A = arith.constant 0 : index
    %get3A_0 = arith.constant 0 : index
    %get3A_1 = vector.load %arg1[%get3A, %get3A_0] : memref<2048x128xf32, #tpu.memory_space<vmem>>, vector<2048x128xf32>
    %slice3A = vector.extract_strided_slice %get3A_1 {offsets = [0, 0], sizes = [2048, 32], strides = [1, 1]} : vector<2048x128xf32> to vector<2048x32xf32>
    %slice3A_2 = vector.extract_strided_slice %get3A_1 {offsets = [0, 32], sizes = [2048, 32], strides = [1, 1]} : vector<2048x128xf32> to vector<2048x32xf32>
    %slice3A_3 = vector.extract_strided_slice %get3A_1 {offsets = [0, 64], sizes = [2048, 2], strides = [1, 1]} : vector<2048x128xf32> to vector<2048x2xf32>
    %slice3A_4 = vector.extract_strided_slice %get3A_1 {offsets = [0, 80], sizes = [2048, 32], strides = [1, 1]} : vector<2048x128xf32> to vector<2048x32xf32>
    %slice3A_5 = vector.extract_strided_slice %get3A_1 {offsets = [0, 112], sizes = [2048, 2], strides = [1, 1]} : vector<2048x128xf32> to vector<2048x2xf32>
    %sub3A = arith.subf %slice3A_5, %slice3A_3 : vector<2048x2xf32>
    %get3A_6 = arith.constant 0 : index
    %get3A_7 = arith.constant 0 : index
    %get3A_8 = vector.load %arg2[%get3A_6, %get3A_7] : memref<2x32xf32, #tpu.memory_space<vmem>>, vector<2x32xf32>
    %dot_general3A = arith.constant dense<0.000000e+00> : vector<2048x32xf32>
    %dot_general3A_9 = tpu.matmul %sub3A, %get3A_8, %dot_general3A {dimension_numbers = #tpu.dot_dimension_numbers<[1], [0], [0], [1], [0, 0, 1, 1], [], []>, transpose_lhs_hint = false} : vector<2048x2xf32>, vector<2x32xf32>, vector<2048x32xf32> -> vector<2048x32xf32>
    %get3A_10 = arith.constant 0 : index
    %get3A_11 = vector.load %arg3[%get3A_10] : memref<32xf32, #tpu.memory_space<vmem>>, vector<32xf32>
    %broadcast_in_dim3A = vector.shape_cast %get3A_11 : vector<32xf32> to vector<1x32xf32>
    %add3A = vector.broadcast %broadcast_in_dim3A : vector<1x32xf32> to vector<2048x32xf32>
    %add3A_12 = arith.addf %dot_general3A_9, %add3A : vector<2048x32xf32>
    %max3A = arith.constant 0.000000e+00 : f32
    %max3A_13 = vector.broadcast %max3A : f32 to vector<2048x32xf32>
    %max3A_14 = arith.maximumf %add3A_12, %max3A_13 : vector<2048x32xf32>
    %get3A_15 = arith.constant 0 : index
    %get3A_16 = arith.constant 0 : index
    %get3A_17 = vector.load %arg4[%get3A_15, %get3A_16] : memref<32x32xf32, #tpu.memory_space<vmem>>, vector<32x32xf32>
    %dot_general3A_18 = arith.constant dense<0.000000e+00> : vector<2048x32xf32>
    %dot_general3A_19 = tpu.matmul %max3A_14, %get3A_17, %dot_general3A_18 {dimension_numbers = #tpu.dot_dimension_numbers<[1], [0], [0], [1], [0, 0, 1, 1], [], []>, transpose_lhs_hint = false} : vector<2048x32xf32>, vector<32x32xf32>, vector<2048x32xf32> -> vector<2048x32xf32>
    %get3A_20 = arith.constant 0 : index
    %get3A_21 = vector.load %arg5[%get3A_20] : memref<32xf32, #tpu.memory_space<vmem>>, vector<32xf32>
    %broadcast_in_dim3A_22 = vector.shape_cast %get3A_21 : vector<32xf32> to vector<1x32xf32>
    %add3A_23 = vector.broadcast %broadcast_in_dim3A_22 : vector<1x32xf32> to vector<2048x32xf32>
    %add3A_24 = arith.addf %dot_general3A_19, %add3A_23 : vector<2048x32xf32>
    %sub3A_25 = arith.subf %slice3A_4, %slice3A_2 : vector<2048x32xf32>
    %add3A_26 = arith.addf %sub3A_25, %add3A_24 : vector<2048x32xf32>
    %get3A_27 = arith.constant 0 : index
    %get3A_28 = arith.constant 0 : index
    %get3A_29 = vector.load %arg6[%get3A_27, %get3A_28] : memref<32x32xf32, #tpu.memory_space<vmem>>, vector<32x32xf32>
    %dot_general3A_30 = arith.constant dense<0.000000e+00> : vector<2048x32xf32>
    %dot_general3A_31 = tpu.matmul %add3A_26, %get3A_29, %dot_general3A_30 {dimension_numbers = #tpu.dot_dimension_numbers<[1], [0], [0], [1], [0, 0, 1, 1], [], []>, transpose_lhs_hint = false} : vector<2048x32xf32>, vector<32x32xf32>, vector<2048x32xf32> -> vector<2048x32xf32>
    %get3A_32 = arith.constant 0 : index
    %get3A_33 = vector.load %arg7[%get3A_32] : memref<32xf32, #tpu.memory_space<vmem>>, vector<32xf32>
    %broadcast_in_dim3A_34 = vector.shape_cast %get3A_33 : vector<32xf32> to vector<1x32xf32>
    %add3A_35 = vector.broadcast %broadcast_in_dim3A_34 : vector<1x32xf32> to vector<2048x32xf32>
    %add3A_36 = arith.addf %dot_general3A_31, %add3A_35 : vector<2048x32xf32>
    %max3A_37 = arith.constant 0.000000e+00 : f32
    %max3A_38 = vector.broadcast %max3A_37 : f32 to vector<2048x32xf32>
    %max3A_39 = arith.maximumf %add3A_36, %max3A_38 : vector<2048x32xf32>
    %get3A_40 = arith.constant 0 : index
    %get3A_41 = arith.constant 0 : index
    %get3A_42 = vector.load %arg8[%get3A_40, %get3A_41] : memref<32x32xf32, #tpu.memory_space<vmem>>, vector<32x32xf32>
    %dot_general3A_43 = arith.constant dense<0.000000e+00> : vector<2048x32xf32>
    %dot_general3A_44 = tpu.matmul %max3A_39, %get3A_42, %dot_general3A_43 {dimension_numbers = #tpu.dot_dimension_numbers<[1], [0], [0], [1], [0, 0, 1, 1], [], []>, transpose_lhs_hint = false} : vector<2048x32xf32>, vector<32x32xf32>, vector<2048x32xf32> -> vector<2048x32xf32>
    %get3A_45 = arith.constant 0 : index
    %get3A_46 = vector.load %arg9[%get3A_45] : memref<32xf32, #tpu.memory_space<vmem>>, vector<32xf32>
    %broadcast_in_dim3A_47 = vector.shape_cast %get3A_46 : vector<32xf32> to vector<1x32xf32>
    %add3A_48 = vector.broadcast %broadcast_in_dim3A_47 : vector<1x32xf32> to vector<2048x32xf32>
    %add3A_49 = arith.addf %dot_general3A_44, %add3A_48 : vector<2048x32xf32>
    %exp3A = math.exp %add3A_49 : vector<2048x32xf32>
    %add3A_50 = arith.addf %slice3A, %add3A_24 : vector<2048x32xf32>
    %mul3A = arith.mulf %exp3A, %add3A_50 : vector<2048x32xf32>
    %concatenate3A = tpu.concatenate %mul3A, %exp3A in 1 : vector<2048x32xf32>, vector<2048x32xf32> -> vector<2048x64xf32>
    %swap3A = arith.constant 0 : index
    %swap3A_51 = arith.constant 0 : index
    %swap3A_52 = vector.load %arg10[%swap3A, %swap3A_51] : memref<2048x64xf32, #tpu.memory_space<vmem>>, vector<2048x64xf32>
    tpu.vector_store %arg10[%swap3A, %swap3A_51], %concatenate3A {strides = array<i32>} : memref<2048x64xf32, #tpu.memory_space<vmem>>, vector<2048x64xf32>,
    return
  }
  func.func @transform_0(%arg0: i32) -> (i32, i32) {
    %c0_i32 = arith.constant 0 : i32
    %c0_i32_0 = arith.constant 0 : i32
    return %arg0, %c0_i32 : i32, i32
  }
  func.func @transform_1(%arg0: i32) -> (i32, i32) {
    %c0_i32 = arith.constant 0 : i32
    %c0_i32_0 = arith.constant 0 : i32
    %c0_i32_1 = arith.constant 0 : i32
    return %c0_i32, %c0_i32_0 : i32, i32
  }
  func.func @transform_2(%arg0: i32) -> i32 {
    %c0_i32 = arith.constant 0 : i32
    %c0_i32_0 = arith.constant 0 : i32
    return %c0_i32 : i32
  }
  func.func @transform_3(%arg0: i32) -> (i32, i32) {
    %c0_i32 = arith.constant 0 : i32
    %c0_i32_0 = arith.constant 0 : i32
    %c0_i32_1 = arith.constant 0 : i32
    return %c0_i32, %c0_i32_0 : i32, i32
  }
  func.func @transform_4(%arg0: i32) -> i32 {
    %c0_i32 = arith.constant 0 : i32
    %c0_i32_0 = arith.constant 0 : i32
    return %c0_i32 : i32
  }
  func.func @transform_5(%arg0: i32) -> (i32, i32) {
    %c0_i32 = arith.constant 0 : i32
    %c0_i32_0 = arith.constant 0 : i32
    %c0_i32_1 = arith.constant 0 : i32
    return %c0_i32, %c0_i32_0 : i32, i32
  }
  func.func @transform_6(%arg0: i32) -> i32 {
    %c0_i32 = arith.constant 0 : i32
    %c0_i32_0 = arith.constant 0 : i32
    return %c0_i32 : i32
  }
  func.func @transform_7(%arg0: i32) -> (i32, i32) {
    %c0_i32 = arith.constant 0 : i32
    %c0_i32_0 = arith.constant 0 : i32
    %c0_i32_1 = arith.constant 0 : i32
    return %c0_i32, %c0_i32_0 : i32, i32
  }
  func.func @transform_8(%arg0: i32) -> i32 {
    %c0_i32 = arith.constant 0 : i32
    %c0_i32_0 = arith.constant 0 : i32
    return %c0_i32 : i32
  }
  func.func @transform_9(%arg0: i32) -> (i32, i32) {
    %c0_i32 = arith.constant 0 : i32
    %c0_i32_0 = arith.constant 0 : i32
    return %arg0, %c0_i32 : i32, i32
  }
}

module attributes {stable_mosaic.version = 14 : i64} {
  func.func @_final1_body(%arg0: i32, %arg1: memref<400x64xf32, #tpu.memory_space<vmem>>, %arg2: memref<400x128xf32, #tpu.memory_space<vmem>>, %arg3: memref<400x128xf32, #tpu.memory_space<vmem>>, %arg4: memref<32xf32, #tpu.memory_space<vmem>>, %arg5: memref<32x32xf32, #tpu.memory_space<vmem>>, %arg6: memref<32xf32, #tpu.memory_space<vmem>>, %arg7: memref<32x32xf32, #tpu.memory_space<vmem>>, %arg8: memref<32xf32, #tpu.memory_space<vmem>>, %arg9: memref<32x32xf32, #tpu.memory_space<vmem>>, %arg10: memref<32xf32, #tpu.memory_space<vmem>>, %arg11: memref<32x8xf32, #tpu.memory_space<vmem>>, %arg12: memref<32x8xf32, #tpu.memory_space<vmem>>, %arg13: memref<32x8xf32, #tpu.memory_space<vmem>>, %arg14: memref<400x128xf32, #tpu.memory_space<vmem>>) attributes {dimension_semantics = [#tpu.dimension_semantics<arbitrary>], iteration_bounds = array<i64: 125>, scalar_prefetch = 0 : i64, scratch_operands = 0 : i64, tpu.core_type = #tpu.core_type<tc>, window_params = [{transform_indices = @transform_0, window_bounds = array<i64: 400, 64>}, {transform_indices = @transform_1, window_bounds = array<i64: 400, 128>}, {transform_indices = @transform_2, window_bounds = array<i64: 400, 128>}, {pipeline_mode = #tpu.pipeline_mode<synchronous>, transform_indices = @transform_3, window_bounds = array<i64: 32>}, {pipeline_mode = #tpu.pipeline_mode<synchronous>, transform_indices = @transform_4, window_bounds = array<i64: 32, 32>}, {pipeline_mode = #tpu.pipeline_mode<synchronous>, transform_indices = @transform_5, window_bounds = array<i64: 32>}, {pipeline_mode = #tpu.pipeline_mode<synchronous>, transform_indices = @transform_6, window_bounds = array<i64: 32, 32>}, {pipeline_mode = #tpu.pipeline_mode<synchronous>, transform_indices = @transform_7, window_bounds = array<i64: 32>}, {pipeline_mode = #tpu.pipeline_mode<synchronous>, transform_indices = @transform_8, window_bounds = array<i64: 32, 32>}, {pipeline_mode = #tpu.pipeline_mode<synchronous>, transform_indices = @transform_9, window_bounds = array<i64: 32>}, {pipeline_mode = #tpu.pipeline_mode<synchronous>, transform_indices = @transform_10, window_bounds = array<i64: 32, 8>}, {pipeline_mode = #tpu.pipeline_mode<synchronous>, transform_indices = @transform_11, window_bounds = array<i64: 32, 8>}, {pipeline_mode = #tpu.pipeline_mode<synchronous>, transform_indices = @transform_12, window_bounds = array<i64: 32, 8>}, {transform_indices = @transform_13, window_bounds = array<i64: 400, 128>}]} {
    %get3A = arith.constant 0 : index
    %get3A_0 = arith.constant 0 : index
    %get3A_1 = vector.load %arg1[%get3A, %get3A_0] : memref<400x64xf32, #tpu.memory_space<vmem>>, vector<400x32xf32>
    %get3A_2 = arith.constant 0 : index
    %get3A_3 = arith.constant 32 : index
    %get3A_4 = vector.load %arg1[%get3A_2, %get3A_3] : memref<400x64xf32, #tpu.memory_space<vmem>>, vector<400x32xf32>
    %get3A_5 = arith.constant 0 : index
    %get3A_6 = arith.constant 0 : index
    %get3A_7 = vector.load %arg2[%get3A_5, %get3A_6] : memref<400x128xf32, #tpu.memory_space<vmem>>, vector<400x128xf32>
    %get3A_8 = arith.constant 0 : index
    %get3A_9 = arith.constant 0 : index
    %get3A_10 = vector.load %arg3[%get3A_8, %get3A_9] : memref<400x128xf32, #tpu.memory_space<vmem>>, vector<400x128xf32>
    %slice3A = vector.extract_strided_slice %get3A_7 {offsets = [0, 0], sizes = [400, 32], strides = [1, 1]} : vector<400x128xf32> to vector<400x32xf32>
    %slice3A_11 = vector.extract_strided_slice %get3A_7 {offsets = [0, 32], sizes = [400, 32], strides = [1, 1]} : vector<400x128xf32> to vector<400x32xf32>
    %slice3A_12 = vector.extract_strided_slice %get3A_7 {offsets = [0, 64], sizes = [400, 2], strides = [1, 1]} : vector<400x128xf32> to vector<400x2xf32>
    %slice3A_13 = vector.extract_strided_slice %get3A_10 {offsets = [0, 0], sizes = [400, 32], strides = [1, 1]} : vector<400x128xf32> to vector<400x32xf32>
    %get3A_14 = arith.constant 0 : index
    %get3A_15 = vector.load %arg4[%get3A_14] : memref<32xf32, #tpu.memory_space<vmem>>, vector<32xf32>
    %get3A_16 = arith.constant 0 : index
    %get3A_17 = arith.constant 0 : index
    %get3A_18 = vector.load %arg5[%get3A_16, %get3A_17] : memref<32x32xf32, #tpu.memory_space<vmem>>, vector<32x32xf32>
    %get3A_19 = arith.constant 0 : index
    %get3A_20 = vector.load %arg6[%get3A_19] : memref<32xf32, #tpu.memory_space<vmem>>, vector<32xf32>
    %get3A_21 = arith.constant 0 : index
    %get3A_22 = arith.constant 0 : index
    %get3A_23 = vector.load %arg7[%get3A_21, %get3A_22] : memref<32x32xf32, #tpu.memory_space<vmem>>, vector<32x32xf32>
    %get3A_24 = arith.constant 0 : index
    %get3A_25 = vector.load %arg8[%get3A_24] : memref<32xf32, #tpu.memory_space<vmem>>, vector<32xf32>
    %get3A_26 = arith.constant 0 : index
    %get3A_27 = arith.constant 0 : index
    %get3A_28 = vector.load %arg9[%get3A_26, %get3A_27] : memref<32x32xf32, #tpu.memory_space<vmem>>, vector<32x32xf32>
    %get3A_29 = arith.constant 0 : index
    %get3A_30 = vector.load %arg10[%get3A_29] : memref<32xf32, #tpu.memory_space<vmem>>, vector<32xf32>
    %max3A = arith.constant 0.000000e+00 : f32
    %max3A_31 = vector.broadcast %max3A : f32 to vector<32xf32>
    %max3A_32 = arith.maximumf %get3A_15, %max3A_31 : vector<32xf32>
    %reshape3A = vector.shape_cast %max3A_32 : vector<32xf32> to vector<1x32xf32>
    %dot_general3A = arith.constant dense<0.000000e+00> : vector<1x32xf32>
    %dot_general3A_33 = tpu.matmul %reshape3A, %get3A_18, %dot_general3A {dimension_numbers = #tpu.dot_dimension_numbers<[1], [0], [0], [1], [0, 0, 1, 1], [], []>, transpose_lhs_hint = false} : vector<1x32xf32>, vector<32x32xf32>, vector<1x32xf32> -> vector<1x32xf32>
    %broadcast_in_dim3A = vector.shape_cast %get3A_20 : vector<32xf32> to vector<1x32xf32>
    %add3A = arith.addf %dot_general3A_33, %broadcast_in_dim3A : vector<1x32xf32>
    %sub3A = arith.subf %slice3A_13, %slice3A_11 : vector<400x32xf32>
    %add3A_34 = vector.broadcast %add3A : vector<1x32xf32> to vector<400x32xf32>
    %add3A_35 = arith.addf %sub3A, %add3A_34 : vector<400x32xf32>
    %dot_general3A_36 = arith.constant dense<0.000000e+00> : vector<400x32xf32>
    %dot_general3A_37 = tpu.matmul %add3A_35, %get3A_23, %dot_general3A_36 {dimension_numbers = #tpu.dot_dimension_numbers<[1], [0], [0], [1], [0, 0, 1, 1], [], []>, transpose_lhs_hint = false} : vector<400x32xf32>, vector<32x32xf32>, vector<400x32xf32> -> vector<400x32xf32>
    %broadcast_in_dim3A_38 = vector.shape_cast %get3A_25 : vector<32xf32> to vector<1x32xf32>
    %add3A_39 = vector.broadcast %broadcast_in_dim3A_38 : vector<1x32xf32> to vector<400x32xf32>
    %add3A_40 = arith.addf %dot_general3A_37, %add3A_39 : vector<400x32xf32>
    %max3A_41 = arith.constant 0.000000e+00 : f32
    %max3A_42 = vector.broadcast %max3A_41 : f32 to vector<400x32xf32>
    %max3A_43 = arith.maximumf %add3A_40, %max3A_42 : vector<400x32xf32>
    %dot_general3A_44 = arith.constant dense<0.000000e+00> : vector<400x32xf32>
    %dot_general3A_45 = tpu.matmul %max3A_43, %get3A_28, %dot_general3A_44 {dimension_numbers = #tpu.dot_dimension_numbers<[1], [0], [0], [1], [0, 0, 1, 1], [], []>, transpose_lhs_hint = false} : vector<400x32xf32>, vector<32x32xf32>, vector<400x32xf32> -> vector<400x32xf32>
    %broadcast_in_dim3A_46 = vector.shape_cast %get3A_30 : vector<32xf32> to vector<1x32xf32>
    %add3A_47 = vector.broadcast %broadcast_in_dim3A_46 : vector<1x32xf32> to vector<400x32xf32>
    %add3A_48 = arith.addf %dot_general3A_45, %add3A_47 : vector<400x32xf32>
    %exp3A = math.exp %add3A_48 : vector<400x32xf32>
    %add3A_49 = vector.broadcast %add3A : vector<1x32xf32> to vector<400x32xf32>
    %add3A_50 = arith.addf %slice3A, %add3A_49 : vector<400x32xf32>
    %mul3A = arith.mulf %exp3A, %add3A_50 : vector<400x32xf32>
    %add3A_51 = arith.addf %get3A_1, %mul3A : vector<400x32xf32>
    %add3A_52 = arith.addf %get3A_4, %exp3A : vector<400x32xf32>
    %add3A_53 = arith.constant 1.000000e-16 : f32
    %add3A_54 = vector.broadcast %add3A_53 : f32 to vector<400x32xf32>
    %add3A_55 = arith.addf %add3A_52, %add3A_54 : vector<400x32xf32>
    %div3A = arith.divf %add3A_51, %add3A_55 : vector<400x32xf32>
    %max3A_56 = arith.constant 0.000000e+00 : f32
    %max3A_57 = vector.broadcast %max3A_56 : f32 to vector<400x32xf32>
    %max3A_58 = arith.maximumf %div3A, %max3A_57 : vector<400x32xf32>
    %get3A_59 = arith.constant 0 : index
    %get3A_60 = arith.constant 0 : index
    %get3A_61 = vector.load %arg11[%get3A_59, %get3A_60] : memref<32x8xf32, #tpu.memory_space<vmem>>, vector<32x8xf32>
    %dot_general3A_62 = arith.constant dense<0.000000e+00> : vector<400x8xf32>
    %dot_general3A_63 = tpu.matmul %max3A_58, %get3A_61, %dot_general3A_62 {dimension_numbers = #tpu.dot_dimension_numbers<[1], [0], [0], [1], [0, 0, 1, 1], [], []>, transpose_lhs_hint = false} : vector<400x32xf32>, vector<32x8xf32>, vector<400x8xf32> -> vector<400x8xf32>
    %get3A_64 = arith.constant 0 : index
    %get3A_65 = arith.constant 0 : index
    %get3A_66 = vector.load %arg12[%get3A_64, %get3A_65] : memref<32x8xf32, #tpu.memory_space<vmem>>, vector<32x8xf32>
    %dot_general3A_67 = arith.constant dense<0.000000e+00> : vector<400x8xf32>
    %dot_general3A_68 = tpu.matmul %max3A_58, %get3A_66, %dot_general3A_67 {dimension_numbers = #tpu.dot_dimension_numbers<[1], [0], [0], [1], [0, 0, 1, 1], [], []>, transpose_lhs_hint = false} : vector<400x32xf32>, vector<32x8xf32>, vector<400x8xf32> -> vector<400x8xf32>
    %get3A_69 = arith.constant 0 : index
    %get3A_70 = arith.constant 0 : index
    %get3A_71 = vector.load %arg13[%get3A_69, %get3A_70] : memref<32x8xf32, #tpu.memory_space<vmem>>, vector<32x8xf32>
    %dot_general3A_72 = arith.constant dense<0.000000e+00> : vector<400x8xf32>
    %dot_general3A_73 = tpu.matmul %max3A_58, %get3A_71, %dot_general3A_72 {dimension_numbers = #tpu.dot_dimension_numbers<[1], [0], [0], [1], [0, 0, 1, 1], [], []>, transpose_lhs_hint = false} : vector<400x32xf32>, vector<32x8xf32>, vector<400x8xf32> -> vector<400x8xf32>
    %broadcast_in_dim3A_74 = arith.constant 0.000000e+00 : f32
    %broadcast_in_dim3A_75 = vector.broadcast %broadcast_in_dim3A_74 : f32 to vector<400x6xf32>
    %broadcast_in_dim3A_76 = arith.constant 0.000000e+00 : f32
    %broadcast_in_dim3A_77 = vector.broadcast %broadcast_in_dim3A_76 : f32 to vector<400x94xf32>
    %concatenate3A = tpu.concatenate %dot_general3A_63, %dot_general3A_68, %slice3A_12, %broadcast_in_dim3A_75, %dot_general3A_73, %slice3A_12, %broadcast_in_dim3A_77 in 1 : vector<400x8xf32>, vector<400x8xf32>, vector<400x2xf32>, vector<400x6xf32>, vector<400x8xf32>, vector<400x2xf32>, vector<400x94xf32> -> vector<400x128xf32>
    %swap3A = arith.constant 0 : index
    %swap3A_78 = arith.constant 0 : index
    %swap3A_79 = vector.load %arg14[%swap3A, %swap3A_78] : memref<400x128xf32, #tpu.memory_space<vmem>>, vector<400x128xf32>
    tpu.vector_store %arg14[%swap3A, %swap3A_78], %concatenate3A {strides = array<i32>} : memref<400x128xf32, #tpu.memory_space<vmem>>, vector<400x128xf32>,
    return
  }
  func.func @transform_0(%arg0: i32) -> (i32, i32) {
    %c0_i32 = arith.constant 0 : i32
    %c0_i32_0 = arith.constant 0 : i32
    return %arg0, %c0_i32 : i32, i32
  }
  func.func @transform_1(%arg0: i32) -> (i32, i32) {
    %c0_i32 = arith.constant 0 : i32
    %c0_i32_0 = arith.constant 0 : i32
    return %arg0, %c0_i32 : i32, i32
  }
  func.func @transform_2(%arg0: i32) -> (i32, i32) {
    %c0_i32 = arith.constant 0 : i32
    %c0_i32_0 = arith.constant 0 : i32
    return %arg0, %c0_i32 : i32, i32
  }
  func.func @transform_3(%arg0: i32) -> i32 {
    %c0_i32 = arith.constant 0 : i32
    %c0_i32_0 = arith.constant 0 : i32
    return %c0_i32 : i32
  }
  func.func @transform_4(%arg0: i32) -> (i32, i32) {
    %c0_i32 = arith.constant 0 : i32
    %c0_i32_0 = arith.constant 0 : i32
    %c0_i32_1 = arith.constant 0 : i32
    return %c0_i32, %c0_i32_0 : i32, i32
  }
  func.func @transform_5(%arg0: i32) -> i32 {
    %c0_i32 = arith.constant 0 : i32
    %c0_i32_0 = arith.constant 0 : i32
    return %c0_i32 : i32
  }
  func.func @transform_6(%arg0: i32) -> (i32, i32) {
    %c0_i32 = arith.constant 0 : i32
    %c0_i32_0 = arith.constant 0 : i32
    %c0_i32_1 = arith.constant 0 : i32
    return %c0_i32, %c0_i32_0 : i32, i32
  }
  func.func @transform_7(%arg0: i32) -> i32 {
    %c0_i32 = arith.constant 0 : i32
    %c0_i32_0 = arith.constant 0 : i32
    return %c0_i32 : i32
  }
  func.func @transform_8(%arg0: i32) -> (i32, i32) {
    %c0_i32 = arith.constant 0 : i32
    %c0_i32_0 = arith.constant 0 : i32
    %c0_i32_1 = arith.constant 0 : i32
    return %c0_i32, %c0_i32_0 : i32, i32
  }
  func.func @transform_9(%arg0: i32) -> i32 {
    %c0_i32 = arith.constant 0 : i32
    %c0_i32_0 = arith.constant 0 : i32
    return %c0_i32 : i32
  }
  func.func @transform_10(%arg0: i32) -> (i32, i32) {
    %c0_i32 = arith.constant 0 : i32
    %c0_i32_0 = arith.constant 0 : i32
    %c0_i32_1 = arith.constant 0 : i32
    return %c0_i32, %c0_i32_0 : i32, i32
  }
  func.func @transform_11(%arg0: i32) -> (i32, i32) {
    %c0_i32 = arith.constant 0 : i32
    %c0_i32_0 = arith.constant 0 : i32
    %c0_i32_1 = arith.constant 0 : i32
    return %c0_i32, %c0_i32_0 : i32, i32
  }
  func.func @transform_12(%arg0: i32) -> (i32, i32) {
    %c0_i32 = arith.constant 0 : i32
    %c0_i32_0 = arith.constant 0 : i32
    %c0_i32_1 = arith.constant 0 : i32
    return %c0_i32, %c0_i32_0 : i32, i32
  }
  func.func @transform_13(%arg0: i32) -> (i32, i32) {
    %c0_i32 = arith.constant 0 : i32
    %c0_i32_0 = arith.constant 0 : i32
    return %arg0, %c0_i32 : i32, i32
  }
}

module attributes {stable_mosaic.version = 14 : i64} {
  func.func @_mid_body(%arg0: i32, %arg1: memref<2048x128xf32, #tpu.memory_space<vmem>>, %arg2: memref<2x32xf32, #tpu.memory_space<vmem>>, %arg3: memref<32xf32, #tpu.memory_space<vmem>>, %arg4: memref<32x8xf32, #tpu.memory_space<vmem>>, %arg5: memref<8xf32, #tpu.memory_space<vmem>>, %arg6: memref<8x32xf32, #tpu.memory_space<vmem>>, %arg7: memref<32xf32, #tpu.memory_space<vmem>>, %arg8: memref<32x8xf32, #tpu.memory_space<vmem>>, %arg9: memref<8xf32, #tpu.memory_space<vmem>>, %arg10: memref<2048x16xf32, #tpu.memory_space<vmem>>) attributes {dimension_semantics = [#tpu.dimension_semantics<arbitrary>], iteration_bounds = array<i64: 392>, scalar_prefetch = 0 : i64, scratch_operands = 0 : i64, tpu.core_type = #tpu.core_type<tc>, window_params = [{transform_indices = @transform_0, window_bounds = array<i64: 2048, 128>}, {pipeline_mode = #tpu.pipeline_mode<synchronous>, transform_indices = @transform_1, window_bounds = array<i64: 2, 32>}, {pipeline_mode = #tpu.pipeline_mode<synchronous>, transform_indices = @transform_2, window_bounds = array<i64: 32>}, {pipeline_mode = #tpu.pipeline_mode<synchronous>, transform_indices = @transform_3, window_bounds = array<i64: 32, 8>}, {pipeline_mode = #tpu.pipeline_mode<synchronous>, transform_indices = @transform_4, window_bounds = array<i64: 8>}, {pipeline_mode = #tpu.pipeline_mode<synchronous>, transform_indices = @transform_5, window_bounds = array<i64: 8, 32>}, {pipeline_mode = #tpu.pipeline_mode<synchronous>, transform_indices = @transform_6, window_bounds = array<i64: 32>}, {pipeline_mode = #tpu.pipeline_mode<synchronous>, transform_indices = @transform_7, window_bounds = array<i64: 32, 8>}, {pipeline_mode = #tpu.pipeline_mode<synchronous>, transform_indices = @transform_8, window_bounds = array<i64: 8>}, {transform_indices = @transform_9, window_bounds = array<i64: 2048, 16>}]} {
    %get3A = arith.constant 0 : index
    %get3A_0 = arith.constant 0 : index
    %get3A_1 = vector.load %arg1[%get3A, %get3A_0] : memref<2048x128xf32, #tpu.memory_space<vmem>>, vector<2048x128xf32>
    %slice3A = vector.extract_strided_slice %get3A_1 {offsets = [0, 0], sizes = [2048, 8], strides = [1, 1]} : vector<2048x128xf32> to vector<2048x8xf32>
    %slice3A_2 = vector.extract_strided_slice %get3A_1 {offsets = [0, 8], sizes = [2048, 8], strides = [1, 1]} : vector<2048x128xf32> to vector<2048x8xf32>
    %slice3A_3 = vector.extract_strided_slice %get3A_1 {offsets = [0, 16], sizes = [2048, 2], strides = [1, 1]} : vector<2048x128xf32> to vector<2048x2xf32>
    %slice3A_4 = vector.extract_strided_slice %get3A_1 {offsets = [0, 32], sizes = [2048, 8], strides = [1, 1]} : vector<2048x128xf32> to vector<2048x8xf32>
    %slice3A_5 = vector.extract_strided_slice %get3A_1 {offsets = [0, 40], sizes = [2048, 2], strides = [1, 1]} : vector<2048x128xf32> to vector<2048x2xf32>
    %sub3A = arith.subf %slice3A_5, %slice3A_3 : vector<2048x2xf32>
    %get3A_6 = arith.constant 0 : index
    %get3A_7 = arith.constant 0 : index
    %get3A_8 = vector.load %arg2[%get3A_6, %get3A_7] : memref<2x32xf32, #tpu.memory_space<vmem>>, vector<2x32xf32>
    %dot_general3A = arith.constant dense<0.000000e+00> : vector<2048x32xf32>
    %dot_general3A_9 = tpu.matmul %sub3A, %get3A_8, %dot_general3A {dimension_numbers = #tpu.dot_dimension_numbers<[1], [0], [0], [1], [0, 0, 1, 1], [], []>, transpose_lhs_hint = false} : vector<2048x2xf32>, vector<2x32xf32>, vector<2048x32xf32> -> vector<2048x32xf32>
    %get3A_10 = arith.constant 0 : index
    %get3A_11 = vector.load %arg3[%get3A_10] : memref<32xf32, #tpu.memory_space<vmem>>, vector<32xf32>
    %broadcast_in_dim3A = vector.shape_cast %get3A_11 : vector<32xf32> to vector<1x32xf32>
    %add3A = vector.broadcast %broadcast_in_dim3A : vector<1x32xf32> to vector<2048x32xf32>
    %add3A_12 = arith.addf %dot_general3A_9, %add3A : vector<2048x32xf32>
    %max3A = arith.constant 0.000000e+00 : f32
    %max3A_13 = vector.broadcast %max3A : f32 to vector<2048x32xf32>
    %max3A_14 = arith.maximumf %add3A_12, %max3A_13 : vector<2048x32xf32>
    %get3A_15 = arith.constant 0 : index
    %get3A_16 = arith.constant 0 : index
    %get3A_17 = vector.load %arg4[%get3A_15, %get3A_16] : memref<32x8xf32, #tpu.memory_space<vmem>>, vector<32x8xf32>
    %dot_general3A_18 = arith.constant dense<0.000000e+00> : vector<2048x8xf32>
    %dot_general3A_19 = tpu.matmul %max3A_14, %get3A_17, %dot_general3A_18 {dimension_numbers = #tpu.dot_dimension_numbers<[1], [0], [0], [1], [0, 0, 1, 1], [], []>, transpose_lhs_hint = false} : vector<2048x32xf32>, vector<32x8xf32>, vector<2048x8xf32> -> vector<2048x8xf32>
    %get3A_20 = arith.constant 0 : index
    %get3A_21 = vector.load %arg5[%get3A_20] : memref<8xf32, #tpu.memory_space<vmem>>, vector<8xf32>
    %broadcast_in_dim3A_22 = vector.shape_cast %get3A_21 : vector<8xf32> to vector<1x8xf32>
    %add3A_23 = vector.broadcast %broadcast_in_dim3A_22 : vector<1x8xf32> to vector<2048x8xf32>
    %add3A_24 = arith.addf %dot_general3A_19, %add3A_23 : vector<2048x8xf32>
    %sub3A_25 = arith.subf %slice3A_4, %slice3A_2 : vector<2048x8xf32>
    %add3A_26 = arith.addf %sub3A_25, %add3A_24 : vector<2048x8xf32>
    %get3A_27 = arith.constant 0 : index
    %get3A_28 = arith.constant 0 : index
    %get3A_29 = vector.load %arg6[%get3A_27, %get3A_28] : memref<8x32xf32, #tpu.memory_space<vmem>>, vector<8x32xf32>
    %dot_general3A_30 = arith.constant dense<0.000000e+00> : vector<2048x32xf32>
    %dot_general3A_31 = tpu.matmul %add3A_26, %get3A_29, %dot_general3A_30 {dimension_numbers = #tpu.dot_dimension_numbers<[1], [0], [0], [1], [0, 0, 1, 1], [], []>, transpose_lhs_hint = false} : vector<2048x8xf32>, vector<8x32xf32>, vector<2048x32xf32> -> vector<2048x32xf32>
    %get3A_32 = arith.constant 0 : index
    %get3A_33 = vector.load %arg7[%get3A_32] : memref<32xf32, #tpu.memory_space<vmem>>, vector<32xf32>
    %broadcast_in_dim3A_34 = vector.shape_cast %get3A_33 : vector<32xf32> to vector<1x32xf32>
    %add3A_35 = vector.broadcast %broadcast_in_dim3A_34 : vector<1x32xf32> to vector<2048x32xf32>
    %add3A_36 = arith.addf %dot_general3A_31, %add3A_35 : vector<2048x32xf32>
    %max3A_37 = arith.constant 0.000000e+00 : f32
    %max3A_38 = vector.broadcast %max3A_37 : f32 to vector<2048x32xf32>
    %max3A_39 = arith.maximumf %add3A_36, %max3A_38 : vector<2048x32xf32>
    %get3A_40 = arith.constant 0 : index
    %get3A_41 = arith.constant 0 : index
    %get3A_42 = vector.load %arg8[%get3A_40, %get3A_41] : memref<32x8xf32, #tpu.memory_space<vmem>>, vector<32x8xf32>
    %dot_general3A_43 = arith.constant dense<0.000000e+00> : vector<2048x8xf32>
    %dot_general3A_44 = tpu.matmul %max3A_39, %get3A_42, %dot_general3A_43 {dimension_numbers = #tpu.dot_dimension_numbers<[1], [0], [0], [1], [0, 0, 1, 1], [], []>, transpose_lhs_hint = false} : vector<2048x32xf32>, vector<32x8xf32>, vector<2048x8xf32> -> vector<2048x8xf32>
    %get3A_45 = arith.constant 0 : index
    %get3A_46 = vector.load %arg9[%get3A_45] : memref<8xf32, #tpu.memory_space<vmem>>, vector<8xf32>
    %broadcast_in_dim3A_47 = vector.shape_cast %get3A_46 : vector<8xf32> to vector<1x8xf32>
    %add3A_48 = vector.broadcast %broadcast_in_dim3A_47 : vector<1x8xf32> to vector<2048x8xf32>
    %add3A_49 = arith.addf %dot_general3A_44, %add3A_48 : vector<2048x8xf32>
    %exp3A = math.exp %add3A_49 : vector<2048x8xf32>
    %add3A_50 = arith.addf %slice3A, %add3A_24 : vector<2048x8xf32>
    %mul3A = arith.mulf %exp3A, %add3A_50 : vector<2048x8xf32>
    %concatenate3A = tpu.concatenate %mul3A, %exp3A in 1 : vector<2048x8xf32>, vector<2048x8xf32> -> vector<2048x16xf32>
    %swap3A = arith.constant 0 : index
    %swap3A_51 = arith.constant 0 : index
    %swap3A_52 = vector.load %arg10[%swap3A, %swap3A_51] : memref<2048x16xf32, #tpu.memory_space<vmem>>, vector<2048x16xf32>
    tpu.vector_store %arg10[%swap3A, %swap3A_51], %concatenate3A {strides = array<i32>} : memref<2048x16xf32, #tpu.memory_space<vmem>>, vector<2048x16xf32>,
    return
  }
  func.func @transform_0(%arg0: i32) -> (i32, i32) {
    %c0_i32 = arith.constant 0 : i32
    %c0_i32_0 = arith.constant 0 : i32
    return %arg0, %c0_i32 : i32, i32
  }
  func.func @transform_1(%arg0: i32) -> (i32, i32) {
    %c0_i32 = arith.constant 0 : i32
    %c0_i32_0 = arith.constant 0 : i32
    %c0_i32_1 = arith.constant 0 : i32
    return %c0_i32, %c0_i32_0 : i32, i32
  }
  func.func @transform_2(%arg0: i32) -> i32 {
    %c0_i32 = arith.constant 0 : i32
    %c0_i32_0 = arith.constant 0 : i32
    return %c0_i32 : i32
  }
  func.func @transform_3(%arg0: i32) -> (i32, i32) {
    %c0_i32 = arith.constant 0 : i32
    %c0_i32_0 = arith.constant 0 : i32
    %c0_i32_1 = arith.constant 0 : i32
    return %c0_i32, %c0_i32_0 : i32, i32
  }
  func.func @transform_4(%arg0: i32) -> i32 {
    %c0_i32 = arith.constant 0 : i32
    %c0_i32_0 = arith.constant 0 : i32
    return %c0_i32 : i32
  }
  func.func @transform_5(%arg0: i32) -> (i32, i32) {
    %c0_i32 = arith.constant 0 : i32
    %c0_i32_0 = arith.constant 0 : i32
    %c0_i32_1 = arith.constant 0 : i32
    return %c0_i32, %c0_i32_0 : i32, i32
  }
  func.func @transform_6(%arg0: i32) -> i32 {
    %c0_i32 = arith.constant 0 : i32
    %c0_i32_0 = arith.constant 0 : i32
    return %c0_i32 : i32
  }
  func.func @transform_7(%arg0: i32) -> (i32, i32) {
    %c0_i32 = arith.constant 0 : i32
    %c0_i32_0 = arith.constant 0 : i32
    %c0_i32_1 = arith.constant 0 : i32
    return %c0_i32, %c0_i32_0 : i32, i32
  }
  func.func @transform_8(%arg0: i32) -> i32 {
    %c0_i32 = arith.constant 0 : i32
    %c0_i32_0 = arith.constant 0 : i32
    return %c0_i32 : i32
  }
  func.func @transform_9(%arg0: i32) -> (i32, i32) {
    %c0_i32 = arith.constant 0 : i32
    %c0_i32_0 = arith.constant 0 : i32
    return %arg0, %c0_i32 : i32, i32
  }
}

module attributes {stable_mosaic.version = 14 : i64} {
  func.func @_final2_body(%arg0: i32, %arg1: memref<400x16xf32, #tpu.memory_space<vmem>>, %arg2: memref<400x128xf32, #tpu.memory_space<vmem>>, %arg3: memref<32xf32, #tpu.memory_space<vmem>>, %arg4: memref<32x8xf32, #tpu.memory_space<vmem>>, %arg5: memref<8xf32, #tpu.memory_space<vmem>>, %arg6: memref<8x32xf32, #tpu.memory_space<vmem>>, %arg7: memref<32xf32, #tpu.memory_space<vmem>>, %arg8: memref<32x8xf32, #tpu.memory_space<vmem>>, %arg9: memref<8xf32, #tpu.memory_space<vmem>>, %arg10: memref<400x8xf32, #tpu.memory_space<vmem>>) attributes {dimension_semantics = [#tpu.dimension_semantics<arbitrary>], iteration_bounds = array<i64: 125>, scalar_prefetch = 0 : i64, scratch_operands = 0 : i64, tpu.core_type = #tpu.core_type<tc>, window_params = [{transform_indices = @transform_0, window_bounds = array<i64: 400, 16>}, {transform_indices = @transform_1, window_bounds = array<i64: 400, 128>}, {pipeline_mode = #tpu.pipeline_mode<synchronous>, transform_indices = @transform_2, window_bounds = array<i64: 32>}, {pipeline_mode = #tpu.pipeline_mode<synchronous>, transform_indices = @transform_3, window_bounds = array<i64: 32, 8>}, {pipeline_mode = #tpu.pipeline_mode<synchronous>, transform_indices = @transform_4, window_bounds = array<i64: 8>}, {pipeline_mode = #tpu.pipeline_mode<synchronous>, transform_indices = @transform_5, window_bounds = array<i64: 8, 32>}, {pipeline_mode = #tpu.pipeline_mode<synchronous>, transform_indices = @transform_6, window_bounds = array<i64: 32>}, {pipeline_mode = #tpu.pipeline_mode<synchronous>, transform_indices = @transform_7, window_bounds = array<i64: 32, 8>}, {pipeline_mode = #tpu.pipeline_mode<synchronous>, transform_indices = @transform_8, window_bounds = array<i64: 8>}, {transform_indices = @transform_9, window_bounds = array<i64: 400, 8>}]} {
    %get3A = arith.constant 0 : index
    %get3A_0 = arith.constant 0 : index
    %get3A_1 = vector.load %arg1[%get3A, %get3A_0] : memref<400x16xf32, #tpu.memory_space<vmem>>, vector<400x8xf32>
    %get3A_2 = arith.constant 0 : index
    %get3A_3 = arith.constant 8 : index
    %get3A_4 = vector.load %arg1[%get3A_2, %get3A_3] : memref<400x16xf32, #tpu.memory_space<vmem>>, vector<400x8xf32>
    %get3A_5 = arith.constant 0 : index
    %get3A_6 = arith.constant 0 : index
    %get3A_7 = vector.load %arg2[%get3A_5, %get3A_6] : memref<400x128xf32, #tpu.memory_space<vmem>>, vector<400x128xf32>
    %slice3A = vector.extract_strided_slice %get3A_7 {offsets = [0, 0], sizes = [400, 8], strides = [1, 1]} : vector<400x128xf32> to vector<400x8xf32>
    %slice3A_8 = vector.extract_strided_slice %get3A_7 {offsets = [0, 8], sizes = [400, 8], strides = [1, 1]} : vector<400x128xf32> to vector<400x8xf32>
    %slice3A_9 = vector.extract_strided_slice %get3A_7 {offsets = [0, 24], sizes = [400, 8], strides = [1, 1]} : vector<400x128xf32> to vector<400x8xf32>
    %get3A_10 = arith.constant 0 : index
    %get3A_11 = vector.load %arg3[%get3A_10] : memref<32xf32, #tpu.memory_space<vmem>>, vector<32xf32>
    %get3A_12 = arith.constant 0 : index
    %get3A_13 = arith.constant 0 : index
    %get3A_14 = vector.load %arg4[%get3A_12, %get3A_13] : memref<32x8xf32, #tpu.memory_space<vmem>>, vector<32x8xf32>
    %get3A_15 = arith.constant 0 : index
    %get3A_16 = vector.load %arg5[%get3A_15] : memref<8xf32, #tpu.memory_space<vmem>>, vector<8xf32>
    %get3A_17 = arith.constant 0 : index
    %get3A_18 = arith.constant 0 : index
    %get3A_19 = vector.load %arg6[%get3A_17, %get3A_18] : memref<8x32xf32, #tpu.memory_space<vmem>>, vector<8x32xf32>
    %get3A_20 = arith.constant 0 : index
    %get3A_21 = vector.load %arg7[%get3A_20] : memref<32xf32, #tpu.memory_space<vmem>>, vector<32xf32>
    %get3A_22 = arith.constant 0 : index
    %get3A_23 = arith.constant 0 : index
    %get3A_24 = vector.load %arg8[%get3A_22, %get3A_23] : memref<32x8xf32, #tpu.memory_space<vmem>>, vector<32x8xf32>
    %get3A_25 = arith.constant 0 : index
    %get3A_26 = vector.load %arg9[%get3A_25] : memref<8xf32, #tpu.memory_space<vmem>>, vector<8xf32>
    %max3A = arith.constant 0.000000e+00 : f32
    %max3A_27 = vector.broadcast %max3A : f32 to vector<32xf32>
    %max3A_28 = arith.maximumf %get3A_11, %max3A_27 : vector<32xf32>
    %reshape3A = vector.shape_cast %max3A_28 : vector<32xf32> to vector<1x32xf32>
    %dot_general3A = arith.constant dense<0.000000e+00> : vector<1x8xf32>
    %dot_general3A_29 = tpu.matmul %reshape3A, %get3A_14, %dot_general3A {dimension_numbers = #tpu.dot_dimension_numbers<[1], [0], [0], [1], [0, 0, 1, 1], [], []>, transpose_lhs_hint = false} : vector<1x32xf32>, vector<32x8xf32>, vector<1x8xf32> -> vector<1x8xf32>
    %broadcast_in_dim3A = vector.shape_cast %get3A_16 : vector<8xf32> to vector<1x8xf32>
    %add3A = arith.addf %dot_general3A_29, %broadcast_in_dim3A : vector<1x8xf32>
    %sub3A = arith.subf %slice3A_9, %slice3A_8 : vector<400x8xf32>
    %add3A_30 = vector.broadcast %add3A : vector<1x8xf32> to vector<400x8xf32>
    %add3A_31 = arith.addf %sub3A, %add3A_30 : vector<400x8xf32>
    %dot_general3A_32 = arith.constant dense<0.000000e+00> : vector<400x32xf32>
    %dot_general3A_33 = tpu.matmul %add3A_31, %get3A_19, %dot_general3A_32 {dimension_numbers = #tpu.dot_dimension_numbers<[1], [0], [0], [1], [0, 0, 1, 1], [], []>, transpose_lhs_hint = false} : vector<400x8xf32>, vector<8x32xf32>, vector<400x32xf32> -> vector<400x32xf32>
    %broadcast_in_dim3A_34 = vector.shape_cast %get3A_21 : vector<32xf32> to vector<1x32xf32>
    %add3A_35 = vector.broadcast %broadcast_in_dim3A_34 : vector<1x32xf32> to vector<400x32xf32>
    %add3A_36 = arith.addf %dot_general3A_33, %add3A_35 : vector<400x32xf32>
    %max3A_37 = arith.constant 0.000000e+00 : f32
    %max3A_38 = vector.broadcast %max3A_37 : f32 to vector<400x32xf32>
    %max3A_39 = arith.maximumf %add3A_36, %max3A_38 : vector<400x32xf32>
    %dot_general3A_40 = arith.constant dense<0.000000e+00> : vector<400x8xf32>
    %dot_general3A_41 = tpu.matmul %max3A_39, %get3A_24, %dot_general3A_40 {dimension_numbers = #tpu.dot_dimension_numbers<[1], [0], [0], [1], [0, 0, 1, 1], [], []>, transpose_lhs_hint = false} : vector<400x32xf32>, vector<32x8xf32>, vector<400x8xf32> -> vector<400x8xf32>
    %broadcast_in_dim3A_42 = vector.shape_cast %get3A_26 : vector<8xf32> to vector<1x8xf32>
    %add3A_43 = vector.broadcast %broadcast_in_dim3A_42 : vector<1x8xf32> to vector<400x8xf32>
    %add3A_44 = arith.addf %dot_general3A_41, %add3A_43 : vector<400x8xf32>
    %exp3A = math.exp %add3A_44 : vector<400x8xf32>
    %add3A_45 = vector.broadcast %add3A : vector<1x8xf32> to vector<400x8xf32>
    %add3A_46 = arith.addf %slice3A, %add3A_45 : vector<400x8xf32>
    %mul3A = arith.mulf %exp3A, %add3A_46 : vector<400x8xf32>
    %add3A_47 = arith.addf %get3A_1, %mul3A : vector<400x8xf32>
    %add3A_48 = arith.addf %get3A_4, %exp3A : vector<400x8xf32>
    %add3A_49 = arith.constant 1.000000e-16 : f32
    %add3A_50 = vector.broadcast %add3A_49 : f32 to vector<400x8xf32>
    %add3A_51 = arith.addf %add3A_48, %add3A_50 : vector<400x8xf32>
    %div3A = arith.divf %add3A_47, %add3A_51 : vector<400x8xf32>
    %swap3A = arith.constant 0 : index
    %swap3A_52 = arith.constant 0 : index
    %swap3A_53 = vector.load %arg10[%swap3A, %swap3A_52] : memref<400x8xf32, #tpu.memory_space<vmem>>, vector<400x8xf32>
    tpu.vector_store %arg10[%swap3A, %swap3A_52], %div3A {strides = array<i32>} : memref<400x8xf32, #tpu.memory_space<vmem>>, vector<400x8xf32>,
    return
  }
  func.func @transform_0(%arg0: i32) -> (i32, i32) {
    %c0_i32 = arith.constant 0 : i32
    %c0_i32_0 = arith.constant 0 : i32
    return %arg0, %c0_i32 : i32, i32
  }
  func.func @transform_1(%arg0: i32) -> (i32, i32) {
    %c0_i32 = arith.constant 0 : i32
    %c0_i32_0 = arith.constant 0 : i32
    return %arg0, %c0_i32 : i32, i32
  }
  func.func @transform_2(%arg0: i32) -> i32 {
    %c0_i32 = arith.constant 0 : i32
    %c0_i32_0 = arith.constant 0 : i32
    return %c0_i32 : i32
  }
  func.func @transform_3(%arg0: i32) -> (i32, i32) {
    %c0_i32 = arith.constant 0 : i32
    %c0_i32_0 = arith.constant 0 : i32
    %c0_i32_1 = arith.constant 0 : i32
    return %c0_i32, %c0_i32_0 : i32, i32
  }
  func.func @transform_4(%arg0: i32) -> i32 {
    %c0_i32 = arith.constant 0 : i32
    %c0_i32_0 = arith.constant 0 : i32
    return %c0_i32 : i32
  }
  func.func @transform_5(%arg0: i32) -> (i32, i32) {
    %c0_i32 = arith.constant 0 : i32
    %c0_i32_0 = arith.constant 0 : i32
    %c0_i32_1 = arith.constant 0 : i32
    return %c0_i32, %c0_i32_0 : i32, i32
  }
  func.func @transform_6(%arg0: i32) -> i32 {
    %c0_i32 = arith.constant 0 : i32
    %c0_i32_0 = arith.constant 0 : i32
    return %c0_i32 : i32
  }
  func.func @transform_7(%arg0: i32) -> (i32, i32) {
    %c0_i32 = arith.constant 0 : i32
    %c0_i32_0 = arith.constant 0 : i32
    %c0_i32_1 = arith.constant 0 : i32
    return %c0_i32, %c0_i32_0 : i32, i32
  }
  func.func @transform_8(%arg0: i32) -> i32 {
    %c0_i32 = arith.constant 0 : i32
    %c0_i32_0 = arith.constant 0 : i32
    return %c0_i32 : i32
  }
  func.func @transform_9(%arg0: i32) -> (i32, i32) {
    %c0_i32 = arith.constant 0 : i32
    %c0_i32_0 = arith.constant 0 : i32
    return %arg0, %c0_i32 : i32, i32
  }
}

</mosaic_0001>

<sc_bundles>
// kernel: kernel.12.cloned.1.call-start
scs
__scs_entry_jumppad:
0x0: {  	(pc) =	sbr.rel $0x88, $3  }
0x1: {  	(tag) =	ssettag $0x0;
	lr =	simm.s32 $0x1  }
0x2: {  	[smem:$0x3F88] =	sst lr;
	_ =	strace $0xD0000000  }
0x3: {  	_ = 	snop  }
0x4: {  	_ = 	snop  }
0x5: {  	_ = 	snop  }
0x6: {  	_ = 	snop  }
0x7: {  	_ = 	snop  }
__scs_overlays_trampoline_lowered:
0x8: {  	[smem:$0x3F97] =	sst s0  }
0x9: {  	[smem:$0x3F98] =	sst s1  }
0xa: {  	[smem:$0x3F99] =	sst s2  }
0xb: {  	[smem:$0x3F9A] =	sst s3  }
0xc: {  	[smem:$0x3F9B] =	sst s4  }
0xd: {  	[smem:$0x3F9C] =	sst s5  }
0xe: {  	[smem:$0x3F9D] =	sst s6  }
0xf: {  	[smem:$0x3F9E] =	sst s7  }
0x10: {  	[smem:$0x3F9F] =	sst s8  }
0x11: {  	[smem:$0x3FA0] =	sst s9;
	s0 =	simm.s32 @!p0 $0x0  }
0x12: {  	s1 =	sld [smem:$0x3F86];
	s0 =	simm.s32 @p0 $0x1  }
0x13: {  	[smem:$0x3FA1] =	sst s0;
	s0 =	simm.s32 @!p1 $0x0  }
0x14: {  	s2 =	sld [smem:$0x3F85];
	s0 =	simm.s32 @p1 $0x1  }
0x15: {  	[smem:$0x3FA2] =	sst s0;
	s0 =	simm.s32 @!p2 $0x0  }
0x16: {  	s3 =	sld [smem:$0x3FDB];
	s0 =	simm.s32 @p2 $0x1  }
0x17: {  	s4 =	simm.s32 $0x1BF5;
	[smem:$0x3FA4] =	sst s0  }
0x18: {  	s0 =	sld [smem:$0x3F87];
	_ =	swait.ge [sflag:s4], $0x0  }
0x19: {  	s7 =	sld [smem:$0x3F88]  }
0x1a: {  	s8 =	sadd.s32 $0xFFFFE003, lr  }
0x1b: {  	s9 =	sadd.s32 $0xFFFFFEF7, lr;
	s5 =	simm.s32 $0xFFFFFFFF;
	p2 =	slt.u32 s8, $0xFFFFF086  }
0x1c: {  	p1 =	slt.u32 s9, $0xF7A;
	s5 =	simm.s32 @!p2 $0x0  }
0x1d: {  	s5 =	simm.s32 @p1 $0x1;
	p0 =	seq.s32 s7, s2  }
0x1e: {  	s7 =	smul.u32 @!p0 $0xF7A, s2;
	p2 =	seq.s32 @!p0 s5, $0x0  }
0x1f: {  	s9 =	smul.u32 $0xF7A, s1;
	s8 =	simm.s32 @!p0 $0x1BF5;
	p2 =	por !p2, p0  }
0x20: {  	[sflag:s8] =	ssyncset.s32 @!p0 $0xFFFFF086;
	s6 =	sadd.s32 @!p0 s3, s7;
	s7 =	simm.s32 @!p0 $0x108  }
0x21: {  	s3 =	sadd.s32 s3, s9;
	s6 =	sadd.s32 @!p0 $0x88, s6;
	s7 =	simm.s32 @p2 $0x1082  }
0x22: {  	[simem:s7], [sflag:s8] =	dma.local @!p0 [hbm:s6], $0xF7A  }
0x23: {  	s9 =	sor.u32 $0xD0000000, s2;
	s6 =	simm.s32 $0x108;
	_ =	swait.ge @!p0 [sflag:s8], $0x0  }
0x24: {  	s3 =	sadd.s32 $0x88, s3;
	s6 =	simm.s32 @!p1 $0x1082;
	[sflag:s4] =	ssyncset.s32 $0xFFFFF086  }
0x25: {  	[simem:s6], [sflag:s4] =	dma.local [hbm:s3], $0xF7A  }
0x26: {  	[smem:$0x3F88] =	sst s1;
	(tag) =	ssettag s2;
	_ =	strace s9  }
0x27: {  	s1 =	sld [smem:$0x3F98]  }
0x28: {  	s2 =	sld [smem:$0x3F99]  }
0x29: {  	s4 =	sld [smem:$0x3F9B]  }
0x2a: {  	p0 =	seq.s32 s5, $0x0;
	s5 =	sld [smem:$0x3F9C]  }
0x2b: {  	s6 =	sld [smem:$0x3F9D]  }
0x2c: {  	s7 =	sld [smem:$0x3F9E]  }
0x2d: {  	s3 =	simm.s32 $0x108;
	s8 =	sld [smem:$0x3F9F]  }
0x2e: {  	s3 =	simm.s32 @!p0 $0x1082;
	s9 =	sld [smem:$0x3FA0]  }
0x2f: {  	lr =	sadd.s32 s0, s3;
	s0 =	sld [smem:$0x3F97]  }
0x30: {  	s3 =	sld [smem:$0x3F9A]  }
0x31: {  	[smem:$0x3FA3] =	sst s10  }
0x32: {  	s10 =	sld [smem:$0x3FA1];
	_ =	sdelay $0x3  }
0x33: {  	p0 =	seq.s32 s10, $0x1;
	s10 =	sld [smem:$0x3FA3];
	_ =	sdelay $0x3  }
0x34: {  	[smem:$0x3FA3] =	sst s10  }
0x35: {  	s10 =	sld [smem:$0x3FA2];
	_ =	sdelay $0x3  }
0x36: {  	p1 =	seq.s32 s10, $0x1;
	s10 =	sld [smem:$0x3FA3];
	_ =	sdelay $0x3  }
0x37: {  	[smem:$0x3FA3] =	sst s10  }
0x38: {  	s10 =	sld [smem:$0x3FA4]  }
0x39: {  	_ = 	snop;
	(pc) =	sbr.ind lr, $3  }
0x3a: {  	_ = 	snop  }
0x3b: {  	_ = 	snop  }
0x3c: {  	p2 =	seq.s32 s10, $0x1;
	s10 =	sld [smem:$0x3FA3]  }
0x3d: {  	_ =	shalt  }
0x3e: {  	_ =	shalt  }
0x3f: {  	_ =	shalt  }
0x40: {  	_ =	shalt  }
0x41: {  	_ =	shalt  }
0x42: {  	_ =	shalt  }
0x43: {  	_ =	shalt  }
0x44: {  	_ =	shalt  }
0x45: {  	_ =	shalt  }
0x46: {  	_ =	shalt  }
0x47: {  	_ =	shalt  }
0x48: {  	_ =	shalt  }
0x49: {  	_ =	shalt  }
0x4a: {  	_ =	shalt  }
0x4b: {  	_ =	shalt  }
0x4c: {  	_ =	shalt  }
0x4d: {  	_ =	shalt  }
0x4e: {  	_ =	shalt  }
0x4f: {  	_ =	shalt  }
0x50: {  	_ =	shalt  }
0x51: {  	_ =	shalt  }
0x52: {  	_ =	shalt  }
0x53: {  	_ =	shalt  }
0x54: {  	_ =	shalt  }
0x55: {  	_ =	shalt  }
0x56: {  	_ =	shalt  }
0x57: {  	_ =	shalt  }
0x58: {  	_ =	shalt  }
0x59: {  	_ =	shalt  }
0x5a: {  	_ =	shalt  }
0x5b: {  	_ =	shalt  }
0x5c: {  	_ =	shalt  }
0x5d: {  	_ =	shalt  }
0x5e: {  	_ =	shalt  }
0x5f: {  	_ =	shalt  }
0x60: {  	_ =	shalt  }
0x61: {  	_ =	shalt  }
0x62: {  	_ =	shalt  }
0x63: {  	_ =	shalt  }
0x64: {  	_ =	shalt  }
0x65: {  	_ =	shalt  }
0x66: {  	_ =	shalt  }
0x67: {  	_ =	shalt  }
0x68: {  	_ =	shalt  }
0x69: {  	_ =	shalt  }
0x6a: {  	_ =	shalt  }
0x6b: {  	_ =	shalt  }
0x6c: {  	_ =	shalt  }
0x6d: {  	_ =	shalt  }
0x6e: {  	_ =	shalt  }
0x6f: {  	_ =	shalt  }
0x70: {  	_ =	shalt  }
0x71: {  	_ =	shalt  }
0x72: {  	_ =	shalt  }
0x73: {  	_ =	shalt  }
0x74: {  	_ =	shalt  }
0x75: {  	_ =	shalt  }
0x76: {  	_ =	shalt  }
0x77: {  	_ =	shalt  }
0x78: {  	_ =	shalt  }
0x79: {  	_ =	shalt  }
0x7a: {  	_ =	shalt  }
0x7b: {  	_ =	shalt  }
0x7c: {  	_ =	shalt  }
0x7d: {  	_ =	shalt  }
0x7e: {  	_ =	shalt  }
0x7f: {  	_ =	shalt  }
0x80: {  	_ =	shalt  }
0x81: {  	_ =	shalt  }
0x82: {  	_ =	shalt  }
0x83: {  	_ =	shalt  }
0x84: {  	_ =	shalt  }
0x85: {  	_ =	shalt  }
0x86: {  	_ =	shalt  }
0x87: {  	_ =	shalt  }
.Lfunc_end0:
.L_simem_size_0:
called_computation.3_lowered:
.L_overlay_start_0:
0x88: {  	s2 =	sld [smem:$0x3FD9]  }
0x89: {  	s3 =	sld [smem:$0x3FFE];
	_ =	sdelay $0x1  }
0x8a: {  	s1 =	srdreg.scid  }
0x8b: {  	s0 =	sand.u32 $0x1, s1  }
0x8c: {  	s16 =	sshll.u32 s0, $0xA;
	s2 =	sadd.s32 s3, s2  }
0x8d: {  	s2 =	sadd.s32 s2, s16  }
0x8e: {  	[smem:$0x3FAF] =	sst s2  }
0x8f: {  	_ = 	snop  }
0x90: {  	(tm) =	ssettm $0x1  }
0x91: {  	s17 =	sld [smem:$0x3FFB];
	_ =	sdelay $0x3  }
0x92: {  	_ =	strace s17  }
0x93: {  	s2 =	sld [smem:$0x3FFC];
	_ =	sdelay $0x3  }
0x94: {  	_ =	strace s2  }
0x95: {  	s2 =	sld [smem:$0x3FFD];
	_ =	sdelay $0x3  }
0x96: {  	_ =	strace s2  }
0x97: {  	_ =	strace $0x8FFFFFFF  }
0x98: {  	s18 =	sld [smem:$0x3FDB];
	_ =	sdelay $0x1  }
0x99: {  	s19 =	simm.s32 $_scs_section_size  }
0x9a: {  	s4 =	simm.s32 $_size__tile_overlayer_lowered;
	s5 =	simm.s32 $_tile_overlayer_lowered  }
0x9b: {  	s22 =	simm.s32 $0x1BFF;
	s21 =	sshll.u32 s5, $0x1;
	s2 =	sadd.s32 s19, s18  }
0x9c: {  	s6 =	simm.s32 $0x0;
	s20 =	sshll.u32 s4, $0x1;
	s4 =	sadd.s32 s21, s2  }
0x9d: {  	[timem:s6], [sflag:s22] =	dma.local [hbm:s4], s20  }
0x9e: {  	_ =	swait.ge [sflag:s22], s20  }
0x9f: {  	s3 =	ssub.s32 $0x0, s20;
	[sflag:s22] =	ssyncset.done $0x0  }
0xa0: {  	[sflag:s22] =	ssyncadd.s32 s3;
	_ =	sdelay $0x1  }
0xa1: {  	s23 =	simm.s32 $0x1B8B  }
0xa2: {  	_ =	swait.ge [sflag:s23], $0x1  }
0xa3: {  	[sflag:s23] =	ssyncset.done $0x0  }
0xa4: {  	s25 =	simm.s32 $0x1B8E;
	s24 =	sld [smem:$0x3FFE];
	[sflag:s23] =	ssyncadd.s32 $0xFFFFFFFF  }
0xa5: {  	s26 =	simm.s32 $execute0_lowered;
	[smem:$0x3FD2] =	sst s25  }
0xa6: {  	s4 =	sshll.u32 s26, $0x1;
	_ =	strace $0x8000004C;
	[dreg:$0x1] =	wrdreg $0xFFFFFFFF  }
0xa7: {  	s28 =	simm.s32 $_size_execute0_lowered;
	s2 =	sadd.s32 s2, s4;
	[dreg:$0x0] =	wrdreg $0x0  }
0xa8: {  	s4 =	sshll.u32 s28, $0x1;
	[dreg:$0x2] =	wrdreg s2  }
0xa9: {  	[dreg:$0x3] =	wrdreg s4  }
0xaa: {  	[dreg:$0x4] =	wrdreg $0xC0  }
0xab: {  	_ =	task [dreg:s6], $0x5FFFF  }
0xac: {  	[dreg:$0x1] =	wrdreg $0xFFFFFFFF  }
0xad: {  	[dreg:$0x0] =	wrdreg $0x60  }
0xae: {  	[dreg:$0x2] =	wrdreg s24  }
0xaf: {  	[dreg:$0x3] =	wrdreg $0x9  }
0xb0: {  	_ =	task.clear_ibuf [dreg:s6], $0x4FFFF;
	_ =	strace $0x9000004C  }
0xb1: {  	s29 =	simm.s32 $0x9;
	_ =	strace $0x8000004E  }
0xb2: {  	_ =	swait.ge [sflag:s29], $0x1  }
0xb3: {  	[sflag:s29] =	ssyncadd.s32 $0xFFFFFFFF  }
0xb4: {  	_ =	strace $0x9000004E  }
0xb5: {  	_ =	sfence  }
0xb6: {  	s30 =	sld [smem:$0x0];
	_ =	sdelay $0x2  }
0xb7: {  	s31 =	sshll.u32 s1, $0xD;
	s1 =	sshrl.u32 s1, $0x2  }
0xb8: {  	s3 =	sand.u32 $0x4000, s31;
	s1 =	sadd.s32 s1, s30  }
0xb9: {  	s0 =	sor.u32 s3, s0;
	s1 =	sshll.u32 s1, $0x11  }
0xba: {  	s0 =	sor.u32 s1, s0  }
0xbb: {  	s0 =	sadd.s32 $0x8F2B, s0  }
0xbc: {  	[sflag:s0] =	ssyncadd.remote.s32 $0x1  }
0xbd: {  	_ =	sfence.sel $0xFFFF  }
0xbe: {  	[dreg:$0x0] =	wrdreg $0xFFFFFFFF;
	(pc) =	sbr.abs _section_cstart, $3  }
0xbf: {  	[dreg:$0x1] =	wrdreg $0xFFFFFFFF  }
0xc0: {  	_ =	task.clear_ibuf [dreg:s6], $0x2FFFF;
	_ =	strace $0x9FFFFFFF  }
0xc1: {  	(tm) =	ssettm $0x7FFFFFFF  }
tec
execute0_lowered:
.L_overlay_start_1:
0x0: {  	(tag) =	ssettag $0x1  }
0x1: {  	s6 =	rddreg [dreg:$0x0]  }
0x2: {  	s0 =	rddreg [dreg:$0x1];
	s1 =	simm.s32 $0x0  }
0x3: {  	s2 =	srdreg.scid;
	s11 =	simm.s32 $0x100;
	s12 =	simm.s32 $0x4100  }
0x4: {  	s13 =	simm.s32 $0x1;
	s14 =	simm.s32 $0x2;
	s15 =	simm.s32 $0x0  }
0x5: {  	s20 =	simm.s32 $0x0;
	[smem:$0x7FF] =	sst s1;
	s3 =	sadd.s32 $0x1BC000, s6  }
0x6: {  	s7 =	sand.u32 $0x1, s2;
	s4 =	sadd.s32 $0x1CC00, s6;
	s2 =	stileid.u32  }
0x7: {  	s5 =	sadd.s32 $0x35B400, s6;
	s6 =	sadd.s32 $0x41EA00, s6;
	s8 =	ssub.s32 $0x2, s7  }
0x8: {  	_ =	strace $0x8000004D;
	s10 =	sshll.u32 s2, $0x1;
	s9 =	sshrl.u32 s8, $0x1  }
0x9: {  	s7 =	sor.u32 s7, s10;
	s10 =	simm.s32 $0x80;
	s8 =	ssub.s32 s8, s9  }
0xa: {  	s7 =	smul.u32 $0x6200, s7;
	s9 =	simm.s32 $0x3;
	s8 =	smax.u32 s8, $0x1  }
.LBB2_1:
0xb: {  	s16 =	simm.s32 $0x0  }
.LBB2_2:
0xc: {  	s17 =	sshll.u32 s16, $0x7  }
0xd: {  	s17 =	sadd.s32 s7, s17  }
0xe: {  	s18 =	sshrl.u32 s17, $0x3  }
0xf: {  	s19 =	sadd.s32 s3, s18  }
0x10: {  	[tilespmem:s20], [sflag:$0x3] =	stream.linear.gather [hbm4b:s19+s20], $0x80, $0x38;
	[tilespmem:$0x8100] =	vst v63  }
0x11: {  	_ =	swait.ge [sflag:s9], $0x80  }
0x12: {  	[sflag:s9] =	ssyncset.done $0x0  }
0x13: {  	s18 =	sadd.s32 s4, s18;
	[sflag:s9] =	ssyncadd.s32 $0xFFFFFF80  }
0x14: {  	[tilespmem:s10], [sflag:$0x3] =	stream.linear.gather [hbm4b:s18+s20], $0x80, $0x38;
	[tilespmem:$0x8100] =	vst v63  }
0x15: {  	_ =	swait.ge [sflag:s9], $0x80  }
0x16: {  	[sflag:s9] =	ssyncset.done $0x0  }
0x17: {  	[sflag:s9] =	ssyncadd.s32 $0xFFFFFF80  }
0x18: {  	[tilespmem:s11], [sflag:$0x1] =	stream.indirect.gather [hbm4b:s5+s10], $0x80, s20, s10, $0xb8;
	[tilespmem:$0x8100] =	vst v63  }
0x19: {  	_ = 	snop  }
0x1a: {  	[tilespmem:s12], [sflag:$0x2] =	stream.indirect.gather [hbm4b:s5+s10], $0x80, s10, s10, $0xb8;
	[tilespmem:$0x8100] =	vst v63  }
0x1b: {  	_ =	swait.ge [sflag:s13], $0x4000  }
0x1c: {  	[sflag:s13] =	ssyncset.done $0x0  }
0x1d: {  	[sflag:s13] =	ssyncadd.s32 $0xFFFFC000  }
0x1e: {  	_ =	swait.ge [sflag:s14], $0x4000  }
0x1f: {  	[sflag:s14] =	ssyncset.done $0x0  }
0x20: {  	s18 =	simm.s32 $0x0;
	[sflag:s14] =	ssyncadd.s32 $0xFFFFC000  }
0x21: {  	s19 =	simm.s32 $0x200;
	v0 =	vld [tilespmem:s18+$0x4118]  }
.LBB2_3:
0x22: {  	p0 =	sne.s32 s19, $0xFE00  }
.Ltmp0:
0x23: {  	_ = 	snop;
	(pc) =	sbr.rel @p0 .LBB2_3-.Ltmp0, $3  }
0x24: {  	_ =	sdelay $0x1  }
0x25: {  	[tilespmem:s18+$0x120] =	vst v0;
	s18 =	sshra.s32 s19, $0x2;
	s19 =	sadd.s32 $0x200, s19  }
0x26: {  	v0 =	vld [tilespmem:s18+$0x4118]  }
0x27: {  	_ =	sdelay $0x1  }
0x28: {  	s16 =	sadd.s32 $0x1, s16  }
0x29: {  	s17 =	sshll.u32 s17, $0x4;
	p0 =	sne.s32 s16, $0xC4  }
.Ltmp1:
0x2a: {  	s17 =	sadd.s32 s6, s17;
	[tilespmem:s18+$0x120] =	vst v0;
	(pc) =	sbr.rel @p0 .LBB2_2-.Ltmp1, $4  }
0x2b: {  	[hbm4b:s17+s1] =	stream.linear.scatter [tilespmem:s11], [sflag:$0x3], $0x4000, $0x38;
	[tilespmem:$0x8100] =	vst v63  }
0x2c: {  	_ =	swait.ge [sflag:s9], $0x4000  }
0x2d: {  	[sflag:s9] =	ssyncset.done $0x0  }
0x2e: {  	[sflag:s9] =	ssyncadd.s32 $0xFFFFC000  }
0x2f: {  	s15 =	sadd.s32 $0x1, s15  }
0x30: {  	p0 =	sne.s32 s15, s8  }
.Ltmp2:
0x31: {  	_ = 	snop;
	(pc) =	sbr.rel @p0 .LBB2_1-.Ltmp2, $1  }
0x32: {  	_ =	sdelay $0x3  }
0x33: {  	_ =	sfence.sel $0x180000  }
0x34: {  	[bflag:$0x0] =	sbarrier.arrive $0xFFFF  }
0x35: {  	p0 =	sne.s32 s2, $0x0;
	_ =	strace $0x9000004D  }
0x36: {  	s0 =	sadd.s32 @!p0 $0x100000, s0;
	[bflag:$0x2] =	sbarrier.arrive $0xFFFF  }
0x37: {  	[sflag:s0] =	ssyncadd.tile.s32 @!p0 $0x1;
	_ =	shalt  }
.Lfunc_end2:
_tile_overlayer_lowered:
.L_overlay_start_2:
0x38: {  	(tag) =	ssettag $0x2  }
0x39: {  	s0 =	rddreg [dreg:$0x0];
	s2 =	stileid.u32  }
0x3a: {  	s1 =	rddreg [dreg:$0x1];
	p0 =	sne.s32 s2, $0x0  }
0x3b: {  	s3 =	rddreg [dreg:$0x2];
	[bflag:$0x3] =	sbarrier.arrive $0xFFFF;
	s2 =	simm.s32 @!p0 $0x1C03  }
0x3c: {  	[timem:s3], [sflag:s2] =	dma.local @!p0 [hbm:s0], s1  }
0x3d: {  	s0 =	simm.s32 @!p0 $0x3  }
0x3e: {  	_ =	swait.ge @!p0 [sflag:s0], s1  }
0x3f: {  	s1 =	ssub.s32 @!p0 $0x0, s1;
	[sflag:s0] =	ssyncset.done @!p0 $0x0  }
0x40: {  	[sflag:s0] =	ssyncadd.s32 @!p0 s1  }
0x41: {  	[bflag:$0x3] =	sbarrier.arrive $0xFFFF  }
0x42: {  	_ =	shalt  }

// kernel: kernel.9.cloned.1.call-start
scs
__scs_entry_jumppad:
0x0: {  	(pc) =	sbr.rel $0x88, $3  }
0x1: {  	(tag) =	ssettag $0x0;
	lr =	simm.s32 $0x1  }
0x2: {  	[smem:$0x3F88] =	sst lr;
	_ =	strace $0xD0000000  }
0x3: {  	_ = 	snop  }
0x4: {  	_ = 	snop  }
0x5: {  	_ = 	snop  }
0x6: {  	_ = 	snop  }
0x7: {  	_ = 	snop  }
__scs_overlays_trampoline_lowered:
0x8: {  	[smem:$0x3F97] =	sst s0  }
0x9: {  	[smem:$0x3F98] =	sst s1  }
0xa: {  	[smem:$0x3F99] =	sst s2  }
0xb: {  	[smem:$0x3F9A] =	sst s3  }
0xc: {  	[smem:$0x3F9B] =	sst s4  }
0xd: {  	[smem:$0x3F9C] =	sst s5  }
0xe: {  	[smem:$0x3F9D] =	sst s6  }
0xf: {  	[smem:$0x3F9E] =	sst s7  }
0x10: {  	[smem:$0x3F9F] =	sst s8  }
0x11: {  	[smem:$0x3FA0] =	sst s9;
	s0 =	simm.s32 @!p0 $0x0  }
0x12: {  	s1 =	sld [smem:$0x3F86];
	s0 =	simm.s32 @p0 $0x1  }
0x13: {  	[smem:$0x3FA1] =	sst s0;
	s0 =	simm.s32 @!p1 $0x0  }
0x14: {  	s2 =	sld [smem:$0x3F85];
	s0 =	simm.s32 @p1 $0x1  }
0x15: {  	[smem:$0x3FA2] =	sst s0;
	s0 =	simm.s32 @!p2 $0x0  }
0x16: {  	s3 =	sld [smem:$0x3FDB];
	s0 =	simm.s32 @p2 $0x1  }
0x17: {  	s4 =	simm.s32 $0x1BF5;
	[smem:$0x3FA4] =	sst s0  }
0x18: {  	s0 =	sld [smem:$0x3F87];
	_ =	swait.ge [sflag:s4], $0x0  }
0x19: {  	s7 =	sld [smem:$0x3F88]  }
0x1a: {  	s8 =	sadd.s32 $0xFFFFE003, lr  }
0x1b: {  	s9 =	sadd.s32 $0xFFFFFEF7, lr;
	s5 =	simm.s32 $0xFFFFFFFF;
	p2 =	slt.u32 s8, $0xFFFFF086  }
0x1c: {  	p1 =	slt.u32 s9, $0xF7A;
	s5 =	simm.s32 @!p2 $0x0  }
0x1d: {  	s5 =	simm.s32 @p1 $0x1;
	p0 =	seq.s32 s7, s2  }
0x1e: {  	s7 =	smul.u32 @!p0 $0xF7A, s2;
	p2 =	seq.s32 @!p0 s5, $0x0  }
0x1f: {  	s9 =	smul.u32 $0xF7A, s1;
	s8 =	simm.s32 @!p0 $0x1BF5;
	p2 =	por !p2, p0  }
0x20: {  	[sflag:s8] =	ssyncset.s32 @!p0 $0xFFFFF086;
	s6 =	sadd.s32 @!p0 s3, s7;
	s7 =	simm.s32 @!p0 $0x108  }
0x21: {  	s3 =	sadd.s32 s3, s9;
	s6 =	sadd.s32 @!p0 $0x88, s6;
	s7 =	simm.s32 @p2 $0x1082  }
0x22: {  	[simem:s7], [sflag:s8] =	dma.local @!p0 [hbm:s6], $0xF7A  }
0x23: {  	s9 =	sor.u32 $0xD0000000, s2;
	s6 =	simm.s32 $0x108;
	_ =	swait.ge @!p0 [sflag:s8], $0x0  }
0x24: {  	s3 =	sadd.s32 $0x88, s3;
	s6 =	simm.s32 @!p1 $0x1082;
	[sflag:s4] =	ssyncset.s32 $0xFFFFF086  }
0x25: {  	[simem:s6], [sflag:s4] =	dma.local [hbm:s3], $0xF7A  }
0x26: {  	[smem:$0x3F88] =	sst s1;
	(tag) =	ssettag s2;
	_ =	strace s9  }
0x27: {  	s1 =	sld [smem:$0x3F98]  }
0x28: {  	s2 =	sld [smem:$0x3F99]  }
0x29: {  	s4 =	sld [smem:$0x3F9B]  }
0x2a: {  	p0 =	seq.s32 s5, $0x0;
	s5 =	sld [smem:$0x3F9C]  }
0x2b: {  	s6 =	sld [smem:$0x3F9D]  }
0x2c: {  	s7 =	sld [smem:$0x3F9E]  }
0x2d: {  	s3 =	simm.s32 $0x108;
	s8 =	sld [smem:$0x3F9F]  }
0x2e: {  	s3 =	simm.s32 @!p0 $0x1082;
	s9 =	sld [smem:$0x3FA0]  }
0x2f: {  	lr =	sadd.s32 s0, s3;
	s0 =	sld [smem:$0x3F97]  }
0x30: {  	s3 =	sld [smem:$0x3F9A]  }
0x31: {  	[smem:$0x3FA3] =	sst s10  }
0x32: {  	s10 =	sld [smem:$0x3FA1];
	_ =	sdelay $0x3  }
0x33: {  	p0 =	seq.s32 s10, $0x1;
	s10 =	sld [smem:$0x3FA3];
	_ =	sdelay $0x3  }
0x34: {  	[smem:$0x3FA3] =	sst s10  }
0x35: {  	s10 =	sld [smem:$0x3FA2];
	_ =	sdelay $0x3  }
0x36: {  	p1 =	seq.s32 s10, $0x1;
	s10 =	sld [smem:$0x3FA3];
	_ =	sdelay $0x3  }
0x37: {  	[smem:$0x3FA3] =	sst s10  }
0x38: {  	s10 =	sld [smem:$0x3FA4]  }
0x39: {  	_ = 	snop;
	(pc) =	sbr.ind lr, $3  }
0x3a: {  	_ = 	snop  }
0x3b: {  	_ = 	snop  }
0x3c: {  	p2 =	seq.s32 s10, $0x1;
	s10 =	sld [smem:$0x3FA3]  }
0x3d: {  	_ =	shalt  }
0x3e: {  	_ =	shalt  }
0x3f: {  	_ =	shalt  }
0x40: {  	_ =	shalt  }
0x41: {  	_ =	shalt  }
0x42: {  	_ =	shalt  }
0x43: {  	_ =	shalt  }
0x44: {  	_ =	shalt  }
0x45: {  	_ =	shalt  }
0x46: {  	_ =	shalt  }
0x47: {  	_ =	shalt  }
0x48: {  	_ =	shalt  }
0x49: {  	_ =	shalt  }
0x4a: {  	_ =	shalt  }
0x4b: {  	_ =	shalt  }
0x4c: {  	_ =	shalt  }
0x4d: {  	_ =	shalt  }
0x4e: {  	_ =	shalt  }
0x4f: {  	_ =	shalt  }
0x50: {  	_ =	shalt  }
0x51: {  	_ =	shalt  }
0x52: {  	_ =	shalt  }
0x53: {  	_ =	shalt  }
0x54: {  	_ =	shalt  }
0x55: {  	_ =	shalt  }
0x56: {  	_ =	shalt  }
0x57: {  	_ =	shalt  }
0x58: {  	_ =	shalt  }
0x59: {  	_ =	shalt  }
0x5a: {  	_ =	shalt  }
0x5b: {  	_ =	shalt  }
0x5c: {  	_ =	shalt  }
0x5d: {  	_ =	shalt  }
0x5e: {  	_ =	shalt  }
0x5f: {  	_ =	shalt  }
0x60: {  	_ =	shalt  }
0x61: {  	_ =	shalt  }
0x62: {  	_ =	shalt  }
0x63: {  	_ =	shalt  }
0x64: {  	_ =	shalt  }
0x65: {  	_ =	shalt  }
0x66: {  	_ =	shalt  }
0x67: {  	_ =	shalt  }
0x68: {  	_ =	shalt  }
0x69: {  	_ =	shalt  }
0x6a: {  	_ =	shalt  }
0x6b: {  	_ =	shalt  }
0x6c: {  	_ =	shalt  }
0x6d: {  	_ =	shalt  }
0x6e: {  	_ =	shalt  }
0x6f: {  	_ =	shalt  }
0x70: {  	_ =	shalt  }
0x71: {  	_ =	shalt  }
0x72: {  	_ =	shalt  }
0x73: {  	_ =	shalt  }
0x74: {  	_ =	shalt  }
0x75: {  	_ =	shalt  }
0x76: {  	_ =	shalt  }
0x77: {  	_ =	shalt  }
0x78: {  	_ =	shalt  }
0x79: {  	_ =	shalt  }
0x7a: {  	_ =	shalt  }
0x7b: {  	_ =	shalt  }
0x7c: {  	_ =	shalt  }
0x7d: {  	_ =	shalt  }
0x7e: {  	_ =	shalt  }
0x7f: {  	_ =	shalt  }
0x80: {  	_ =	shalt  }
0x81: {  	_ =	shalt  }
0x82: {  	_ =	shalt  }
0x83: {  	_ =	shalt  }
0x84: {  	_ =	shalt  }
0x85: {  	_ =	shalt  }
0x86: {  	_ =	shalt  }
0x87: {  	_ =	shalt  }
.Lfunc_end0:
.L_simem_size_0:
called_computation.2_lowered:
.L_overlay_start_0:
0x88: {  	s2 =	sld [smem:$0x3FD9]  }
0x89: {  	s3 =	sld [smem:$0x3FFE];
	_ =	sdelay $0x1  }
0x8a: {  	s1 =	srdreg.scid  }
0x8b: {  	s0 =	sand.u32 $0x1, s1  }
0x8c: {  	s16 =	sshll.u32 s0, $0xA;
	s2 =	sadd.s32 s3, s2  }
0x8d: {  	s2 =	sadd.s32 s2, s16  }
0x8e: {  	[smem:$0x3FAF] =	sst s2  }
0x8f: {  	_ = 	snop  }
0x90: {  	(tm) =	ssettm $0x1  }
0x91: {  	s17 =	sld [smem:$0x3FFB];
	_ =	sdelay $0x3  }
0x92: {  	_ =	strace s17  }
0x93: {  	s2 =	sld [smem:$0x3FFC];
	_ =	sdelay $0x3  }
0x94: {  	_ =	strace s2  }
0x95: {  	s2 =	sld [smem:$0x3FFD];
	_ =	sdelay $0x3  }
0x96: {  	_ =	strace s2  }
0x97: {  	_ =	strace $0x8FFFFFFF  }
0x98: {  	s18 =	sld [smem:$0x3FDB];
	_ =	sdelay $0x1  }
0x99: {  	s19 =	simm.s32 $_scs_section_size  }
0x9a: {  	s4 =	simm.s32 $_size__tile_overlayer_lowered;
	s5 =	simm.s32 $_tile_overlayer_lowered  }
0x9b: {  	s22 =	simm.s32 $0x1BFF;
	s21 =	sshll.u32 s5, $0x1;
	s2 =	sadd.s32 s19, s18  }
0x9c: {  	s6 =	simm.s32 $0x0;
	s20 =	sshll.u32 s4, $0x1;
	s4 =	sadd.s32 s21, s2  }
0x9d: {  	[timem:s6], [sflag:s22] =	dma.local [hbm:s4], s20  }
0x9e: {  	_ =	swait.ge [sflag:s22], s20  }
0x9f: {  	s3 =	ssub.s32 $0x0, s20;
	[sflag:s22] =	ssyncset.done $0x0  }
0xa0: {  	[sflag:s22] =	ssyncadd.s32 s3;
	_ =	sdelay $0x1  }
0xa1: {  	s23 =	simm.s32 $0x1B8B  }
0xa2: {  	_ =	swait.ge [sflag:s23], $0x1  }
0xa3: {  	[sflag:s23] =	ssyncset.done $0x0  }
0xa4: {  	s25 =	simm.s32 $0x1B8E;
	s24 =	sld [smem:$0x3FFE];
	[sflag:s23] =	ssyncadd.s32 $0xFFFFFFFF  }
0xa5: {  	s26 =	simm.s32 $execute0_lowered;
	[smem:$0x3FD2] =	sst s25  }
0xa6: {  	s4 =	sshll.u32 s26, $0x1;
	_ =	strace $0x80000046;
	[dreg:$0x1] =	wrdreg $0xFFFFFFFF  }
0xa7: {  	s28 =	simm.s32 $_size_execute0_lowered;
	s2 =	sadd.s32 s2, s4;
	[dreg:$0x0] =	wrdreg $0x0  }
0xa8: {  	s4 =	sshll.u32 s28, $0x1;
	[dreg:$0x2] =	wrdreg s2  }
0xa9: {  	[dreg:$0x3] =	wrdreg s4  }
0xaa: {  	[dreg:$0x4] =	wrdreg $0xC0  }
0xab: {  	_ =	task [dreg:s6], $0x5FFFF  }
0xac: {  	[dreg:$0x1] =	wrdreg $0xFFFFFFFF  }
0xad: {  	[dreg:$0x0] =	wrdreg $0x60  }
0xae: {  	[dreg:$0x2] =	wrdreg s24  }
0xaf: {  	[dreg:$0x3] =	wrdreg $0x9  }
0xb0: {  	_ =	task.clear_ibuf [dreg:s6], $0x4FFFF;
	_ =	strace $0x90000046  }
0xb1: {  	s29 =	simm.s32 $0x9;
	_ =	strace $0x80000048  }
0xb2: {  	_ =	swait.ge [sflag:s29], $0x1  }
0xb3: {  	[sflag:s29] =	ssyncadd.s32 $0xFFFFFFFF  }
0xb4: {  	_ =	strace $0x90000048  }
0xb5: {  	_ =	sfence  }
0xb6: {  	s30 =	sld [smem:$0x0];
	_ =	sdelay $0x2  }
0xb7: {  	s31 =	sshll.u32 s1, $0xD;
	s1 =	sshrl.u32 s1, $0x2  }
0xb8: {  	s3 =	sand.u32 $0x4000, s31;
	s1 =	sadd.s32 s1, s30  }
0xb9: {  	s0 =	sor.u32 s3, s0;
	s1 =	sshll.u32 s1, $0x11  }
0xba: {  	s0 =	sor.u32 s1, s0  }
0xbb: {  	s0 =	sadd.s32 $0x8F2B, s0  }
0xbc: {  	[sflag:s0] =	ssyncadd.remote.s32 $0x1  }
0xbd: {  	_ =	sfence.sel $0xFFFF  }
0xbe: {  	[dreg:$0x0] =	wrdreg $0xFFFFFFFF;
	(pc) =	sbr.abs _section_cstart, $3  }
0xbf: {  	[dreg:$0x1] =	wrdreg $0xFFFFFFFF  }
0xc0: {  	_ =	task.clear_ibuf [dreg:s6], $0x2FFFF;
	_ =	strace $0x9FFFFFFF  }
0xc1: {  	(tm) =	ssettm $0x7FFFFFFF  }
tec
execute0_lowered:
.L_overlay_start_1:
0x0: {  	(tag) =	ssettag $0x1  }
0x1: {  	s7 =	rddreg [dreg:$0x0]  }
0x2: {  	s0 =	rddreg [dreg:$0x1];
	s1 =	simm.s32 $0x0  }
0x3: {  	s2 =	srdreg.scid;
	s12 =	simm.s32 $0x100;
	s13 =	simm.s32 $0x4100  }
0x4: {  	s14 =	simm.s32 $0x1;
	s15 =	simm.s32 $0x2;
	s16 =	simm.s32 $0x0  }
0x5: {  	[smem:$0x7FF] =	sst s1;
	s3 =	sadd.s32 $0x1BC000, s7;
	s4 =	sadd.s32 $0x1CC00, s7  }
0x6: {  	s8 =	sand.u32 $0x1, s2;
	s5 =	sadd.s32 $0x1D4800, s7;
	s2 =	stileid.u32  }
0x7: {  	s6 =	sadd.s32 $0x297E00, s7;
	s7 =	sadd.s32 $0x35B400, s7;
	s9 =	ssub.s32 $0x2, s8  }
0x8: {  	_ =	strace $0x80000047;
	s11 =	sshll.u32 s2, $0x1;
	s10 =	sshrl.u32 s9, $0x1  }
0x9: {  	s8 =	sor.u32 s8, s11;
	s11 =	simm.s32 $0x80;
	s9 =	ssub.s32 s9, s10  }
0xa: {  	s8 =	smul.u32 $0x6200, s8;
	s10 =	simm.s32 $0x3;
	s9 =	smax.u32 s9, $0x1  }
.LBB2_1:
0xb: {  	s17 =	simm.s32 $0x0  }
.LBB2_2:
0xc: {  	s18 =	sshll.u32 s17, $0x7  }
0xd: {  	s18 =	sadd.s32 s8, s18  }
0xe: {  	s19 =	sshrl.u32 s18, $0x3  }
0xf: {  	s21 =	simm.s32 $0x0;
	s20 =	sadd.s32 s3, s19  }
0x10: {  	[tilespmem:s21], [sflag:$0x3] =	stream.linear.gather [hbm4b:s20+s21], $0x80, $0x38;
	[tilespmem:$0x8100] =	vst v63  }
0x11: {  	_ =	swait.ge [sflag:s10], $0x80  }
0x12: {  	[sflag:s10] =	ssyncset.done $0x0  }
0x13: {  	s19 =	sadd.s32 s4, s19;
	[sflag:s10] =	ssyncadd.s32 $0xFFFFFF80  }
0x14: {  	[tilespmem:s11], [sflag:$0x3] =	stream.linear.gather [hbm4b:s19+s21], $0x80, $0x38;
	[tilespmem:$0x8100] =	vst v63  }
0x15: {  	_ =	swait.ge [sflag:s10], $0x80  }
0x16: {  	[sflag:s10] =	ssyncset.done $0x0  }
0x17: {  	[sflag:s10] =	ssyncadd.s32 $0xFFFFFF80  }
0x18: {  	[tilespmem:s12], [sflag:$0x1] =	stream.indirect.gather [hbm4b:s5+s11], $0x80, s21, s11, $0xb8;
	[tilespmem:$0x8100] =	vst v63  }
0x19: {  	_ = 	snop  }
0x1a: {  	[tilespmem:s13], [sflag:$0x2] =	stream.indirect.gather [hbm4b:s6+s11], $0x80, s11, s11, $0xb8;
	[tilespmem:$0x8100] =	vst v63  }
0x1b: {  	_ =	swait.ge [sflag:s14], $0x4000  }
0x1c: {  	[sflag:s14] =	ssyncset.done $0x0  }
0x1d: {  	[sflag:s14] =	ssyncadd.s32 $0xFFFFC000  }
0x1e: {  	_ =	swait.ge [sflag:s15], $0x4000  }
0x1f: {  	[sflag:s15] =	ssyncset.done $0x0  }
0x20: {  	s19 =	simm.s32 $0x0;
	[sflag:s15] =	ssyncadd.s32 $0xFFFFC000  }
0x21: {  	v0 =	vld [tilespmem:s19+$0x4120]  }
0x22: {  	v1 =	vld [tilespmem:s19+$0x4100]  }
0x23: {  	s20 =	simm.s32 $0x200;
	v2 =	vld [tilespmem:s19+$0x4110]  }
.LBB2_3:
0x24: {  	p0 =	sne.s32 s20, $0xFE00  }
.Ltmp0:
0x25: {  	_ = 	snop;
	(pc) =	sbr.rel @p0 .LBB2_3-.Ltmp0, $4  }
0x26: {  	s21 =	sshra.s32 s20, $0x2;
	[tilespmem:s19+$0x170] =	vst v0  }
0x27: {  	v0 =	vld [tilespmem:s21+$0x4120];
	[tilespmem:s19+$0x150] =	vst v1  }
0x28: {  	v1 =	vld [tilespmem:s21+$0x4100];
	[tilespmem:s19+$0x160] =	vst v2;
	s19 =	smov.u32 s21  }
0x29: {  	s20 =	sadd.s32 $0x200, s20;
	v2 =	vld [tilespmem:s19+$0x4110]  }
0x2a: {  	_ =	sdelay $0x1  }
0x2b: {  	s17 =	sadd.s32 $0x1, s17;
	[tilespmem:s19+$0x170] =	vst v0  }
0x2c: {  	s18 =	sshll.u32 s18, $0x4;
	p0 =	sne.s32 s17, $0xC4;
	[tilespmem:s19+$0x150] =	vst v1  }
.Ltmp1:
0x2d: {  	s18 =	sadd.s32 s7, s18;
	[tilespmem:s19+$0x160] =	vst v2;
	(pc) =	sbr.rel @p0 .LBB2_2-.Ltmp1, $4  }
0x2e: {  	[hbm4b:s18+s1] =	stream.linear.scatter [tilespmem:s12], [sflag:$0x3], $0x4000, $0x38;
	[tilespmem:$0x8100] =	vst v63  }
0x2f: {  	_ =	swait.ge [sflag:s10], $0x4000  }
0x30: {  	[sflag:s10] =	ssyncset.done $0x0  }
0x31: {  	[sflag:s10] =	ssyncadd.s32 $0xFFFFC000  }
0x32: {  	s16 =	sadd.s32 $0x1, s16  }
0x33: {  	p0 =	sne.s32 s16, s9  }
.Ltmp2:
0x34: {  	_ = 	snop;
	(pc) =	sbr.rel @p0 .LBB2_1-.Ltmp2, $1  }
0x35: {  	_ =	sdelay $0x3  }
0x36: {  	_ =	sfence.sel $0x180000  }
0x37: {  	[bflag:$0x0] =	sbarrier.arrive $0xFFFF  }
0x38: {  	p0 =	sne.s32 s2, $0x0;
	_ =	strace $0x90000047  }
0x39: {  	s0 =	sadd.s32 @!p0 $0x100000, s0;
	[bflag:$0x2] =	sbarrier.arrive $0xFFFF  }
0x3a: {  	[sflag:s0] =	ssyncadd.tile.s32 @!p0 $0x1;
	_ =	shalt  }
.Lfunc_end2:
_tile_overlayer_lowered:
.L_overlay_start_2:
0x3b: {  	(tag) =	ssettag $0x2  }
0x3c: {  	s0 =	rddreg [dreg:$0x0];
	s2 =	stileid.u32  }
0x3d: {  	s1 =	rddreg [dreg:$0x1];
	p0 =	sne.s32 s2, $0x0  }
0x3e: {  	s3 =	rddreg [dreg:$0x2];
	[bflag:$0x3] =	sbarrier.arrive $0xFFFF;
	s2 =	simm.s32 @!p0 $0x1C03  }
0x3f: {  	[timem:s3], [sflag:s2] =	dma.local @!p0 [hbm:s0], s1  }
0x40: {  	s0 =	simm.s32 @!p0 $0x3  }
0x41: {  	_ =	swait.ge @!p0 [sflag:s0], s1  }
0x42: {  	s1 =	ssub.s32 @!p0 $0x0, s1;
	[sflag:s0] =	ssyncset.done @!p0 $0x0  }
0x43: {  	[sflag:s0] =	ssyncadd.s32 @!p0 s1  }
0x44: {  	[bflag:$0x3] =	sbarrier.arrive $0xFFFF  }
0x45: {  	_ =	shalt  }

// kernel: scatter_offload_async_start.1
scs
__scs_entry_jumppad:
0x0: {  	(pc) =	sbr.rel $0x88, $3  }
0x1: {  	(tag) =	ssettag $0x0;
	lr =	simm.s32 $0x1  }
0x2: {  	[smem:$0x3F88] =	sst lr;
	_ =	strace $0xD0000000  }
0x3: {  	_ = 	snop  }
0x4: {  	_ = 	snop  }
0x5: {  	_ = 	snop  }
0x6: {  	_ = 	snop  }
0x7: {  	_ = 	snop  }
__scs_overlays_trampoline_lowered:
0x8: {  	[smem:$0x3F97] =	sst s0  }
0x9: {  	[smem:$0x3F98] =	sst s1  }
0xa: {  	[smem:$0x3F99] =	sst s2  }
0xb: {  	[smem:$0x3F9A] =	sst s3  }
0xc: {  	[smem:$0x3F9B] =	sst s4  }
0xd: {  	[smem:$0x3F9C] =	sst s5  }
0xe: {  	[smem:$0x3F9D] =	sst s6  }
0xf: {  	[smem:$0x3F9E] =	sst s7  }
0x10: {  	[smem:$0x3F9F] =	sst s8  }
0x11: {  	[smem:$0x3FA0] =	sst s9;
	s0 =	simm.s32 @!p0 $0x0  }
0x12: {  	s1 =	sld [smem:$0x3F86];
	s0 =	simm.s32 @p0 $0x1  }
0x13: {  	[smem:$0x3FA1] =	sst s0;
	s0 =	simm.s32 @!p1 $0x0  }
0x14: {  	s2 =	sld [smem:$0x3F85];
	s0 =	simm.s32 @p1 $0x1  }
0x15: {  	[smem:$0x3FA2] =	sst s0;
	s0 =	simm.s32 @!p2 $0x0  }
0x16: {  	s3 =	sld [smem:$0x3FDB];
	s0 =	simm.s32 @p2 $0x1  }
0x17: {  	s4 =	simm.s32 $0x1BF5;
	[smem:$0x3FA4] =	sst s0  }
0x18: {  	s0 =	sld [smem:$0x3F87];
	_ =	swait.ge [sflag:s4], $0x0  }
0x19: {  	s7 =	sld [smem:$0x3F88]  }
0x1a: {  	s8 =	sadd.s32 $0xFFFFE003, lr  }
0x1b: {  	s9 =	sadd.s32 $0xFFFFFEF7, lr;
	s5 =	simm.s32 $0xFFFFFFFF;
	p2 =	slt.u32 s8, $0xFFFFF086  }
0x1c: {  	p1 =	slt.u32 s9, $0xF7A;
	s5 =	simm.s32 @!p2 $0x0  }
0x1d: {  	s5 =	simm.s32 @p1 $0x1;
	p0 =	seq.s32 s7, s2  }
0x1e: {  	s7 =	smul.u32 @!p0 $0xF7A, s2;
	p2 =	seq.s32 @!p0 s5, $0x0  }
0x1f: {  	s9 =	smul.u32 $0xF7A, s1;
	s8 =	simm.s32 @!p0 $0x1BF5;
	p2 =	por !p2, p0  }
0x20: {  	[sflag:s8] =	ssyncset.s32 @!p0 $0xFFFFF086;
	s6 =	sadd.s32 @!p0 s3, s7;
	s7 =	simm.s32 @!p0 $0x108  }
0x21: {  	s3 =	sadd.s32 s3, s9;
	s6 =	sadd.s32 @!p0 $0x88, s6;
	s7 =	simm.s32 @p2 $0x1082  }
0x22: {  	[simem:s7], [sflag:s8] =	dma.local @!p0 [hbm:s6], $0xF7A  }
0x23: {  	s9 =	sor.u32 $0xD0000000, s2;
	s6 =	simm.s32 $0x108;
	_ =	swait.ge @!p0 [sflag:s8], $0x0  }
0x24: {  	s3 =	sadd.s32 $0x88, s3;
	s6 =	simm.s32 @!p1 $0x1082;
	[sflag:s4] =	ssyncset.s32 $0xFFFFF086  }
0x25: {  	[simem:s6], [sflag:s4] =	dma.local [hbm:s3], $0xF7A  }
0x26: {  	[smem:$0x3F88] =	sst s1;
	(tag) =	ssettag s2;
	_ =	strace s9  }
0x27: {  	s1 =	sld [smem:$0x3F98]  }
0x28: {  	s2 =	sld [smem:$0x3F99]  }
0x29: {  	s4 =	sld [smem:$0x3F9B]  }
0x2a: {  	p0 =	seq.s32 s5, $0x0;
	s5 =	sld [smem:$0x3F9C]  }
0x2b: {  	s6 =	sld [smem:$0x3F9D]  }
0x2c: {  	s7 =	sld [smem:$0x3F9E]  }
0x2d: {  	s3 =	simm.s32 $0x108;
	s8 =	sld [smem:$0x3F9F]  }
0x2e: {  	s3 =	simm.s32 @!p0 $0x1082;
	s9 =	sld [smem:$0x3FA0]  }
0x2f: {  	lr =	sadd.s32 s0, s3;
	s0 =	sld [smem:$0x3F97]  }
0x30: {  	s3 =	sld [smem:$0x3F9A]  }
0x31: {  	[smem:$0x3FA3] =	sst s10  }
0x32: {  	s10 =	sld [smem:$0x3FA1];
	_ =	sdelay $0x3  }
0x33: {  	p0 =	seq.s32 s10, $0x1;
	s10 =	sld [smem:$0x3FA3];
	_ =	sdelay $0x3  }
0x34: {  	[smem:$0x3FA3] =	sst s10  }
0x35: {  	s10 =	sld [smem:$0x3FA2];
	_ =	sdelay $0x3  }
0x36: {  	p1 =	seq.s32 s10, $0x1;
	s10 =	sld [smem:$0x3FA3];
	_ =	sdelay $0x3  }
0x37: {  	[smem:$0x3FA3] =	sst s10  }
0x38: {  	s10 =	sld [smem:$0x3FA4]  }
0x39: {  	_ = 	snop;
	(pc) =	sbr.ind lr, $3  }
0x3a: {  	_ = 	snop  }
0x3b: {  	_ = 	snop  }
0x3c: {  	p2 =	seq.s32 s10, $0x1;
	s10 =	sld [smem:$0x3FA3]  }
0x3d: {  	_ =	shalt  }
0x3e: {  	_ =	shalt  }
0x3f: {  	_ =	shalt  }
0x40: {  	_ =	shalt  }
0x41: {  	_ =	shalt  }
0x42: {  	_ =	shalt  }
0x43: {  	_ =	shalt  }
0x44: {  	_ =	shalt  }
0x45: {  	_ =	shalt  }
0x46: {  	_ =	shalt  }
0x47: {  	_ =	shalt  }
0x48: {  	_ =	shalt  }
0x49: {  	_ =	shalt  }
0x4a: {  	_ =	shalt  }
0x4b: {  	_ =	shalt  }
0x4c: {  	_ =	shalt  }
0x4d: {  	_ =	shalt  }
0x4e: {  	_ =	shalt  }
0x4f: {  	_ =	shalt  }
0x50: {  	_ =	shalt  }
0x51: {  	_ =	shalt  }
0x52: {  	_ =	shalt  }
0x53: {  	_ =	shalt  }
0x54: {  	_ =	shalt  }
0x55: {  	_ =	shalt  }
0x56: {  	_ =	shalt  }
0x57: {  	_ =	shalt  }
0x58: {  	_ =	shalt  }
0x59: {  	_ =	shalt  }
0x5a: {  	_ =	shalt  }
0x5b: {  	_ =	shalt  }
0x5c: {  	_ =	shalt  }
0x5d: {  	_ =	shalt  }
0x5e: {  	_ =	shalt  }
0x5f: {  	_ =	shalt  }
0x60: {  	_ =	shalt  }
0x61: {  	_ =	shalt  }
0x62: {  	_ =	shalt  }
0x63: {  	_ =	shalt  }
0x64: {  	_ =	shalt  }
0x65: {  	_ =	shalt  }
0x66: {  	_ =	shalt  }
0x67: {  	_ =	shalt  }
0x68: {  	_ =	shalt  }
0x69: {  	_ =	shalt  }
0x6a: {  	_ =	shalt  }
0x6b: {  	_ =	shalt  }
0x6c: {  	_ =	shalt  }
0x6d: {  	_ =	shalt  }
0x6e: {  	_ =	shalt  }
0x6f: {  	_ =	shalt  }
0x70: {  	_ =	shalt  }
0x71: {  	_ =	shalt  }
0x72: {  	_ =	shalt  }
0x73: {  	_ =	shalt  }
0x74: {  	_ =	shalt  }
0x75: {  	_ =	shalt  }
0x76: {  	_ =	shalt  }
0x77: {  	_ =	shalt  }
0x78: {  	_ =	shalt  }
0x79: {  	_ =	shalt  }
0x7a: {  	_ =	shalt  }
0x7b: {  	_ =	shalt  }
0x7c: {  	_ =	shalt  }
0x7d: {  	_ =	shalt  }
0x7e: {  	_ =	shalt  }
0x7f: {  	_ =	shalt  }
0x80: {  	_ =	shalt  }
0x81: {  	_ =	shalt  }
0x82: {  	_ =	shalt  }
0x83: {  	_ =	shalt  }
0x84: {  	_ =	shalt  }
0x85: {  	_ =	shalt  }
0x86: {  	_ =	shalt  }
0x87: {  	_ =	shalt  }
.Lfunc_end0:
.L_simem_size_0:
called_computation.1_lowered:
.L_overlay_start_0:
0x88: {  	s2 =	sld [smem:$0x3FD9]  }
0x89: {  	s3 =	sld [smem:$0x3FFE];
	_ =	sdelay $0x1  }
0x8a: {  	s1 =	srdreg.scid  }
0x8b: {  	s0 =	sand.u32 $0x1, s1  }
0x8c: {  	s15 =	sshll.u32 s0, $0xA;
	s2 =	sadd.s32 s3, s2  }
0x8d: {  	s2 =	sadd.s32 s2, s15  }
0x8e: {  	[smem:$0x3FAF] =	sst s2  }
0x8f: {  	_ = 	snop  }
0x90: {  	(tm) =	ssettm $0x1  }
0x91: {  	s16 =	sld [smem:$0x3FFB];
	_ =	sdelay $0x3  }
0x92: {  	_ =	strace s16  }
0x93: {  	s2 =	sld [smem:$0x3FFC];
	_ =	sdelay $0x3  }
0x94: {  	_ =	strace s2  }
0x95: {  	s2 =	sld [smem:$0x3FFD];
	_ =	sdelay $0x3  }
0x96: {  	_ =	strace s2  }
0x97: {  	_ =	strace $0x8FFFFFFF  }
0x98: {  	s17 =	sld [smem:$0x3FDB];
	_ =	sdelay $0x1  }
0x99: {  	s18 =	simm.s32 $_scs_section_size  }
0x9a: {  	s4 =	simm.s32 $_size__tile_overlayer_lowered;
	s5 =	simm.s32 $_tile_overlayer_lowered  }
0x9b: {  	s21 =	simm.s32 $0x1BFF;
	s20 =	sshll.u32 s5, $0x1;
	s2 =	sadd.s32 s18, s17  }
0x9c: {  	s6 =	simm.s32 $0x0;
	s19 =	sshll.u32 s4, $0x1;
	s4 =	sadd.s32 s20, s2  }
0x9d: {  	[timem:s6], [sflag:s21] =	dma.local [hbm:s4], s19  }
0x9e: {  	_ =	swait.ge [sflag:s21], s19  }
0x9f: {  	s3 =	ssub.s32 $0x0, s19;
	[sflag:s21] =	ssyncset.done $0x0  }
0xa0: {  	[sflag:s21] =	ssyncadd.s32 s3;
	_ =	sdelay $0x1  }
0xa1: {  	s22 =	simm.s32 $0x1B8B  }
0xa2: {  	_ =	swait.ge [sflag:s22], $0x1  }
0xa3: {  	[sflag:s22] =	ssyncset.done $0x0  }
0xa4: {  	s23 =	sld [smem:$0x3FFE];
	[sflag:s22] =	ssyncadd.s32 $0xFFFFFFFF  }
0xa5: {  	s25 =	simm.s32 $0x1B8E;
	s24 =	sld [smem:$0x0]  }
0xa6: {  	s26 =	simm.s32 $execute0_lowered;
	[smem:$0x3FD2] =	sst s25  }
0xa7: {  	s5 =	sshll.u32 s26, $0x1;
	_ =	strace $0x8000004F;
	[dreg:$0x1] =	wrdreg $0xFFFFFFFF  }
0xa8: {  	s28 =	simm.s32 $_size_execute0_lowered;
	s2 =	sadd.s32 s2, s5;
	[dreg:$0x0] =	wrdreg $0x0  }
0xa9: {  	s5 =	sshll.u32 s28, $0x1;
	[dreg:$0x2] =	wrdreg s2  }
0xaa: {  	[dreg:$0x3] =	wrdreg s5  }
0xab: {  	[dreg:$0x4] =	wrdreg $0xC0  }
0xac: {  	_ =	task [dreg:s6], $0x5FFFF  }
0xad: {  	[dreg:$0x1] =	wrdreg $0xFFFFFFFF  }
0xae: {  	[dreg:$0x0] =	wrdreg $0x60  }
0xaf: {  	[dreg:$0x2] =	wrdreg s23  }
0xb0: {  	[dreg:$0x3] =	wrdreg s1  }
0xb1: {  	[dreg:$0x4] =	wrdreg s24  }
0xb2: {  	[dreg:$0x5] =	wrdreg $0x9  }
0xb3: {  	_ =	task.clear_ibuf [dreg:s6], $0x6FFFF;
	_ =	strace $0x9000004F  }
0xb4: {  	s29 =	simm.s32 $0x9;
	_ =	strace $0x80000051  }
0xb5: {  	_ =	swait.ge [sflag:s29], $0x1  }
0xb6: {  	[sflag:s29] =	ssyncadd.s32 $0xFFFFFFFF  }
0xb7: {  	_ =	strace $0x90000051  }
0xb8: {  	_ =	sfence  }
0xb9: {  	s30 =	sld [smem:$0x0];
	_ =	sdelay $0x2  }
0xba: {  	s31 =	sshll.u32 s1, $0xD;
	s1 =	sshrl.u32 s1, $0x2  }
0xbb: {  	s3 =	sand.u32 $0x4000, s31;
	s1 =	sadd.s32 s1, s30  }
0xbc: {  	s0 =	sor.u32 s3, s0;
	s1 =	sshll.u32 s1, $0x11  }
0xbd: {  	s0 =	sor.u32 s1, s0  }
0xbe: {  	s0 =	sadd.s32 $0x8F2B, s0  }
0xbf: {  	[sflag:s0] =	ssyncadd.remote.s32 $0x1  }
0xc0: {  	_ =	sfence.sel $0xFFFF  }
0xc1: {  	[dreg:$0x0] =	wrdreg $0xFFFFFFFF;
	(pc) =	sbr.abs _section_cstart, $3  }
0xc2: {  	[dreg:$0x1] =	wrdreg $0xFFFFFFFF  }
0xc3: {  	_ =	task.clear_ibuf [dreg:s6], $0x2FFFF;
	_ =	strace $0x9FFFFFFF  }
0xc4: {  	(tm) =	ssettm $0x7FFFFFFF  }
0xc5: {  	_ =	shalt  }
tec
execute0_lowered:
.L_overlay_start_1:
0x0: {  	(tag) =	ssettag $0x1  }
0x1: {  	s11 =	rddreg [dreg:$0x0]  }
0x2: {  	s2 =	rddreg [dreg:$0x1];
	_ =	strace $0x80000050;
	s12 =	simm.s32 $0x1  }
0x3: {  	v0 =	vimm.s32 $0x0;
	[sflag:s12] =	ssyncpa.u1 $0x0  }
0x4: {  	[tilespmem:$0x28] =	vst v0  }
0x5: {  	[tilespmem:$0x38] =	vst v0  }
0x6: {  	[tilespmem:$0x48] =	vst v0  }
0x7: {  	[tilespmem:$0x58] =	vst v0  }
0x8: {  	[tilespmem:$0x68] =	vst v0  }
0x9: {  	[tilespmem:$0x78] =	vst v0  }
0xa: {  	[tilespmem:$0x88] =	vst v0  }
0xb: {  	[tilespmem:$0x98] =	vst v0  }
0xc: {  	[tilespmem:$0xA8] =	vst v0  }
0xd: {  	[tilespmem:$0xB8] =	vst v0  }
0xe: {  	[tilespmem:$0xC8] =	vst v0  }
0xf: {  	[tilespmem:$0xD8] =	vst v0  }
0x10: {  	[tilespmem:$0xE8] =	vst v0  }
0x11: {  	[tilespmem:$0xF8] =	vst v0  }
0x12: {  	[tilespmem:$0x108] =	vst v0  }
0x13: {  	[tilespmem:$0x118] =	vst v0  }
0x14: {  	[tilespmem:$0x128] =	vst v0  }
0x15: {  	[tilespmem:$0x138] =	vst v0  }
0x16: {  	[tilespmem:$0x148] =	vst v0  }
0x17: {  	[tilespmem:$0x158] =	vst v0  }
0x18: {  	[tilespmem:$0x168] =	vst v0  }
0x19: {  	[tilespmem:$0x178] =	vst v0  }
0x1a: {  	[tilespmem:$0x188] =	vst v0  }
0x1b: {  	[tilespmem:$0x198] =	vst v0  }
0x1c: {  	[tilespmem:$0x1A8] =	vst v0  }
0x1d: {  	[tilespmem:$0x1B8] =	vst v0  }
0x1e: {  	[tilespmem:$0x1C8] =	vst v0  }
0x1f: {  	[tilespmem:$0x1D8] =	vst v0  }
0x20: {  	[tilespmem:$0x1E8] =	vst v0  }
0x21: {  	[tilespmem:$0x1F8] =	vst v0  }
0x22: {  	[tilespmem:$0x208] =	vst v0  }
0x23: {  	[tilespmem:$0x218] =	vst v0  }
0x24: {  	[tilespmem:$0x228] =	vst v0  }
0x25: {  	[tilespmem:$0x238] =	vst v0  }
0x26: {  	[tilespmem:$0x248] =	vst v0  }
0x27: {  	[tilespmem:$0x258] =	vst v0  }
0x28: {  	[tilespmem:$0x268] =	vst v0  }
0x29: {  	[tilespmem:$0x278] =	vst v0  }
0x2a: {  	[tilespmem:$0x288] =	vst v0  }
0x2b: {  	[tilespmem:$0x298] =	vst v0  }
0x2c: {  	[tilespmem:$0x2A8] =	vst v0  }
0x2d: {  	[tilespmem:$0x2B8] =	vst v0  }
0x2e: {  	[tilespmem:$0x2C8] =	vst v0  }
0x2f: {  	[tilespmem:$0x2D8] =	vst v0  }
0x30: {  	[tilespmem:$0x2E8] =	vst v0  }
0x31: {  	[tilespmem:$0x2F8] =	vst v0  }
0x32: {  	[tilespmem:$0x308] =	vst v0  }
0x33: {  	[tilespmem:$0x318] =	vst v0  }
0x34: {  	[tilespmem:$0x328] =	vst v0  }
0x35: {  	[tilespmem:$0x338] =	vst v0  }
0x36: {  	[tilespmem:$0x348] =	vst v0  }
0x37: {  	[tilespmem:$0x358] =	vst v0  }
0x38: {  	[tilespmem:$0x368] =	vst v0  }
0x39: {  	[tilespmem:$0x378] =	vst v0  }
0x3a: {  	[tilespmem:$0x388] =	vst v0  }
0x3b: {  	[tilespmem:$0x398] =	vst v0  }
0x3c: {  	[tilespmem:$0x3A8] =	vst v0  }
0x3d: {  	[tilespmem:$0x3B8] =	vst v0  }
0x3e: {  	[tilespmem:$0x3C8] =	vst v0  }
0x3f: {  	[tilespmem:$0x3D8] =	vst v0  }
0x40: {  	[tilespmem:$0x3E8] =	vst v0  }
0x41: {  	[tilespmem:$0x3F8] =	vst v0  }
0x42: {  	[tilespmem:$0x408] =	vst v0  }
0x43: {  	[tilespmem:$0x418] =	vst v0  }
0x44: {  	[tilespmem:$0x428] =	vst v0  }
0x45: {  	[tilespmem:$0x438] =	vst v0  }
0x46: {  	[tilespmem:$0x448] =	vst v0  }
0x47: {  	[tilespmem:$0x458] =	vst v0  }
0x48: {  	[tilespmem:$0x468] =	vst v0  }
0x49: {  	[tilespmem:$0x478] =	vst v0  }
0x4a: {  	[tilespmem:$0x488] =	vst v0  }
0x4b: {  	[tilespmem:$0x498] =	vst v0  }
0x4c: {  	[tilespmem:$0x4A8] =	vst v0  }
0x4d: {  	[tilespmem:$0x4B8] =	vst v0  }
0x4e: {  	[tilespmem:$0x4C8] =	vst v0  }
0x4f: {  	[tilespmem:$0x4D8] =	vst v0  }
0x50: {  	[tilespmem:$0x4E8] =	vst v0  }
0x51: {  	[tilespmem:$0x4F8] =	vst v0  }
0x52: {  	[tilespmem:$0x508] =	vst v0  }
0x53: {  	[tilespmem:$0x518] =	vst v0  }
0x54: {  	[tilespmem:$0x528] =	vst v0  }
0x55: {  	[tilespmem:$0x538] =	vst v0  }
0x56: {  	[tilespmem:$0x548] =	vst v0  }
0x57: {  	[tilespmem:$0x558] =	vst v0  }
0x58: {  	[tilespmem:$0x568] =	vst v0  }
0x59: {  	[tilespmem:$0x578] =	vst v0  }
0x5a: {  	[tilespmem:$0x588] =	vst v0  }
0x5b: {  	[tilespmem:$0x598] =	vst v0  }
0x5c: {  	[tilespmem:$0x5A8] =	vst v0  }
0x5d: {  	[tilespmem:$0x5B8] =	vst v0  }
0x5e: {  	[tilespmem:$0x5C8] =	vst v0  }
0x5f: {  	[tilespmem:$0x5D8] =	vst v0  }
0x60: {  	[tilespmem:$0x5E8] =	vst v0  }
0x61: {  	[tilespmem:$0x5F8] =	vst v0  }
0x62: {  	[tilespmem:$0x608] =	vst v0  }
0x63: {  	[tilespmem:$0x618] =	vst v0  }
0x64: {  	[tilespmem:$0x628] =	vst v0  }
0x65: {  	[tilespmem:$0x638] =	vst v0  }
0x66: {  	[tilespmem:$0x648] =	vst v0  }
0x67: {  	[tilespmem:$0x658] =	vst v0  }
0x68: {  	[tilespmem:$0x668] =	vst v0  }
0x69: {  	[tilespmem:$0x678] =	vst v0  }
0x6a: {  	[tilespmem:$0x688] =	vst v0  }
0x6b: {  	[tilespmem:$0x698] =	vst v0  }
0x6c: {  	[tilespmem:$0x6A8] =	vst v0  }
0x6d: {  	[tilespmem:$0x6B8] =	vst v0  }
0x6e: {  	[tilespmem:$0x6C8] =	vst v0  }
0x6f: {  	[tilespmem:$0x6D8] =	vst v0  }
0x70: {  	[tilespmem:$0x6E8] =	vst v0  }
0x71: {  	[tilespmem:$0x6F8] =	vst v0  }
0x72: {  	[tilespmem:$0x708] =	vst v0  }
0x73: {  	[tilespmem:$0x718] =	vst v0  }
0x74: {  	[tilespmem:$0x728] =	vst v0  }
0x75: {  	[tilespmem:$0x738] =	vst v0  }
0x76: {  	[tilespmem:$0x748] =	vst v0  }
0x77: {  	[tilespmem:$0x758] =	vst v0  }
0x78: {  	[tilespmem:$0x768] =	vst v0  }
0x79: {  	[tilespmem:$0x778] =	vst v0  }
0x7a: {  	[tilespmem:$0x788] =	vst v0  }
0x7b: {  	[tilespmem:$0x798] =	vst v0  }
0x7c: {  	[tilespmem:$0x7A8] =	vst v0  }
0x7d: {  	[tilespmem:$0x7B8] =	vst v0  }
0x7e: {  	[tilespmem:$0x7C8] =	vst v0  }
0x7f: {  	[tilespmem:$0x7D8] =	vst v0  }
0x80: {  	[tilespmem:$0x7E8] =	vst v0  }
0x81: {  	[tilespmem:$0x7F8] =	vst v0  }
0x82: {  	[tilespmem:$0x808] =	vst v0  }
0x83: {  	[tilespmem:$0x818] =	vst v0  }
0x84: {  	[tilespmem:$0x828] =	vst v0  }
0x85: {  	[tilespmem:$0x838] =	vst v0  }
0x86: {  	[tilespmem:$0x848] =	vst v0  }
0x87: {  	[tilespmem:$0x858] =	vst v0  }
0x88: {  	[tilespmem:$0x868] =	vst v0  }
0x89: {  	[tilespmem:$0x878] =	vst v0  }
0x8a: {  	[tilespmem:$0x888] =	vst v0  }
0x8b: {  	[tilespmem:$0x898] =	vst v0  }
0x8c: {  	[tilespmem:$0x8A8] =	vst v0  }
0x8d: {  	[tilespmem:$0x8B8] =	vst v0  }
0x8e: {  	[tilespmem:$0x8C8] =	vst v0  }
0x8f: {  	[tilespmem:$0x8D8] =	vst v0  }
0x90: {  	[tilespmem:$0x8E8] =	vst v0  }
0x91: {  	[tilespmem:$0x8F8] =	vst v0  }
0x92: {  	[tilespmem:$0x908] =	vst v0  }
0x93: {  	[tilespmem:$0x918] =	vst v0  }
0x94: {  	[tilespmem:$0x928] =	vst v0  }
0x95: {  	[tilespmem:$0x938] =	vst v0  }
0x96: {  	[tilespmem:$0x948] =	vst v0  }
0x97: {  	[tilespmem:$0x958] =	vst v0  }
0x98: {  	[tilespmem:$0x968] =	vst v0  }
0x99: {  	[tilespmem:$0x978] =	vst v0  }
0x9a: {  	[tilespmem:$0x988] =	vst v0  }
0x9b: {  	[tilespmem:$0x998] =	vst v0  }
0x9c: {  	[tilespmem:$0x9A8] =	vst v0  }
0x9d: {  	[tilespmem:$0x9B8] =	vst v0  }
0x9e: {  	[tilespmem:$0x9C8] =	vst v0  }
0x9f: {  	[tilespmem:$0x9D8] =	vst v0  }
0xa0: {  	[tilespmem:$0x9E8] =	vst v0  }
0xa1: {  	[tilespmem:$0x9F8] =	vst v0  }
0xa2: {  	[tilespmem:$0xA08] =	vst v0  }
0xa3: {  	[tilespmem:$0xA18] =	vst v0  }
0xa4: {  	[tilespmem:$0xA28] =	vst v0  }
0xa5: {  	[tilespmem:$0xA38] =	vst v0  }
0xa6: {  	[tilespmem:$0xA48] =	vst v0  }
0xa7: {  	[tilespmem:$0xA58] =	vst v0  }
0xa8: {  	[tilespmem:$0xA68] =	vst v0  }
0xa9: {  	[tilespmem:$0xA78] =	vst v0  }
0xaa: {  	[tilespmem:$0xA88] =	vst v0  }
0xab: {  	[tilespmem:$0xA98] =	vst v0  }
0xac: {  	[tilespmem:$0xAA8] =	vst v0  }
0xad: {  	[tilespmem:$0xAB8] =	vst v0  }
0xae: {  	[tilespmem:$0xAC8] =	vst v0  }
0xaf: {  	[tilespmem:$0xAD8] =	vst v0  }
0xb0: {  	[tilespmem:$0xAE8] =	vst v0  }
0xb1: {  	[tilespmem:$0xAF8] =	vst v0  }
0xb2: {  	[tilespmem:$0xB08] =	vst v0  }
0xb3: {  	[tilespmem:$0xB18] =	vst v0  }
0xb4: {  	[tilespmem:$0xB28] =	vst v0  }
0xb5: {  	[tilespmem:$0xB38] =	vst v0  }
0xb6: {  	[tilespmem:$0xB48] =	vst v0  }
0xb7: {  	[tilespmem:$0xB58] =	vst v0  }
0xb8: {  	[tilespmem:$0xB68] =	vst v0  }
0xb9: {  	[tilespmem:$0xB78] =	vst v0  }
0xba: {  	[tilespmem:$0xB88] =	vst v0  }
0xbb: {  	[tilespmem:$0xB98] =	vst v0  }
0xbc: {  	[tilespmem:$0xBA8] =	vst v0  }
0xbd: {  	[tilespmem:$0xBB8] =	vst v0  }
0xbe: {  	[tilespmem:$0xBC8] =	vst v0  }
0xbf: {  	[tilespmem:$0xBD8] =	vst v0  }
0xc0: {  	[tilespmem:$0xBE8] =	vst v0  }
0xc1: {  	[tilespmem:$0xBF8] =	vst v0  }
0xc2: {  	[tilespmem:$0xC08] =	vst v0  }
0xc3: {  	[tilespmem:$0xC18] =	vst v0  }
0xc4: {  	[tilespmem:$0xC28] =	vst v0  }
0xc5: {  	[tilespmem:$0xC38] =	vst v0  }
0xc6: {  	[tilespmem:$0xC48] =	vst v0  }
0xc7: {  	[tilespmem:$0xC58] =	vst v0  }
0xc8: {  	[tilespmem:$0xC68] =	vst v0  }
0xc9: {  	[tilespmem:$0xC78] =	vst v0  }
0xca: {  	[tilespmem:$0xC88] =	vst v0  }
0xcb: {  	[tilespmem:$0xC98] =	vst v0  }
0xcc: {  	[tilespmem:$0xCA8] =	vst v0  }
0xcd: {  	[tilespmem:$0xCB8] =	vst v0  }
0xce: {  	[tilespmem:$0xCC8] =	vst v0  }
0xcf: {  	[tilespmem:$0xCD8] =	vst v0  }
0xd0: {  	[tilespmem:$0xCE8] =	vst v0  }
0xd1: {  	[tilespmem:$0xCF8] =	vst v0  }
0xd2: {  	[tilespmem:$0xD08] =	vst v0  }
0xd3: {  	[tilespmem:$0xD18] =	vst v0  }
0xd4: {  	[tilespmem:$0xD28] =	vst v0  }
0xd5: {  	[tilespmem:$0xD38] =	vst v0  }
0xd6: {  	[tilespmem:$0xD48] =	vst v0  }
0xd7: {  	[tilespmem:$0xD58] =	vst v0  }
0xd8: {  	[tilespmem:$0xD68] =	vst v0  }
0xd9: {  	[tilespmem:$0xD78] =	vst v0  }
0xda: {  	[tilespmem:$0xD88] =	vst v0  }
0xdb: {  	[tilespmem:$0xD98] =	vst v0  }
0xdc: {  	[tilespmem:$0xDA8] =	vst v0  }
0xdd: {  	[tilespmem:$0xDB8] =	vst v0  }
0xde: {  	[tilespmem:$0xDC8] =	vst v0  }
0xdf: {  	[tilespmem:$0xDD8] =	vst v0  }
0xe0: {  	[tilespmem:$0xDE8] =	vst v0  }
0xe1: {  	[tilespmem:$0xDF8] =	vst v0  }
0xe2: {  	[tilespmem:$0xE08] =	vst v0  }
0xe3: {  	[tilespmem:$0xE18] =	vst v0  }
0xe4: {  	[tilespmem:$0xE28] =	vst v0  }
0xe5: {  	[tilespmem:$0xE38] =	vst v0  }
0xe6: {  	[tilespmem:$0xE48] =	vst v0  }
0xe7: {  	[tilespmem:$0xE58] =	vst v0  }
0xe8: {  	[tilespmem:$0xE68] =	vst v0  }
0xe9: {  	[tilespmem:$0xE78] =	vst v0  }
0xea: {  	[tilespmem:$0xE88] =	vst v0  }
0xeb: {  	[tilespmem:$0xE98] =	vst v0  }
0xec: {  	[tilespmem:$0xEA8] =	vst v0  }
0xed: {  	[tilespmem:$0xEB8] =	vst v0  }
0xee: {  	[tilespmem:$0xEC8] =	vst v0  }
0xef: {  	[tilespmem:$0xED8] =	vst v0  }
0xf0: {  	[tilespmem:$0xEE8] =	vst v0  }
0xf1: {  	[tilespmem:$0xEF8] =	vst v0  }
0xf2: {  	[tilespmem:$0xF08] =	vst v0  }
0xf3: {  	[tilespmem:$0xF18] =	vst v0  }
0xf4: {  	[tilespmem:$0xF28] =	vst v0  }
0xf5: {  	[tilespmem:$0xF38] =	vst v0  }
0xf6: {  	[tilespmem:$0xF48] =	vst v0  }
0xf7: {  	[tilespmem:$0xF58] =	vst v0  }
0xf8: {  	[tilespmem:$0xF68] =	vst v0  }
0xf9: {  	[tilespmem:$0xF78] =	vst v0  }
0xfa: {  	[tilespmem:$0xF88] =	vst v0  }
0xfb: {  	[tilespmem:$0xF98] =	vst v0  }
0xfc: {  	[tilespmem:$0xFA8] =	vst v0  }
0xfd: {  	[tilespmem:$0xFB8] =	vst v0  }
0xfe: {  	[tilespmem:$0xFC8] =	vst v0  }
0xff: {  	[tilespmem:$0xFD8] =	vst v0  }
0x100: {  	[tilespmem:$0xFE8] =	vst v0  }
0x101: {  	[tilespmem:$0xFF8] =	vst v0  }
0x102: {  	[tilespmem:$0x1028] =	vst v0  }
0x103: {  	[tilespmem:$0x10E8] =	vst v0  }
0x104: {  	[tilespmem:$0x1068] =	vst v0  }
0x105: {  	[tilespmem:$0x1B28] =	vst v0  }
0x106: {  	[tilespmem:$0x1B18] =	vst v0  }
0x107: {  	[tilespmem:$0x1B08] =	vst v0  }
0x108: {  	[tilespmem:$0x1AF8] =	vst v0  }
0x109: {  	[tilespmem:$0x1AE8] =	vst v0  }
0x10a: {  	[tilespmem:$0x1AD8] =	vst v0  }
0x10b: {  	[tilespmem:$0x1AC8] =	vst v0  }
0x10c: {  	[tilespmem:$0x1AB8] =	vst v0  }
0x10d: {  	[tilespmem:$0x1AA8] =	vst v0  }
0x10e: {  	[tilespmem:$0x1A98] =	vst v0  }
0x10f: {  	[tilespmem:$0x1A88] =	vst v0  }
0x110: {  	[tilespmem:$0x1A78] =	vst v0  }
0x111: {  	[tilespmem:$0x1A68] =	vst v0  }
0x112: {  	[tilespmem:$0x1A58] =	vst v0  }
0x113: {  	[tilespmem:$0x1A48] =	vst v0  }
0x114: {  	[tilespmem:$0x1A38] =	vst v0  }
0x115: {  	[tilespmem:$0x1A28] =	vst v0  }
0x116: {  	[tilespmem:$0x1A18] =	vst v0  }
0x117: {  	[tilespmem:$0x1A08] =	vst v0  }
0x118: {  	[tilespmem:$0x19F8] =	vst v0  }
0x119: {  	[tilespmem:$0x19E8] =	vst v0  }
0x11a: {  	[tilespmem:$0x19D8] =	vst v0  }
0x11b: {  	[tilespmem:$0x19C8] =	vst v0  }
0x11c: {  	[tilespmem:$0x19B8] =	vst v0  }
0x11d: {  	[tilespmem:$0x19A8] =	vst v0  }
0x11e: {  	[tilespmem:$0x1998] =	vst v0  }
0x11f: {  	[tilespmem:$0x1988] =	vst v0  }
0x120: {  	[tilespmem:$0x1978] =	vst v0  }
0x121: {  	[tilespmem:$0x1968] =	vst v0  }
0x122: {  	[tilespmem:$0x1958] =	vst v0  }
0x123: {  	[tilespmem:$0x1948] =	vst v0  }
0x124: {  	[tilespmem:$0x1938] =	vst v0  }
0x125: {  	[tilespmem:$0x1928] =	vst v0  }
0x126: {  	[tilespmem:$0x1918] =	vst v0  }
0x127: {  	[tilespmem:$0x1908] =	vst v0  }
0x128: {  	[tilespmem:$0x18F8] =	vst v0  }
0x129: {  	[tilespmem:$0x18E8] =	vst v0  }
0x12a: {  	[tilespmem:$0x18D8] =	vst v0  }
0x12b: {  	[tilespmem:$0x18C8] =	vst v0  }
0x12c: {  	[tilespmem:$0x18B8] =	vst v0  }
0x12d: {  	[tilespmem:$0x18A8] =	vst v0  }
0x12e: {  	[tilespmem:$0x1898] =	vst v0  }
0x12f: {  	[tilespmem:$0x1888] =	vst v0  }
0x130: {  	[tilespmem:$0x1878] =	vst v0  }
0x131: {  	[tilespmem:$0x1868] =	vst v0  }
0x132: {  	[tilespmem:$0x1858] =	vst v0  }
0x133: {  	[tilespmem:$0x1848] =	vst v0  }
0x134: {  	[tilespmem:$0x1838] =	vst v0  }
0x135: {  	[tilespmem:$0x1828] =	vst v0  }
0x136: {  	[tilespmem:$0x1818] =	vst v0  }
0x137: {  	[tilespmem:$0x1808] =	vst v0  }
0x138: {  	[tilespmem:$0x17F8] =	vst v0  }
0x139: {  	[tilespmem:$0x17E8] =	vst v0  }
0x13a: {  	[tilespmem:$0x17D8] =	vst v0  }
0x13b: {  	[tilespmem:$0x17C8] =	vst v0  }
0x13c: {  	[tilespmem:$0x17B8] =	vst v0  }
0x13d: {  	[tilespmem:$0x17A8] =	vst v0  }
0x13e: {  	[tilespmem:$0x1798] =	vst v0  }
0x13f: {  	[tilespmem:$0x1788] =	vst v0  }
0x140: {  	[tilespmem:$0x1778] =	vst v0  }
0x141: {  	[tilespmem:$0x1768] =	vst v0  }
0x142: {  	[tilespmem:$0x1758] =	vst v0  }
0x143: {  	[tilespmem:$0x1748] =	vst v0  }
0x144: {  	[tilespmem:$0x1738] =	vst v0  }
0x145: {  	[tilespmem:$0x1728] =	vst v0  }
0x146: {  	[tilespmem:$0x1718] =	vst v0  }
0x147: {  	[tilespmem:$0x1708] =	vst v0  }
0x148: {  	[tilespmem:$0x16F8] =	vst v0  }
0x149: {  	[tilespmem:$0x16E8] =	vst v0  }
0x14a: {  	[tilespmem:$0x16D8] =	vst v0  }
0x14b: {  	[tilespmem:$0x16C8] =	vst v0  }
0x14c: {  	[tilespmem:$0x16B8] =	vst v0  }
0x14d: {  	[tilespmem:$0x16A8] =	vst v0  }
0x14e: {  	[tilespmem:$0x1698] =	vst v0  }
0x14f: {  	[tilespmem:$0x1688] =	vst v0  }
0x150: {  	[tilespmem:$0x1678] =	vst v0  }
0x151: {  	[tilespmem:$0x1668] =	vst v0  }
0x152: {  	[tilespmem:$0x1658] =	vst v0  }
0x153: {  	[tilespmem:$0x1648] =	vst v0  }
0x154: {  	[tilespmem:$0x1638] =	vst v0  }
0x155: {  	[tilespmem:$0x1628] =	vst v0  }
0x156: {  	[tilespmem:$0x1618] =	vst v0  }
0x157: {  	[tilespmem:$0x1608] =	vst v0  }
0x158: {  	[tilespmem:$0x15F8] =	vst v0  }
0x159: {  	[tilespmem:$0x15E8] =	vst v0  }
0x15a: {  	[tilespmem:$0x15D8] =	vst v0  }
0x15b: {  	[tilespmem:$0x15C8] =	vst v0  }
0x15c: {  	[tilespmem:$0x15B8] =	vst v0  }
0x15d: {  	[tilespmem:$0x15A8] =	vst v0  }
0x15e: {  	[tilespmem:$0x1598] =	vst v0  }
0x15f: {  	[tilespmem:$0x1588] =	vst v0  }
0x160: {  	[tilespmem:$0x1578] =	vst v0  }
0x161: {  	[tilespmem:$0x1568] =	vst v0  }
0x162: {  	[tilespmem:$0x1558] =	vst v0  }
0x163: {  	[tilespmem:$0x1548] =	vst v0  }
0x164: {  	[tilespmem:$0x1538] =	vst v0  }
0x165: {  	[tilespmem:$0x1528] =	vst v0  }
0x166: {  	[tilespmem:$0x1518] =	vst v0  }
0x167: {  	[tilespmem:$0x1508] =	vst v0  }
0x168: {  	[tilespmem:$0x14F8] =	vst v0  }
0x169: {  	[tilespmem:$0x14E8] =	vst v0  }
0x16a: {  	[tilespmem:$0x14D8] =	vst v0  }
0x16b: {  	[tilespmem:$0x14C8] =	vst v0  }
0x16c: {  	[tilespmem:$0x14B8] =	vst v0  }
0x16d: {  	[tilespmem:$0x14A8] =	vst v0  }
0x16e: {  	[tilespmem:$0x1498] =	vst v0  }
0x16f: {  	[tilespmem:$0x1488] =	vst v0  }
0x170: {  	[tilespmem:$0x1478] =	vst v0  }
0x171: {  	[tilespmem:$0x1468] =	vst v0  }
0x172: {  	[tilespmem:$0x1458] =	vst v0  }
0x173: {  	[tilespmem:$0x1448] =	vst v0  }
0x174: {  	[tilespmem:$0x1438] =	vst v0  }
0x175: {  	[tilespmem:$0x1428] =	vst v0  }
0x176: {  	[tilespmem:$0x1418] =	vst v0  }
0x177: {  	[tilespmem:$0x1408] =	vst v0  }
0x178: {  	[tilespmem:$0x13F8] =	vst v0  }
0x179: {  	[tilespmem:$0x13E8] =	vst v0  }
0x17a: {  	[tilespmem:$0x13D8] =	vst v0  }
0x17b: {  	[tilespmem:$0x13C8] =	vst v0  }
0x17c: {  	[tilespmem:$0x13B8] =	vst v0  }
0x17d: {  	[tilespmem:$0x13A8] =	vst v0  }
0x17e: {  	[tilespmem:$0x1398] =	vst v0  }
0x17f: {  	[tilespmem:$0x1388] =	vst v0  }
0x180: {  	[tilespmem:$0x1378] =	vst v0  }
0x181: {  	[tilespmem:$0x1368] =	vst v0  }
0x182: {  	[tilespmem:$0x1358] =	vst v0  }
0x183: {  	[tilespmem:$0x1348] =	vst v0  }
0x184: {  	[tilespmem:$0x1338] =	vst v0  }
0x185: {  	[tilespmem:$0x1328] =	vst v0  }
0x186: {  	[tilespmem:$0x1318] =	vst v0  }
0x187: {  	[tilespmem:$0x1308] =	vst v0  }
0x188: {  	[tilespmem:$0x12F8] =	vst v0  }
0x189: {  	[tilespmem:$0x12E8] =	vst v0  }
0x18a: {  	[tilespmem:$0x12D8] =	vst v0  }
0x18b: {  	[tilespmem:$0x12C8] =	vst v0  }
0x18c: {  	[tilespmem:$0x12B8] =	vst v0  }
0x18d: {  	[tilespmem:$0x12A8] =	vst v0  }
0x18e: {  	[tilespmem:$0x1298] =	vst v0  }
0x18f: {  	[tilespmem:$0x1288] =	vst v0  }
0x190: {  	[tilespmem:$0x1278] =	vst v0  }
0x191: {  	[tilespmem:$0x1268] =	vst v0  }
0x192: {  	[tilespmem:$0x1258] =	vst v0  }
0x193: {  	[tilespmem:$0x1248] =	vst v0  }
0x194: {  	[tilespmem:$0x1238] =	vst v0  }
0x195: {  	[tilespmem:$0x1228] =	vst v0  }
0x196: {  	[tilespmem:$0x1218] =	vst v0  }
0x197: {  	[tilespmem:$0x1208] =	vst v0  }
0x198: {  	[tilespmem:$0x11F8] =	vst v0  }
0x199: {  	[tilespmem:$0x11E8] =	vst v0  }
0x19a: {  	[tilespmem:$0x11D8] =	vst v0  }
0x19b: {  	[tilespmem:$0x11C8] =	vst v0  }
0x19c: {  	[tilespmem:$0x11B8] =	vst v0  }
0x19d: {  	[tilespmem:$0x11A8] =	vst v0  }
0x19e: {  	[tilespmem:$0x1198] =	vst v0  }
0x19f: {  	[tilespmem:$0x1188] =	vst v0  }
0x1a0: {  	[tilespmem:$0x1178] =	vst v0  }
0x1a1: {  	[tilespmem:$0x1168] =	vst v0  }
0x1a2: {  	[tilespmem:$0x1158] =	vst v0  }
0x1a3: {  	[tilespmem:$0x1148] =	vst v0  }
0x1a4: {  	[tilespmem:$0x1138] =	vst v0  }
0x1a5: {  	[tilespmem:$0x1128] =	vst v0  }
0x1a6: {  	[tilespmem:$0x1118] =	vst v0  }
0x1a7: {  	s4 =	stileid.u32;
	[tilespmem:$0x1108] =	vst v0  }
0x1a8: {  	s0 =	smul.u32 $0x3A, s4;
	[tilespmem:$0x10F8] =	vst v0  }
0x1a9: {  	s1 =	smin.u32 s4, $0x2;
	[tilespmem:$0x10C8] =	vst v0  }
0x1aa: {  	[tilespmem:$0x10D8] =	vst v0;
	s0 =	sadd.s32 s1, s0  }
0x1ab: {  	p0 =	slt.u32 s4, $0x2;
	[tilespmem:$0x10B8] =	vst v0;
	s1 =	simm.s32 $0x6390;
	s6 =	smul.u32 $0x1B0, s0  }
0x1ac: {  	s1 =	simm.s32 @!p0 $0x61E0;
	[tilespmem:$0x1038] =	vst v0  }
0x1ad: {  	[tilespmem:$0x10A8] =	vst v0;
	s0 =	sadd.s32 s1, s6  }
0x1ae: {  	s3 =	simm.s32 $0x2;
	s8 =	simm.s32 $0x9;
	[tilespmem:$0x1098] =	vst v0;
	s7 =	smin.u32 s0, $0x62000  }
0x1af: {  	s10 =	simm.s32 $0xA;
	s30 =	simm.s32 $0xB;
	[tilespmem:$0x1088] =	vst v0;
	s0 =	ssub.s32 s7, s6  }
0x1b0: {  	s16 =	simm.s32 $0x0;
	p4 =	por $0x0, $0x0;
	[tilespmem:$0x1078] =	vst v0;
	p0 =	sgt.s32 s0, $0x0  }
0x1b1: {  	s17 =	simm.s32 $0xC;
	s21 =	simm.s32 $0x0;
	[tilespmem:$0x1058] =	vst v0;
	s0 =	simm.s32 @!p0 $0x0  }
0x1b2: {  	s18 =	simm.s32 $0x0;
	s2 =	sand.u32 $0x1, s2;
	[tilespmem:$0x1048] =	vst v0;
	s29 =	smulhi.u32 $0x4BDA12F7, s0  }
0x1b3: {  	s20 =	simm.s32 $0x0;
	s31 =	sshll.u32 s4, $0x5;
	[tilespmem:$0x1018] =	vst v0;
	[dreg:$0x5] =	wrdreg s2  }
0x1b4: {  	s2 =	smul.u32 $0xC400, s2;
	[tilespmem:$0x1008] =	vst v0;
	[sflag:s3] =	ssyncpa.u1 $0x0;
	s1 =	sshrl.u32 s29, $0x7  }
0x1b5: {  	v0 =	vimm.s32 $0xFFFFFFFF;
	s3 =	sadd.s32 $0x4DE00, s11;
	[dreg:$0x4] =	wrdreg s31;
	s5 =	smul.u32 $0x1B0, s1  }
.Ltmp0:
0x1b6: {  	[tilespmem:$0x3648] =	vst v0;
	[sflag:s8] =	ssyncpa.u1 $0x0;
	s2 =	sadd.s32 s2, s11;
	(pc) =	sbr.rel .LBB2_1-.Ltmp0, $4  }
0x1b7: {  	[sflag:s10] =	ssyncpa.u1 $0x0;
	s11 =	sadd.s32 $0x105EA00, s11;
	p0 =	sne.s32 s0, s5  }
0x1b8: {  	[sflag:s30] =	ssyncpa.u1 $0x0;
	s14 =	sadd.s32 $0x35400, s2;
	s12 =	simm.s32 @!p0 $0x0  }
0x1b9: {  	s15 =	sadd.s32 $0x4400, s2;
	s19 =	smov.u32 s6;
	s12 =	sadd.s32 s12, s1  }
0x1ba: {  	v0 =	vlaneseq.u32;
	[dreg:$0x6] =	wrdreg s6;
	p0 =	por $0x1, $0x1;
	s4 =	sadd.s32 $0x1, s12  }
.LBB2_18:
0x1bb: {  	s0 =	simm.s32 $0x2  }
0x1bc: {  	_ =	swait.ge [sflag:s0], $0x0  }
0x1bd: {  	[sflag:s0] =	ssyncset.done $0x0;
	s0 =	simm.s32 $0x0  }
.LBB2_19:
0x1be: {  	_ =	swait.ge [sflag:s17], s0  }
0x1bf: {  	s31 =	ssub.s32 $0x0, s0;
	v1 =	vmov s23;
	vm0 =	veq.s32 v0, $0x0;
	[sflag:s17] =	ssyncset.done $0x0  }
0x1c0: {  	vm15 =	veq.s32 v0, $0x2;
	v1 =	vsel vm0, s28, v1;
	[sflag:s17] =	ssyncadd.s32 s31  }
0x1c1: {  	v1 =	vsel vm15, s21, v1;
	[sflag:s17] =	ssyncpa.u1 $0x1  }
0x1c2: {  	[tilespmem:$0x3648] =	vst v1  }
.LBB2_20:
0x1c3: {  	s0 =	sadd.s32 $0x1B0, s19  }
0x1c4: {  	s1 =	smov.u32 s6;
	p1 =	slt.s32 s0, s7  }
0x1c5: {  	s1 =	smov.u32 @p1 s0;
	p1 =	sne.s32 s20, s4  }
.Ltmp1:
0x1c6: {  	_ = 	snop;
	(pc) =	sbr.rel @!p1 .LBB2_21-.Ltmp1, $4  }
0x1c7: {  	_ = 	snop  }
0x1c8: {  	s21 =	smov.u32 s18  }
0x1c9: {  	s31 =	sadd.s32 $0x1, s20;
	s18 =	smov.u32 s19;
	p0 =	por !p0, !p0  }
0x1ca: {  	p4 =	por !p4, !p4;
	s20 =	smov.u32 s31;
	s19 =	smov.u32 s1  }
.LBB2_1:
0x1cb: {  	p2 =	sge.u32 s20, s12  }
0x1cc: {  	s0 =	smulhi.u32 @!p2 $0xAAAAAAAB, s20  }
0x1cd: {  	s1 =	smov.u32 s19;
	p3 =	sgt.s32 @!p2 s19, $0x61E50  }
0x1ce: {  	s2 =	sshra.s32 @!p2 s19, $0x1F;
	p3 =	por !p3, p2;
	s0 =	sshrl.u32 @!p2 s0, $0x1  }
0x1cf: {  	s2 =	sand.u32 @!p2 s2, s19;
	s1 =	simm.s32 @p3 $0x61E50;
	s0 =	smul.u32 @!p2 $0x3, s0  }
0x1d0: {  	s1 =	ssub.s32 @!p2 s1, s2  }
0x1d1: {  	s23 =	sadd.s32 $0xFFFFFFFF, s20;
	s1 =	sadd.s32 @!p2 $0xFFF9E1B0, s1;
	s0 =	ssub.s32 @!p2 s20, s0  }
0x1d2: {  	s2 =	sshll.u32 @!p2 s1, $0x2;
	p3 =	sgt.s32 @!p2 s1, $0x1AF;
	s0 =	smul.u32 @!p2 $0x6C0, s0  }
0x1d3: {  	s5 =	sand.u32 @!p2 $0x7, s19;
	s1 =	ssub.s32 @!p2 $0x6C0, s2;
	p3 =	por !p3, p2  }
0x1d4: {  	s2 =	sshrl.u32 @!p2 s19, $0x3;
	s1 =	sshrl.u32 @!p2 s1, $0x2;
	s0 =	sshrl.u32 @!p2 s0, $0x2  }
0x1d5: {  	s2 =	sadd.s32 @!p2 s2, s14;
	s1 =	simm.s32 @!p3 $0x0;
	s0 =	sadd.s32 @!p2 $0x3888, s0  }
0x1d6: {  	[tilespmem:s0], [sflag:$0xA] =	stream.linear.gather @!p2 [hbm4b:s2+s5], s1, $0x38;
	[tilespmem:$0x1F0F8] =	vst v63  }
0x1d7: {  	p2 =	sge.u32 s23, s12  }
0x1d8: {  	p3 =	sgt.s32 @!p2 s18, $0x61E50  }
0x1d9: {  	s0 =	smov.u32 s18;
	s1 =	sshra.s32 @!p2 s18, $0x1F;
	p3 =	por !p3, p2  }
0x1da: {  	s1 =	sand.u32 @!p2 s1, s18;
	s0 =	simm.s32 @p3 $0x61E50  }
0x1db: {  	s0 =	ssub.s32 @!p2 s0, s1  }
0x1dc: {  	s0 =	sadd.s32 @!p2 $0xFFF9E1B0, s0  }
0x1dd: {  	s1 =	sshll.u32 @!p2 s0, $0x2  }
0x1de: {  	p3 =	sgt.s32 @!p2 s0, $0x1AF;
	s0 =	ssub.s32 @!p2 $0x6C0, s1  }
0x1df: {  	s22 =	ssub.s32 @!p2 $0x62000, s18;
	p3 =	por !p3, p2;
	s0 =	sshrl.u32 @!p2 s0, $0x2  }
0x1e0: {  	s1 =	sand.u32 @!p2 $0x1, s23;
	s0 =	simm.s32 @!p3 $0x0;
	p3 =	slt.s32 @!p2 s22, $0x1  }
0x1e1: {  	s2 =	simm.s32 @!p2 $0xA;
	s1 =	smul.u32 @!p2 $0x6C0, s1;
	p3 =	por p2, p3  }
.Ltmp2:
0x1e2: {  	_ =	swait.ge @!p2 [sflag:s2], s0;
	(pc) =	sbr.rel @p3 .LBB2_7-.Ltmp2, $4  }
0x1e3: {  	s5 =	ssub.s32 @!p2 $0x0, s0;
	[sflag:s2] =	ssyncset.done @!p2 $0x0  }
0x1e4: {  	s1 =	sshrl.u32 @!p2 s1, $0x2;
	[sflag:s2] =	ssyncadd.s32 @!p2 s5;
	s2 =	sshrl.u32 @!p2 s18, $0x3  }
0x1e5: {  	s1 =	sadd.s32 @!p2 $0x3D98, s1;
	s5 =	sand.u32 @!p2 $0x7, s18;
	s2 =	sadd.s32 @!p2 s2, s15  }
0x1e6: {  	[tilespmem:s1], [sflag:$0xB] =	stream.linear.gather @!p2 [hbm4b:s2+s5], s0, $0x38;
	[tilespmem:$0x1F0F8] =	vst v63  }
0x1e7: {  	s0 =	smulhi.u32 $0xAAAAAAAB, s23;
	_ =	sdelay $0x1  }
0x1e8: {  	s0 =	sshrl.u32 s0, $0x1  }
0x1e9: {  	s0 =	smul.u32 $0x3, s0;
	_ =	sdelay $0x1  }
0x1ea: {  	s0 =	ssub.s32 s23, s0  }
0x1eb: {  	s1 =	simm.s32 $0x1;
	s0 =	smul.u32 $0x6C0, s0  }
.Ltmp3:
0x1ec: {  	s1 =	simm.s32 @!p0 $0x0;
	(pc) =	sbr.rel .LBB2_4-.Ltmp3, $4  }
0x1ed: {  	s1 =	smul.u32 $0x36000, s1  }
0x1ee: {  	p3 =	slt.s32 @!p2 s22, $0x1B0;
	s0 =	sshrl.u32 s0, $0x2  }
0x1ef: {  	p2 =	por !p3, p2;
	s1 =	sshrl.u32 s1, $0x2;
	s0 =	sadd.s32 $0x3888, s0  }
0x1f0: {  	s24 =	simm.s32 $0x0;
	s22 =	simm.s32 @p2 $0x1B0;
	s23 =	sadd.s32 $0x40F8, s1;
	v1 =	vmov s0  }
.LBB2_3:
0x1f1: {  	p2 =	sge.s32 s24, s22  }
.Ltmp4:
0x1f2: {  	_ = 	snop;
	(pc) =	sbr.rel @p2 .LBB2_7-.Ltmp4, $2  }
0x1f3: {  	_ =	sdelay $0x2  }
0x1f4: {  	s23 =	sadd.s32 $0x800, s23  }
.LBB2_4:
0x1f5: {  	p2 =	sle.s32 s22, s24  }
.Ltmp5:
0x1f6: {  	_ = 	snop;
	(pc) =	sbr.rel @p2 .LBB2_3-.Ltmp5, $2  }
0x1f7: {  	_ =	sdelay $0x2  }
0x1f8: {  	s0 =	smov.u32 s24;
	s24 =	sadd.s32 $0x10, s24  }
0x1f9: {  	s1 =	ssub.s32 s22, s0  }
0x1fa: {  	p2 =	slt.s32 s1, $0x10  }
0x1fb: {  	s1 =	simm.s32 @!p2 $0x10  }
0x1fc: {  	v2 =	vmov s1  }
0x1fd: {  	vm0 =	vgt.s32 v2, v0;
	_ =	sdelay $0x5  }
0x1fe: {  	v2 =	vld.idx.msk [tilespmem:v1+s0+$0x0 ss:$0x1], vm0;
	_ =	sdelay $0x2  }
0x1ff: {  	p2 =	slt.s32 s24, s22;
	s1 =	smov.u32 s22  }
0x200: {  	s2 =	smov.u32 s23;
	s25 =	simm.s32 $0x0;
	s1 =	smov.u32 @p2 s24  }
.LBB2_6:
0x201: {  	(v2sf) =	vpush v2, s25;
	_ =	sdelay $0xc  }
0x202: {  	s25 =	sadd.s32 $0x1, s25  }
0x203: {  	s31 =	sadd.s32 s25, s0  }
0x204: {  	p2 =	slt.s32 s31, s1;
	s5 =	spop (v2sf)  }
.Ltmp6:
0x205: {  	s5 =	sshll.u32 s5, $0x4;
	(pc) =	sbr.rel @p2 .LBB2_6-.Ltmp6, $4  }
0x206: {  	s5 =	sand.u32 $0x1FFFFFF0, s5  }
0x207: {  	s5 =	sadd.s32 s11, s5  }
0x208: {  	[tilespmem:s2], [sflag:$0x9] =	stream.linear.gather [hbm4b:s5+s16], $0x10, $0x38;
	[tilespmem:$0x1F0F8] =	vst v63  }
0x209: {  	s2 =	sadd.s32 $0x80, s2  }
.Ltmp7:
0x20a: {  	_ = 	snop;
	(pc) =	sbr.rel .LBB2_3-.Ltmp7, $1  }
0x20b: {  	_ =	sdelay $0x3  }
.LBB2_7:
0x20c: {  	p2 =	slt.u32 s20, $0x2  }
.Ltmp8:
0x20d: {  	_ = 	snop;
	(pc) =	sbr.rel @p2 .LBB2_20-.Ltmp8, $1  }
0x20e: {  	_ =	sdelay $0x3  }
0x20f: {  	p2 =	sgt.s32 s21, $0x61E50  }
0x210: {  	s0 =	smov.u32 s21;
	s1 =	sshra.s32 s21, $0x1F;
	s2 =	ssub.s32 $0x62000, s21  }
0x211: {  	s0 =	simm.s32 @!p2 $0x61E50;
	s1 =	sand.u32 s1, s21;
	p2 =	slt.s32 s2, $0x1B0  }
0x212: {  	s0 =	ssub.s32 s0, s1;
	s2 =	simm.s32 @!p2 $0x1B0  }
0x213: {  	s0 =	sadd.s32 $0xFFF9E1B0, s0;
	s24 =	sshll.u32 s2, $0x4  }
0x214: {  	s28 =	simm.s32 $0x9;
	s25 =	sshll.u32 s0, $0x2;
	s1 =	sand.u32 $0x3FFFFFF0, s24  }
0x215: {  	p2 =	sgt.s32 s0, $0x1AF;
	s26 =	ssub.s32 $0x6C0, s25;
	_ =	swait.ge [sflag:s28], s1  }
0x216: {  	s1 =	ssub.s32 $0x0, s1;
	[sflag:s28] =	ssyncset.done $0x0;
	s0 =	sshrl.u32 s26, $0x2  }
0x217: {  	s30 =	simm.s32 $0xB;
	[sflag:s28] =	ssyncadd.s32 s1;
	s0 =	simm.s32 @p2 $0x0  }
0x218: {  	_ =	swait.ge [sflag:s30], s0  }
0x219: {  	s0 =	ssub.s32 $0x0, s0;
	[sflag:s30] =	ssyncset.done $0x0  }
0x21a: {  	[sflag:s30] =	ssyncadd.s32 s0  }
0x21b: {  	v1 =	vld [tilespmem:$0x3648];
	_ =	sdelay $0x4  }
0x21c: {  	(v2sf) =	vpush v1, $0x0  }
0x21d: {  	(v2sf) =	vpush v1, $0x1  }
0x21e: {  	(v2sf) =	vpush v1, $0x2;
	_ =	sdelay $0x3  }
0x21f: {  	s0 =	sadd.s32 $0x1B0, s21  }
0x220: {  	s1 =	ssub.s32 $0xC4000, s21;
	p2 =	slt.s32 s7, s0  }
0x221: {  	s0 =	smov.u32 @p2 s7;
	p2 =	sgt.s32 s1, $0x0  }
0x222: {  	s25 =	ssub.s32 s0, s21;
	s1 =	simm.s32 @!p2 $0x0  }
0x223: {  	p2 =	slt.s32 s1, s25  }
0x224: {  	s25 =	smov.u32 @p2 s1  }
0x225: {  	s24 =	simm.s32 $0x1;
	p2 =	slt.s32 s25, $0x1  }
.Ltmp9:
0x226: {  	s24 =	simm.s32 @!p4 $0x0;
	(pc) =	sbr.rel @p2 .LBB2_12-.Ltmp9, $4  }
0x227: {  	s31 =	smul.u32 $0x6C0, s24  }
0x228: {  	s26 =	spop (v2sf)  }
0x229: {  	s0 =	sshrl.u32 s31, $0x2;
	s29 =	spop (v2sf)  }
0x22a: {  	s22 =	sadd.s32 $0x3D98, s0;
	s21 =	spop (v2sf)  }
0x22b: {  	s0 =	smin.u32 s25, $0x10  }
0x22c: {  	v1 =	vmov s0  }
0x22d: {  	p3 =	sgt.s32 s25, $0x10;
	vm1 =	vgt.u32 v1, v0  }
.Ltmp10:
0x22e: {  	_ = 	snop;
	(pc) =	sbr.rel @!p3 .LBB2_11-.Ltmp10, $2  }
0x22f: {  	_ =	sdelay $0x2  }
0x230: {  	s23 =	simm.s32 $0x10;
	s28 =	sadd.s32 $0xFFFFFFF0, s25;
	s0 =	smov.u32 s22;
	vm0 =	vmmov vm1  }
.LBB2_10:
0x231: {  	s1 =	smin.u32 s28, $0x10;
	s23 =	sadd.s32 $0x10, s23;
	v1 =	vld.msk [tilespmem:s0+$0x0 ss:$0x1], vm1  }
0x232: {  	v2 =	vmov s1;
	p3 =	slt.s32 s23, s25  }
0x233: {  	vm1 =	vgt.u32 v2, v0  }
.Ltmp11:
0x234: {  	(pc) =	sbr.rel @p3 .LBB2_10-.Ltmp11, $3  }
0x235: {  	_ =	sdelay $0x1  }
0x236: {  	v1 =	vshll.u32 v1, $0x4  }
0x237: {  	s28 =	sadd.s32 $0xFFFFFFF0, s28;
	[tilespmem:s0+$0x0] =	vst.msk vm0, v1;
	s0 =	sadd.s32 $0x10, s0;
	vm0 =	vmmov vm1  }
.LBB2_11:
0x238: {  	_ =	sdelay $0x4  }
0x239: {  	v1 =	vld.msk [tilespmem:s0+$0x0 ss:$0x1], vm1;
	_ =	sdelay $0x4  }
0x23a: {  	v1 =	vshll.u32 v1, $0x4  }
0x23b: {  	[tilespmem:s0+$0x0] =	vst.msk vm0, v1  }
.LBB2_12:
0x23c: {  	s0 =	sand.u32 $0x1, s20  }
0x23d: {  	s0 =	smul.u32 $0x1B0, s0  }
0x23e: {  	p3 =	sne.s32 s29, $0xFFFFFFFF  }
0x23f: {  	v1 =	vld.msk @!p3 [tilespmem:s0+$0x3D98], $0x1;
	_ =	sdelay $0x4  }
0x240: {  	(v2sf) =	vpush @!p3 v1, $0x0;
	_ =	sdelay $0xc  }
.Ltmp12:
0x241: {  	_ = 	snop;
	(pc) =	sbr.rel @p2 .LBB2_18-.Ltmp12, $4  }
0x242: {  	_ = 	snop  }
0x243: {  	s28 =	spop @!p3 (v2sf)  }
0x244: {  	s21 =	simm.s32 @!p3 $0x0;
	s23 =	smov.u32 s28  }
0x245: {  	[sflag:s17] =	ssyncpa.u1 $0x0;
	s28 =	smov.u32 @p3 s26;
	s23 =	smov.u32 @p3 s29  }
0x246: {  	v1 =	vld.msk [tilespmem:s22+$0x0], $0x1;
	_ =	sdelay $0x4  }
0x247: {  	(v2sf) =	vpush v1, $0x0;
	_ =	sdelay $0xe  }
0x248: {  	s0 =	simm.s32 @!p4 $0x0;
	s26 =	smul.u32 $0x36000, s24;
	s31 =	spop (v2sf)  }
0x249: {  	s29 =	ssub.s32 $0x0, s25;
	s0 =	simm.s32 @p4 $0x1;
	p2 =	seq.s32 s28, s31  }
0x24a: {  	s1 =	smov.u32 s28;
	[smem:$0x7FD] =	sst s0;
	p3 =	sgt.s32 @!p2 s28, $0x0  }
0x24b: {  	s0 =	sshrl.u32 s26, $0x2;
	s26 =	sadd.s32 $0x1, s29;
	p3 =	por !p3, p2  }
0x24c: {  	s1 =	simm.s32 @p3 $0x0;
	p3 =	seq.s32 s26, $0x0  }
.Ltmp13:
0x24d: {  	_ = 	snop;
	(pc) =	sbr.rel @p3 .LBB2_15-.Ltmp13, $4  }
0x24e: {  	s6 =	smov.u32 s4;
	s25 =	simm.s32 $0x0  }
0x24f: {  	s24 =	sadd.s32 $0x40F8, s0;
	s0 =	simm.s32 @!p2 $0x1;
	s2 =	smin.u32 @!p2 s1, $0xC34FE  }
0x250: {  	s30 =	sadd.s32 $0x1, s22;
	s0 =	smov.u32 @p2 s25;
	s5 =	sand.u32 @!p2 $0xFFFF8, s2  }
0x251: {  	s1 =	simm.s32 @!p2 $0x1B38;
	s2 =	sand.u32 @!p2 $0x7, s2;
	s5 =	sadd.s32 @!p2 s3, s5  }
.LBB2_14:
0x252: {  	s4 =	smov.u32 s0  }
0x253: {  	[tilespmem:s1], [sflag:$0x2] =	stream.linear.gather @!p2 [hbm4b:s5+s2], $0x10, $0x38;
	[tilespmem:$0x1F0F8] =	vst v63  }
0x254: {  	s26 =	sadd.s32 $0x1, s26;
	s2 =	smov.u32 s31;
	v1 =	vld.msk [tilespmem:s30+$0x0], $0x1  }
0x255: {  	p3 =	seq.s32 s26, $0x0;
	_ =	sdelay $0x3  }
0x256: {  	(v2sf) =	vpush v1, $0x0;
	_ =	sdelay $0xe  }
0x257: {  	s31 =	spop (v2sf)  }
0x258: {  	p2 =	seq.s32 s2, s31  }
0x259: {  	p4 =	sgt.s32 @!p2 s2, $0x0;
	s1 =	sshll.u32 @!p2 s0, $0x6;
	s0 =	sadd.s32 @!p2 $0x1, s0  }
.Ltmp14:
0x25a: {  	p4 =	por !p4, p2;
	s1 =	sshra.s32 @!p2 s1, $0x2;
	(pc) =	sbr.rel @!p3 .LBB2_14-.Ltmp14, $4  }
0x25b: {  	s0 =	smov.u32 @p2 s4;
	s2 =	simm.s32 @p4 $0x0;
	s1 =	sadd.s32 @!p2 $0x1B38, s1  }
0x25c: {  	s2 =	smin.u32 @!p2 s2, $0xC34FE  }
0x25d: {  	s4 =	sand.u32 @!p2 $0xFFFF8, s2;
	s2 =	sand.u32 @!p2 $0x7, s2  }
0x25e: {  	s30 =	sadd.s32 $0x1, s30;
	s5 =	sadd.s32 @!p2 s3, s4  }
.LBB2_15:
0x25f: {  	[tilespmem:s1], [sflag:$0x2] =	stream.linear.gather @!p2 [hbm4b:s5+s2], $0x10, $0x38;
	[tilespmem:$0x1F0F8] =	vst v63  }
0x260: {  	s0 =	sshll.u32 s0, $0x4  }
0x261: {  	s31 =	simm.s32 $0x2;
	s0 =	sand.u32 $0x3FFFFFF0, s0  }
0x262: {  	_ =	swait.ge [sflag:s31], s0  }
0x263: {  	s0 =	ssub.s32 $0x0, s0;
	[sflag:s31] =	ssyncset.done $0x0  }
0x264: {  	[sflag:s31] =	ssyncadd.s32 s0  }
0x265: {  	v1 =	vld.msk [tilespmem:s22+$0x0], $0x1;
	_ =	sdelay $0x4  }
0x266: {  	(v2sf) =	vpush v1, $0x0;
	_ =	sdelay $0xe  }
0x267: {  	s26 =	spop (v2sf)  }
0x268: {  	p2 =	sne.s32 s28, s26  }
0x269: {  	p4 =	sne.s32 @p2 s28, s23  }
0x26a: {  	p3 =	por !p4, !p2  }
0x26b: {  	s0 =	simm.s32 @!p3 $0x0  }
0x26c: {  	v1 =	vld @!p3 [tilespmem:s0+$0x1B38]  }
0x26d: {  	p5 =	sgt.u32 @!p3 s28, $0xC34FE  }
0x26e: {  	s1 =	sshll.u32 @!p3 s21, $0x6;
	p6 =	por @p2 p5, !p4  }
0x26f: {  	s1 =	sshra.s32 @!p3 s1, $0x2;
	p1 =	por p6, !p2;
	p6 =	por p4, !p2  }
0x270: {  	s2 =	sadd.s32 @!p3 $0x28, s1;
	s4 =	sand.u32 @!p1 $0xFFFF8, s28;
	s5 =	sshll.u32 @!p6 s21, $0x6  }
0x271: {  	s28 =	sand.u32 @!p1 $0x7, s28;
	[tilespmem:s1+$0x28] =	vst.add.f32.msk @!p3 $0xffff, v1;
	s1 =	sadd.s32 @!p1 s3, s4;
	s4 =	sshra.s32 @!p6 s5, $0x2  }
0x272: {  	[hbm4b:s1+s28] =	stream.linear.scatter @!p1 [tilespmem:s2], [sflag:$0xC], $0x10, $0x38;
	[tilespmem:$0x1F0F8] =	vst v63  }
0x273: {  	s0 =	rddreg [dreg:$0x4];
	s1 =	sadd.s32 @!p6 $0x28, s4;
	s2 =	simm.s32 @!p6 $0x1  }
0x274: {  	[spmem:s0] =	stream.linear.scatter @!p6 [tilespmem:s1], [sflag:$0x1], $0x10, $0x38;
	[tilespmem:$0x1F0F8] =	vst v63  }
0x275: {  	s0 =	sadd.s32 @p2 $0x1, s21;
	_ =	swait.ge @!p6 [sflag:s2], $0x10  }
0x276: {  	s1 =	sshrl.u32 @p2 s0, $0x4;
	[sflag:s2] =	ssyncset.done @!p6 $0x0  }
0x277: {  	s1 =	smulhi.u32 @p2 $0x97B425F, s1;
	[sflag:s2] =	ssyncadd.s32 @!p6 $0xFFFFFFF0  }
0x278: {  	s28 =	sadd.s32 $0x1, s29;
	v1 =	vld @p2 [tilespmem:s24+$0x0]  }
0x279: {  	p1 =	por @p2 !p5, !p4;
	p4 =	seq.s32 s28, $0x0;
	s1 =	smul.u32 @p2 $0x1B0, s1  }
.Ltmp15:
0x27a: {  	p1 =	por !p1, !p2;
	s2 =	simm.s32 @!p3 $0x0;
	(pc) =	sbr.rel @p4 .LBB2_17-.Ltmp15, $4  }
0x27b: {  	s4 =	sshll.u32 @!p2 s21, $0x6;
	s2 =	simm.s32 @!p1 $0x40;
	s0 =	ssub.s32 @p2 s0, s1  }
0x27c: {  	s29 =	simm.s32 $0x0;
	s2 =	sadd.s32 @!p3 $0x0, s2;
	s5 =	sshll.u32 @p2 s0, $0x4  }
0x27d: {  	s30 =	sshra.s32 @!p2 s4, $0x2;
	s1 =	simm.s32 @p2 $0x1;
	s2 =	smov.u32 @p3 s25;
	[tilespmem:s5+$0x28] =	vst @p2 v1  }
0x27e: {  	s21 =	smov.u32 @p2 s0;
	s29 =	smov.u32 @p2 s2;
	s25 =	smov.u32 @p2 s1;
	v1 =	vld @!p2 [tilespmem:s24+$0x0]  }
.LBB2_16:
0x27f: {  	_ =	sdelay $0x3  }
0x280: {  	s22 =	sadd.s32 $0x1, s22;
	[tilespmem:s30+$0x28] =	vst.add.f32.msk @!p2 $0xffff, v1  }
0x281: {  	v1 =	vld.msk [tilespmem:s22+$0x0], $0x1;
	_ =	sdelay $0x4  }
0x282: {  	(v2sf) =	vpush v1, $0x0;
	_ =	sdelay $0xe  }
0x283: {  	s0 =	smov.u32 s26;
	s26 =	spop (v2sf)  }
0x284: {  	p2 =	sne.s32 s0, s26  }
0x285: {  	p5 =	sne.s32 @p2 s0, s23  }
0x286: {  	s4 =	sshll.u32 @!p2 s21, $0x6;
	p4 =	por !p5, !p2  }
0x287: {  	s30 =	sshra.s32 @!p2 s4, $0x2;
	s4 =	sshll.u32 @!p4 s25, $0x6  }
0x288: {  	s4 =	sshra.s32 @!p4 s4, $0x2  }
0x289: {  	p1 =	sgt.u32 @!p4 s0, $0xC34FE;
	v1 =	vld @!p4 [tilespmem:s4+$0x1B38]  }
0x28a: {  	s31 =	sshll.u32 @!p4 s21, $0x6;
	p6 =	por @p2 p1, !p5;
	p1 =	por @p2 !p1, !p5  }
0x28b: {  	s8 =	simm.s32 @!p4 $0x0;
	s31 =	sshra.s32 @!p4 s31, $0x2;
	p1 =	por !p1, !p2  }
0x28c: {  	p5 =	por p5, !p2;
	s8 =	simm.s32 @!p1 $0x40;
	p1 =	por p6, !p2  }
0x28d: {  	s4 =	sadd.s32 @!p4 $0x28, s31;
	s13 =	sshll.u32 @!p5 s21, $0x6;
	s10 =	sand.u32 @!p1 $0xFFFF8, s0  }
0x28e: {  	s13 =	sshra.s32 @!p5 s13, $0x2;
	s0 =	sand.u32 @!p1 $0x7, s0;
	s10 =	sadd.s32 @!p1 s3, s10;
	[tilespmem:s31+$0x28] =	vst.add.f32.msk @!p4 $0xffff, v1  }
0x28f: {  	[hbm4b:s10+s0] =	stream.linear.scatter @!p1 [tilespmem:s4], [sflag:$0xC], $0x10, $0x38;
	[tilespmem:$0x1F0F8] =	vst v63  }
0x290: {  	s1 =	rddreg [dreg:$0x4];
	s0 =	sadd.s32 @!p5 $0x28, s13;
	s4 =	simm.s32 @!p5 $0x1  }
0x291: {  	[spmem:s1] =	stream.linear.scatter @!p5 [tilespmem:s0], [sflag:$0x1], $0x10, $0x38;
	[tilespmem:$0x1F0F8] =	vst v63  }
0x292: {  	s2 =	sadd.s32 @p2 $0x1, s21;
	_ =	swait.ge @!p5 [sflag:s4], $0x10  }
0x293: {  	s5 =	sshrl.u32 @p2 s2, $0x4;
	[sflag:s4] =	ssyncset.done @!p5 $0x0  }
0x294: {  	s24 =	sadd.s32 $0x80, s24;
	s5 =	smulhi.u32 @p2 $0x97B425F, s5;
	[sflag:s4] =	ssyncadd.s32 @!p5 $0xFFFFFFF0  }
0x295: {  	s28 =	sadd.s32 $0x1, s28;
	v1 =	vld @p2 [tilespmem:s24+$0x0]  }
0x296: {  	p3 =	seq.s32 s28, $0x0;
	s5 =	smul.u32 @p2 $0x1B0, s5  }
.Ltmp16:
0x297: {  	_ = 	snop;
	(pc) =	sbr.rel @!p3 .LBB2_16-.Ltmp16, $4  }
0x298: {  	s2 =	ssub.s32 @p2 s2, s5  }
0x299: {  	s8 =	sadd.s32 @!p4 s8, s29;
	s5 =	sshll.u32 @p2 s2, $0x4  }
0x29a: {  	s9 =	sadd.s32 @p2 $0x1, s25;
	s8 =	smov.u32 @p4 s29;
	[tilespmem:s5+$0x28] =	vst @p2 v1  }
0x29b: {  	s25 =	smov.u32 @p2 s9;
	s21 =	smov.u32 @p2 s2;
	s29 =	smov.u32 @p2 s8;
	v1 =	vld @!p2 [tilespmem:s24+$0x0]  }
.LBB2_17:
.Ltmp17:
0x29c: {  	_ = 	snop;
	(pc) =	sbr.rel .LBB2_19-.Ltmp17, $3  }
0x29d: {  	s1 =	sld [smem:$0x7FD];
	_ =	sdelay $0x1  }
0x29e: {  	s0 =	sshrl.u32 s29, $0x2;
	s28 =	smov.u32 s26  }
0x29f: {  	s4 =	smov.u32 s6;
	s6 =	rddreg [dreg:$0x6];
	p4 =	seq.s32 s1, $0x1;
	[tilespmem:s30+$0x28] =	vst.add.f32.msk @!p2 $0xffff, v1  }
.LBB2_21:
0x2a0: {  	_ =	sfence.sel $0x180000  }
0x2a1: {  	s0 =	simm.s32 $0x9;
	[bflag:$0x0] =	sbarrier.arrive $0xFFFF  }
0x2a2: {  	s24 =	simm.s32 $0xA;
	[sflag:s0] =	ssyncpa.u1 $0x1  }
0x2a3: {  	s25 =	simm.s32 $0xB;
	[sflag:s24] =	ssyncpa.u1 $0x1  }
0x2a4: {  	s26 =	simm.s32 $0x2;
	[sflag:s25] =	ssyncpa.u1 $0x1  }
0x2a5: {  	[sflag:s26] =	ssyncpa.u1 $0x1  }
0x2a6: {  	v0 =	vld [tilespmem:$0x3648];
	_ =	sdelay $0x4  }
0x2a7: {  	(v2sf) =	vpush v0, $0x0  }
0x2a8: {  	(v2sf) =	vpush v0, $0x1;
	_ =	sdelay $0x1  }
0x2a9: {  	(v2sf) =	vpush v0, $0x2;
	_ =	sdelay $0xb  }
0x2aa: {  	s0 =	spop (v2sf)  }
0x2ab: {  	s1 =	spop (v2sf)  }
0x2ac: {  	s2 =	smov.u32 s0;
	p0 =	sne.s32 s0, s1  }
0x2ad: {  	s4 =	spop (v2sf);
	s2 =	simm.s32 @!p0 $0xFFFFFFFF  }
0x2ae: {  	v2 =	vimm.s32 $0x1;
	v3 =	vlaneseq.u32;
	p0 =	seq.s32 s4, $0xFFFFFFFF;
	v1 =	vmov s2  }
0x2af: {  	s16 =	stileid.u32;
	v0 =	vperm.xlane v0, v2;
	p1 =	sne.s32 @!p0 s0, s1;
	v1 =	vperm.xlane v1, v3  }
0x2b0: {  	vm0 =	vcmask $0x3F04;
	s6 =	simm.s32 $0x3648;
	s0 =	simm.s32 @!p0 $0x1;
	p1 =	por !p1, p0  }
0x2b1: {  	s2 =	sshll.u32 s16, $0x1;
	s1 =	sshll.u32 @!p0 s4, $0x6;
	s0 =	simm.s32 @p1 $0x0;
	v0 =	vsel vm0, v1, v0  }
0x2b2: {  	s5 =	sor.u32 $0x200, s2;
	s1 =	sshra.s32 @!p0 s1, $0x2;
	s0 =	sor.u32 @!p0 s0, s2;
	[tilespmem:$0x3648] =	vst v0  }
0x2b3: {  	[spmem:s5] =	stream.linear.scatter [tilespmem:s6], [sflag:$0x1], $0x2, $0x38;
	[tilespmem:$0x1F0F8] =	vst v63  }
0x2b4: {  	s1 =	sadd.s32 @!p0 $0x28, s1;
	s0 =	sshll.u32 @!p0 s0, $0x4  }
0x2b5: {  	[spmem:s0] =	stream.linear.scatter @!p0 [tilespmem:s1], [sflag:$0x1], $0x10, $0x38;
	[tilespmem:$0x1F0F8] =	vst v63  }
0x2b6: {  	s0 =	simm.s32 @!p0 $0x12  }
0x2b7: {  	s28 =	simm.s32 $0x1;
	s0 =	simm.s32 @p0 $0x2  }
0x2b8: {  	_ =	swait.ge [sflag:s28], s0  }
0x2b9: {  	s0 =	ssub.s32 $0x0, s0;
	[sflag:s28] =	ssyncset.done $0x0  }
0x2ba: {  	p0 =	sne.s32 s16, $0x0;
	[sflag:s28] =	ssyncadd.s32 s0  }
.Ltmp18:
0x2bb: {  	_ =	sfence.stream.spmem;
	(pc) =	sbr.rel @p0 .LBB2_38-.Ltmp18, $4  }
0x2bc: {  	s29 =	simm.s32 $0x3;
	[bflag:$0x0] =	sbarrier.arrive $0xFFFF  }
0x2bd: {  	s30 =	simm.s32 $0x4;
	[sflag:s29] =	ssyncpa.u1 $0x1  }
0x2be: {  	s31 =	simm.s32 $0x3C;
	[sflag:s30] =	ssyncpa.u1 $0x1  }
0x2bf: {  	s17 =	rddreg [dreg:$0x5];
	[sflag:s31] =	ssyncpa.u1 $0x1  }
0x2c0: {  	_ =	sfence.stream.spmem;
	s0 =	simm.s32 $0x5  }
0x2c1: {  	s1 =	simm.s32 $0x200;
	s2 =	simm.s32 $0x3658;
	[sflag:s0] =	ssyncpa.u1 $0x0  }
0x2c2: {  	[tilespmem:s2], [sflag:$0x5] =	stream.linear.gather [spmem:s1], $0x20, $0x38;
	[tilespmem:$0x1F0F8] =	vst v63  }
0x2c3: {  	s26 =	simm.s32 $0x0;
	s28 =	simm.s32 $0x3678  }
0x2c4: {  	[tilespmem:s28], [sflag:$0x5] =	stream.linear.gather [spmem:s26], $0x200, $0x38;
	[tilespmem:$0x1F0F8] =	vst v63  }
0x2c5: {  	_ =	swait.ge [sflag:s0], $0x220  }
0x2c6: {  	[sflag:s0] =	ssyncset.done $0x0  }
0x2c7: {  	s29 =	simm.s32 $0x0;
	[sflag:s0] =	ssyncadd.s32 $0xFFFFFDE0  }
0x2c8: {  	v0 =	vld.msk [tilespmem:s29+$0x3658], $0x1;
	_ =	sdelay $0x1  }
0x2c9: {  	s30 =	simm.s32 $0x1  }
0x2ca: {  	v1 =	vld.msk [tilespmem:s30+$0x3658], $0x1;
	_ =	sdelay $0x1  }
0x2cb: {  	(v2sf) =	vpush v0, $0x0;
	_ =	sdelay $0x2  }
0x2cc: {  	(v2sf) =	vpush v1, $0x0;
	_ =	sdelay $0x2  }
0x2cd: {  	s31 =	simm.s32 $0x2  }
0x2ce: {  	v0 =	vld.msk [tilespmem:s31+$0x3658], $0x1;
	_ =	sdelay $0x2  }
0x2cf: {  	s6 =	simm.s32 $0xFFFFFFFF;
	s1 =	simm.s32 $0xFFFFFFFF;
	s0 =	simm.s32 $0xC  }
.LBB2_23:
0x2d0: {  	s2 =	smov.u32 s6;
	s4 =	smov.u32 s1  }
0x2d1: {  	s1 =	sshra.s32 s0, $0x2;
	p1 =	sne.s32 s0, $0x7C;
	s0 =	sadd.s32 $0x4, s0;
	(v2sf) =	vpush v0, $0x0  }
0x2d2: {  	v0 =	vld.msk [tilespmem:s1+$0x3658], $0x1  }
.Ltmp19:
0x2d3: {  	(pc) =	sbr.rel @p1 .LBB2_23-.Ltmp19, $4  }
0x2d4: {  	s6 =	spop (v2sf)  }
0x2d5: {  	p2 =	sne.s32 s4, $0xFFFFFFFF;
	s1 =	smov.u32 s6  }
0x2d6: {  	p3 =	seq.s32 s6, $0xFFFFFFFF;
	s1 =	smov.u32 @p2 s4  }
0x2d7: {  	s6 =	smov.u32 @p3 s2;
	s1 =	smov.u32 @p3 s4  }
0x2d8: {  	(v2sf) =	vpush v0, $0x0;
	_ =	sdelay $0x8  }
0x2d9: {  	s0 =	spop (v2sf)  }
0x2da: {  	p1 =	sne.s32 s1, $0xFFFFFFFF;
	s2 =	smov.u32 s0  }
0x2db: {  	s9 =	simm.s32 $0x6;
	p2 =	seq.s32 s0, $0xFFFFFFFF;
	s2 =	smov.u32 @p1 s1  }
0x2dc: {  	s10 =	simm.s32 $0x3638;
	s2 =	smov.u32 @p2 s1;
	s1 =	spop (v2sf)  }
0x2dd: {  	s0 =	smov.u32 @p2 s6;
	p1 =	sne.s32 s2, $0xFFFFFFFF;
	s4 =	smov.u32 s1  }
.Ltmp20:
0x2de: {  	p2 =	seq.s32 s1, $0xFFFFFFFF;
	s4 =	smov.u32 @p1 s2;
	(pc) =	sbr.rel .LBB2_25-.Ltmp20, $4  }
0x2df: {  	s11 =	simm.s32 $0x0;
	s4 =	smov.u32 @p2 s2;
	s7 =	spop (v2sf)  }
0x2e0: {  	[sflag:s9] =	ssyncpa.u1 $0x0;
	p1 =	sne.s32 s4, $0xFFFFFFFF;
	s8 =	smov.u32 s7  }
0x2e1: {  	s1 =	smov.u32 @p2 s0;
	p2 =	seq.s32 s7, $0xFFFFFFFF;
	s8 =	smov.u32 @p1 s4  }
0x2e2: {  	s6 =	simm.s32 $0x0;
	s7 =	smov.u32 @p2 s1;
	s8 =	smov.u32 @p2 s4  }
.LBB2_30:
0x2e3: {  	p1 =	sgt.u32 s12, $0xC34FE  }
0x2e4: {  	p2 =	seq.s32 @!p1 s12, s8  }
0x2e5: {  	p1 =	por p1, p2  }
0x2e6: {  	p2 =	sne.s32 @!p1 s12, s7  }
0x2e7: {  	p1 =	por p1, !p2  }
0x2e8: {  	s0 =	sshll.u32 @p1 s11, $0x6  }
0x2e9: {  	s0 =	sand.u32 @!p1 $0xFFFF8, s12  }
0x2ea: {  	s1 =	sand.u32 @!p1 $0x7, s12;
	s0 =	sadd.s32 @!p1 s3, s0  }
0x2eb: {  	[tilespmem:s10], [sflag:$0x6] =	stream.linear.gather @!p1 [hbm4b:s0+s1], $0x10, $0x38;
	[tilespmem:$0x1F0F8] =	vst v63  }
0x2ec: {  	_ =	swait.ge @!p1 [sflag:s9], $0x10  }
0x2ed: {  	[sflag:s9] =	ssyncset.done @!p1 $0x0  }
0x2ee: {  	[sflag:s9] =	ssyncadd.s32 @!p1 $0xFFFFFFF0  }
0x2ef: {  	v1 =	vld @!p1 [tilespmem:$0x3638];
	_ =	sdelay $0x2  }
0x2f0: {  	s0 =	sshll.u32 @!p1 s11, $0x6  }
0x2f1: {  	s1 =	sshrl.u32 @!p1 s0, $0x2  }
0x2f2: {  	[tilespmem:s1+$0x3678] =	vst.add.f32.msk @!p1 $0xffff, v1  }
0x2f3: {  	s0 =	sshrl.u32 s0, $0x2;
	[tilespmem:s6+$0x3658] =	vst.msk $0x1, v0  }
0x2f4: {  	v0 =	vld [tilespmem:s0+$0x3678];
	_ =	sdelay $0x2  }
0x2f5: {  	s31 =	sshll.u32 s6, $0x6  }
0x2f6: {  	s0 =	sshra.s32 s31, $0x2  }
0x2f7: {  	s6 =	sadd.s32 $0x1, s6;
	[tilespmem:s0+$0x3678] =	vst v0  }
.LBB2_32:
0x2f8: {  	s11 =	sadd.s32 $0x1, s11  }
0x2f9: {  	p1 =	sne.s32 s11, $0x20  }
.Ltmp21:
0x2fa: {  	_ = 	snop;
	(pc) =	sbr.rel @!p1 .LBB2_33-.Ltmp21, $1  }
0x2fb: {  	_ =	sdelay $0x3  }
.LBB2_25:
0x2fc: {  	v0 =	vld.msk [tilespmem:s11+$0x3658], $0x1;
	_ =	sdelay $0x4  }
0x2fd: {  	(v2sf) =	vpush v0, $0x0;
	_ =	sdelay $0xe  }
0x2fe: {  	s12 =	spop (v2sf)  }
0x2ff: {  	p1 =	seq.s32 s12, $0xFFFFFFFF  }
.Ltmp22:
0x300: {  	_ = 	snop;
	(pc) =	sbr.rel @p1 .LBB2_32-.Ltmp22, $1  }
0x301: {  	_ =	sdelay $0x3  }
0x302: {  	p1 =	slt.s32 s6, $0x1  }
.Ltmp23:
0x303: {  	_ = 	snop;
	(pc) =	sbr.rel @p1 .LBB2_30-.Ltmp23, $1  }
0x304: {  	_ =	sdelay $0x3  }
0x305: {  	s13 =	simm.s32 $0x3658;
	p1 =	por $0x0, $0x0  }
0x306: {  	v1 =	vld.msk @!p1 [tilespmem:s13+$0x0], $0x1;
	_ =	sdelay $0x4  }
0x307: {  	(v2sf) =	vpush @!p1 v1, $0x0;
	_ =	sdelay $0xd  }
0x308: {  	p3 =	sne.s32 s6, $0x1  }
.Ltmp24:
0x309: {  	s0 =	spop @!p1 (v2sf);
	(pc) =	sbr.rel @!p3 .LBB2_29-.Ltmp24, $4  }
0x30a: {  	p2 =	seq.s32 @!p1 s12, s0  }
0x30b: {  	s14 =	simm.s32 $0x0;
	p2 =	por !p2, p1  }
0x30c: {  	s0 =	simm.s32 $0xFFFFFFFF;
	s14 =	simm.s32 @p2 $0xFFFFFFFF  }
0x30d: {  	s15 =	simm.s32 $0x1;
	s14 =	smov.u32 @p1 s0  }
.LBB2_28:
0x30e: {  	s0 =	smov.u32 s14;
	p1 =	sne.s32 s14, $0xFFFFFFFF  }
0x30f: {  	s13 =	sadd.s32 $0x1, s13;
	s14 =	smov.u32 s15;
	s15 =	sadd.s32 $0x1, s15  }
0x310: {  	p2 =	sne.s32 s6, s15;
	v1 =	vld.msk @!p1 [tilespmem:s13+$0x0], $0x1;
	_ =	sdelay $0x4  }
0x311: {  	(v2sf) =	vpush @!p1 v1, $0x0;
	_ =	sdelay $0xe  }
.Ltmp25:
0x312: {  	s1 =	spop @!p1 (v2sf);
	(pc) =	sbr.rel @p2 .LBB2_28-.Ltmp25, $4  }
0x313: {  	p3 =	seq.s32 @!p1 s12, s1  }
0x314: {  	p3 =	por !p3, p1  }
0x315: {  	s14 =	simm.s32 @p3 $0xFFFFFFFF  }
0x316: {  	s14 =	smov.u32 @p1 s0  }
.LBB2_29:
0x317: {  	p1 =	sne.s32 s14, $0xFFFFFFFF  }
.Ltmp26:
0x318: {  	_ = 	snop;
	(pc) =	sbr.rel @!p1 .LBB2_30-.Ltmp26, $1  }
0x319: {  	_ =	sdelay $0x3  }
0x31a: {  	s0 =	sshll.u32 s11, $0x4  }
0x31b: {  	s0 =	sand.u32 $0x3FFFFFF0, s0  }
0x31c: {  	v0 =	vld [tilespmem:s0+$0x3678]  }
.Ltmp27:
0x31d: {  	_ = 	snop;
	(pc) =	sbr.rel .LBB2_32-.Ltmp27, $4  }
0x31e: {  	_ = 	snop  }
0x31f: {  	s31 =	sshll.u32 s14, $0x6  }
0x320: {  	s0 =	sshra.s32 s31, $0x2  }
0x321: {  	[tilespmem:s0+$0x3678] =	vst.add.f32.msk $0xffff, v0  }
.LBB2_33:
0x322: {  	s0 =	simm.s32 $0x6;
	p1 =	seq.s32 s6, $0x0  }
0x323: {  	[sflag:s0] =	ssyncpa.u1 $0x1;
	v0 =	vimm.s32 @p1 $0xFFFFFFFF  }
0x324: {  	s9 =	sadd.s32 $0xFFFFFFFF, s6;
	[tilespmem:$0x3878] =	vst @p1 v0  }
0x325: {  	v0 =	vld.msk @!p1 [tilespmem:s9+$0x3658], $0x1;
	_ =	sdelay $0x1  }
0x326: {  	v1 =	vld.msk @!p1 [tilespmem:$0x3658], $0x1;
	_ =	sdelay $0x2  }
0x327: {  	p2 =	seq.s32 @!p1 s9, $0x0;
	v0 =	vbroadcast @!p1 v0, $0x0  }
0x328: {  	vm0 =	vmmov @!p1 $0x1;
	p2 =	por !p2, p1  }
0x329: {  	v1 =	vnsel @!p1 vm0, $0xFFFFFFFF, v1;
	vm0 =	vcmask @!p1 $0x308;
	v0 =	vpsel !p2, $0xFFFFFFFF, v0  }
0x32a: {  	p2 =	sne.s32 @!p1 s8, s7;
	v0 =	vsel @!p1 vm0, v1, v0  }
0x32b: {  	s0 =	simm.s32 @!p1 $0x3678;
	s1 =	simm.s32 @!p1 $0x0;
	p3 =	por !p2, p1;
	[tilespmem:$0x3878] =	vst @!p1 v0  }
0x32c: {  	[spmem:s1] =	stream.linear.scatter @!p1 [tilespmem:s0], [sflag:$0x1], $0x10, $0x38;
	[tilespmem:$0x1F0F8] =	vst v63  }
0x32d: {  	s0 =	sshll.u32 @!p3 s9, $0x6  }
0x32e: {  	s0 =	sshra.s32 @!p3 s0, $0x2  }
0x32f: {  	s1 =	simm.s32 @!p3 $0x10;
	s0 =	sadd.s32 @!p3 $0x3678, s0  }
0x330: {  	[spmem:s1] =	stream.linear.scatter @!p3 [tilespmem:s0], [sflag:$0x1], $0x10, $0x38;
	[tilespmem:$0x1F0F8] =	vst v63  }
0x331: {  	s0 =	simm.s32 @!p3 $0x1  }
0x332: {  	_ =	swait.ge @!p3 [sflag:s0], $0x20  }
0x333: {  	p1 =	por p2, p1;
	[sflag:s0] =	ssyncset.done @!p3 $0x0  }
0x334: {  	[sflag:s0] =	ssyncadd.s32 @!p3 $0xFFFFFFE0;
	s0 =	simm.s32 @!p1 $0x1  }
0x335: {  	_ =	swait.ge @!p1 [sflag:s0], $0x10  }
0x336: {  	s29 =	simm.s32 $0x3878;
	[sflag:s0] =	ssyncset.done @!p1 $0x0  }
0x337: {  	s30 =	simm.s32 $0x200;
	s31 =	simm.s32 $0x1;
	[sflag:s0] =	ssyncadd.s32 @!p1 $0xFFFFFFF0  }
0x338: {  	[spmem:s30] =	stream.linear.scatter [tilespmem:s29], [sflag:$0x1], $0x10, $0x38;
	[tilespmem:$0x1F0F8] =	vst v63  }
0x339: {  	_ =	swait.ge [sflag:s31], $0x10  }
0x33a: {  	[sflag:s31] =	ssyncset.done $0x0  }
0x33b: {  	p1 =	seq.s32 s17, $0x0;
	s8 =	rddreg [dreg:$0x1];
	[sflag:s31] =	ssyncadd.s32 $0xFFFFFFF0  }
0x33c: {  	s1 =	sshll.u32 @p1 s8, $0xE;
	s7 =	rddreg [dreg:$0x2]  }
0x33d: {  	s0 =	sadd.s32 @p1 $0x15C3C, s1;
	s1 =	sshll.u32 @p1 s7, $0x11  }
0x33e: {  	_ =	sfence.stream.spmem;
	s0 =	sor.u32 @p1 s1, s0  }
0x33f: {  	[sflag:s0] =	ssyncadd.remote.s32 @p1 $0x1;
	s0 =	simm.s32 @p1 $0x4  }
0x340: {  	s2 =	simm.s32 @!p1 $0x3C;
	s1 =	sand.u32 $0xFFFFFFFE, s8;
	_ =	swait.ge @p1 [sflag:s0], $0x6  }
0x341: {  	s4 =	simm.s32 @!p1 $0x0;
	s1 =	sadd.s32 @!p1 $0x4, s1;
	[sflag:s0] =	ssyncset.done @p1 $0x0  }
0x342: {  	s5 =	simm.s32 @!p1 $0x20;
	[sflag:s0] =	ssyncadd.s32 @p1 $0xFFFFFFFA;
	s0 =	sshll.u32 @!p1 s1, $0x1A  }
0x343: {  	s1 =	sshll.u32 @!p1 s1, $0xD;
	s0 =	sor.u32 @!p1 s0, s7;
	_ =	swait.eq @!p1 [sflag:s2], $0x1  }
0x344: {  	s1 =	sor.u32 @!p1 $0x1C04, s1;
	s2 =	simm.s32 @!p1 $0x1C03;
	s0 =	sor.u32 @!p1 $0x80004000, s0  }
0x345: {  	[spmem:s5], [sflag:s1] =	dma.general @!p1 [spmem:s4], [sflag:s2], length:$0x4, [dreg:$0x0], stride_count:$0x0, ici_dest:s0, dma_misc:DstOpCode:WRITE  }
0x346: {  	p2 =	slt.s32 s9, $0x2;
	s4 =	simm.s32 @!p1 $0x40;
	s5 =	simm.s32 @!p1 $0x42  }
0x347: {  	[spmem:s5], [sflag:s1] =	dma.general @!p1 [spmem:s4], [sflag:s2], length:$0x2, [dreg:$0x0], stride_count:$0x0, ici_dest:s0, dma_misc:DstOpCode:WRITE  }
.Ltmp28:
0x348: {  	s0 =	simm.s32 @!p1 $0x3;
	(pc) =	sbr.rel @p2 .LBB2_37-.Ltmp28, $4  }
0x349: {  	s1 =	sshll.u32 @!p1 s8, $0xE;
	_ =	swait.ge @!p1 [sflag:s0], $0x6  }
0x34a: {  	s2 =	sshll.u32 @!p1 s7, $0x11;
	s1 =	sadd.s32 @!p1 $0x11C3C, s1;
	[sflag:s0] =	ssyncset.done @!p1 $0x0  }
0x34b: {  	[sflag:s0] =	ssyncadd.s32 @!p1 $0xFFFFFFFA;
	s0 =	sor.u32 @!p1 s2, s1  }
0x34c: {  	[sflag:s0] =	ssyncadd.remote.s32 @!p1 $0xFFFFFFFF;
	s0 =	simm.s32 $0x0  }
0x34d: {  	s0 =	simm.s32 $0x3659  }
0x34e: {  	v0 =	vld.msk [tilespmem:s0+$0x0], $0x1;
	_ =	sdelay $0x4  }
0x34f: {  	(v2sf) =	vpush v0, $0x0;
	_ =	sdelay $0xd  }
0x350: {  	s2 =	sadd.s32 $0xFFFFFFFE, s6  }
0x351: {  	s2 =	sadd.s32 $0xFFFFFFFF, s2;
	s0 =	spop (v2sf)  }
0x352: {  	p2 =	sne.s32 s2, $0x0;
	p1 =	sgt.u32 s0, $0xC34FE  }
.Ltmp29:
0x353: {  	s4 =	sand.u32 @!p1 $0xFFFF8, s0;
	(pc) =	sbr.rel @!p2 .LBB2_36-.Ltmp29, $4  }
0x354: {  	s1 =	simm.s32 $0x3688;
	s0 =	sand.u32 @!p1 $0x7, s0;
	s4 =	sadd.s32 @!p1 s3, s4  }
0x355: {  	[hbm4b:s4+s0] =	stream.linear.scatter @!p1 [tilespmem:s1], [sflag:$0x5], $0x10, $0x38;
	[tilespmem:$0x1F0F8] =	vst v63  }
0x356: {  	s0 =	simm.s32 $0x0  }
0x357: {  	s6 =	simm.s32 $0x0;
	s7 =	simm.s32 $0x365A;
	s0 =	simm.s32 @!p1 $0x40  }
.LBB2_35:
0x358: {  	v0 =	vld.msk [tilespmem:s7+$0x0], $0x1;
	s2 =	sadd.s32 $0xFFFFFFFF, s2;
	s6 =	sadd.s32 s6, s0  }
0x359: {  	p1 =	sne.s32 s2, $0x0;
	_ =	sdelay $0x3  }
0x35a: {  	(v2sf) =	vpush v0, $0x0;
	_ =	sdelay $0xe  }
.Ltmp30:
0x35b: {  	s4 =	spop (v2sf);
	(pc) =	sbr.rel @p1 .LBB2_35-.Ltmp30, $4  }
0x35c: {  	s0 =	simm.s32 $0x0;
	p2 =	sgt.u32 s4, $0xC34FE  }
0x35d: {  	s1 =	sadd.s32 $0x10, s1;
	s0 =	simm.s32 @!p2 $0x40;
	s5 =	sand.u32 @!p2 $0xFFFF8, s4  }
0x35e: {  	s7 =	sadd.s32 $0x1, s7;
	s4 =	sand.u32 @!p2 $0x7, s4;
	s5 =	sadd.s32 @!p2 s3, s5  }
0x35f: {  	[hbm4b:s5+s4] =	stream.linear.scatter @!p2 [tilespmem:s1], [sflag:$0x5], $0x10, $0x38;
	[tilespmem:$0x1F0F8] =	vst v63  }
.LBB2_36:
0x360: {  	s0 =	sadd.s32 s6, s0  }
0x361: {  	s0 =	sshrl.u32 s0, $0x2  }
.LBB2_37:
0x362: {  	s1 =	simm.s32 $0x5  }
0x363: {  	_ =	swait.ge [sflag:s1], s0  }
0x364: {  	s31 =	ssub.s32 $0x0, s0;
	[sflag:s1] =	ssyncset.done $0x0  }
0x365: {  	[sflag:s1] =	ssyncadd.s32 s31  }
0x366: {  	[sflag:s1] =	ssyncpa.u1 $0x1  }
.LBB2_38:
0x367: {  	s0 =	sor.u32 s17, s16  }
0x368: {  	p1 =	sne.s32 s0, $0x0  }
.Ltmp31:
0x369: {  	_ = 	snop;
	(pc) =	sbr.rel @p1 .LBB2_53-.Ltmp31, $3  }
0x36a: {  	_ =	sdelay $0x1  }
0x36b: {  	[bflag:$0x0] =	sbarrier.arrive $0xFFFF  }
0x36c: {  	_ =	sfence  }
0x36d: {  	s0 =	simm.s32 $0x7  }
0x36e: {  	s1 =	simm.s32 $0x200;
	s2 =	simm.s32 $0x3658;
	[sflag:s0] =	ssyncpa.u1 $0x0  }
0x36f: {  	[tilespmem:s2], [sflag:$0x7] =	stream.linear.gather [spmem:s1], $0x20, $0x38;
	[tilespmem:$0x1F0F8] =	vst v63  }
0x370: {  	s30 =	simm.s32 $0x3678;
	s1 =	simm.s32 $0x0  }
0x371: {  	[tilespmem:s30], [sflag:$0x7] =	stream.linear.gather [spmem:s1], $0x200, $0x38;
	[tilespmem:$0x1F0F8] =	vst v63  }
.Ltmp32:
0x372: {  	_ = 	snop;
	(pc) =	sbr.rel .LBB2_40-.Ltmp32, $4  }
0x373: {  	_ =	swait.ge [sflag:s0], $0x220  }
0x374: {  	[sflag:s0] =	ssyncset.done $0x0  }
0x375: {  	s31 =	simm.s32 $0x8;
	[sflag:s0] =	ssyncadd.s32 $0xFFFFFDE0  }
0x376: {  	s2 =	simm.s32 $0x0;
	[sflag:s31] =	ssyncpa.u1 $0x0  }
.LBB2_45:
0x377: {  	p1 =	slt.u32 s4, $0xC34FF  }
0x378: {  	s0 =	sand.u32 @p1 $0xFFFF8, s4  }
0x379: {  	s4 =	sand.u32 @p1 $0x7, s4;
	s5 =	simm.s32 @p1 $0x3638;
	s0 =	sadd.s32 @p1 s3, s0  }
0x37a: {  	[tilespmem:s5], [sflag:$0x8] =	stream.linear.gather @p1 [hbm4b:s0+s4], $0x10, $0x38;
	[tilespmem:$0x1F0F8] =	vst v63  }
0x37b: {  	s0 =	simm.s32 @p1 $0x8  }
0x37c: {  	_ =	swait.ge @p1 [sflag:s0], $0x10  }
0x37d: {  	[sflag:s0] =	ssyncset.done @p1 $0x0  }
0x37e: {  	[sflag:s0] =	ssyncadd.s32 @p1 $0xFFFFFFF0  }
0x37f: {  	v1 =	vld @p1 [tilespmem:$0x3638];
	_ =	sdelay $0x2  }
0x380: {  	s0 =	sshll.u32 @p1 s2, $0x6  }
0x381: {  	s5 =	sshll.u32 @!p1 s2, $0x6;
	s4 =	sshrl.u32 @p1 s0, $0x2  }
0x382: {  	s5 =	smov.u32 @p1 s0;
	[tilespmem:s4+$0x3678] =	vst.add.f32.msk @p1 $0xffff, v1  }
0x383: {  	s0 =	sshrl.u32 s5, $0x2;
	[tilespmem:s1+$0x3658] =	vst.msk $0x1, v0  }
0x384: {  	v0 =	vld [tilespmem:s0+$0x3678];
	_ =	sdelay $0x2  }
0x385: {  	s31 =	sshll.u32 s1, $0x6  }
0x386: {  	s0 =	sshra.s32 s31, $0x2  }
0x387: {  	s1 =	sadd.s32 $0x1, s1;
	[tilespmem:s0+$0x3678] =	vst v0  }
.LBB2_47:
0x388: {  	s2 =	sadd.s32 $0x1, s2  }
0x389: {  	p1 =	sne.s32 s2, $0x20  }
.Ltmp33:
0x38a: {  	_ = 	snop;
	(pc) =	sbr.rel @!p1 .LBB2_48-.Ltmp33, $1  }
0x38b: {  	_ =	sdelay $0x3  }
.LBB2_40:
0x38c: {  	v0 =	vld.msk [tilespmem:s2+$0x3658], $0x1;
	_ =	sdelay $0x4  }
0x38d: {  	(v2sf) =	vpush v0, $0x0;
	_ =	sdelay $0xe  }
0x38e: {  	s4 =	spop (v2sf)  }
0x38f: {  	p1 =	seq.s32 s4, $0xFFFFFFFF  }
.Ltmp34:
0x390: {  	_ = 	snop;
	(pc) =	sbr.rel @p1 .LBB2_47-.Ltmp34, $1  }
0x391: {  	_ =	sdelay $0x3  }
0x392: {  	p1 =	slt.s32 s1, $0x1  }
.Ltmp35:
0x393: {  	_ = 	snop;
	(pc) =	sbr.rel @p1 .LBB2_45-.Ltmp35, $1  }
0x394: {  	_ =	sdelay $0x3  }
0x395: {  	s5 =	simm.s32 $0x3658;
	p1 =	por $0x0, $0x0  }
0x396: {  	v1 =	vld.msk @!p1 [tilespmem:s5+$0x0], $0x1;
	_ =	sdelay $0x4  }
0x397: {  	(v2sf) =	vpush @!p1 v1, $0x0;
	_ =	sdelay $0xd  }
0x398: {  	p3 =	sne.s32 s1, $0x1  }
.Ltmp36:
0x399: {  	s0 =	spop @!p1 (v2sf);
	(pc) =	sbr.rel @!p3 .LBB2_44-.Ltmp36, $4  }
0x39a: {  	p2 =	seq.s32 @!p1 s4, s0  }
0x39b: {  	s6 =	simm.s32 $0x0;
	p2 =	por !p2, p1  }
0x39c: {  	s0 =	simm.s32 $0xFFFFFFFF;
	s6 =	simm.s32 @p2 $0xFFFFFFFF  }
0x39d: {  	s7 =	simm.s32 $0x1;
	s6 =	smov.u32 @p1 s0  }
.LBB2_43:
0x39e: {  	s0 =	smov.u32 s6;
	p1 =	sne.s32 s6, $0xFFFFFFFF  }
0x39f: {  	s5 =	sadd.s32 $0x1, s5;
	s6 =	smov.u32 s7;
	s7 =	sadd.s32 $0x1, s7  }
0x3a0: {  	p2 =	sne.s32 s1, s7;
	v1 =	vld.msk @!p1 [tilespmem:s5+$0x0], $0x1;
	_ =	sdelay $0x4  }
0x3a1: {  	(v2sf) =	vpush @!p1 v1, $0x0;
	_ =	sdelay $0xe  }
.Ltmp37:
0x3a2: {  	s8 =	spop @!p1 (v2sf);
	(pc) =	sbr.rel @p2 .LBB2_43-.Ltmp37, $4  }
0x3a3: {  	p3 =	seq.s32 @!p1 s4, s8  }
0x3a4: {  	p3 =	por !p3, p1  }
0x3a5: {  	s6 =	simm.s32 @p3 $0xFFFFFFFF  }
0x3a6: {  	s6 =	smov.u32 @p1 s0  }
.LBB2_44:
0x3a7: {  	p1 =	sne.s32 s6, $0xFFFFFFFF  }
.Ltmp38:
0x3a8: {  	_ = 	snop;
	(pc) =	sbr.rel @!p1 .LBB2_45-.Ltmp38, $1  }
0x3a9: {  	_ =	sdelay $0x3  }
0x3aa: {  	s0 =	sshll.u32 s2, $0x4  }
0x3ab: {  	s0 =	sand.u32 $0x3FFFFFF0, s0  }
0x3ac: {  	v0 =	vld [tilespmem:s0+$0x3678]  }
.Ltmp39:
0x3ad: {  	_ = 	snop;
	(pc) =	sbr.rel .LBB2_47-.Ltmp39, $4  }
0x3ae: {  	_ = 	snop  }
0x3af: {  	s31 =	sshll.u32 s6, $0x6  }
0x3b0: {  	s0 =	sshra.s32 s31, $0x2  }
0x3b1: {  	[tilespmem:s0+$0x3678] =	vst.add.f32.msk $0xffff, v0  }
.LBB2_48:
0x3b2: {  	p1 =	slt.s32 s1, $0x1  }
.Ltmp40:
0x3b3: {  	_ = 	snop;
	(pc) =	sbr.rel @p1 .LBB2_52-.Ltmp40, $3  }
0x3b4: {  	_ =	sdelay $0x1  }
0x3b5: {  	s0 =	simm.s32 $0x8  }
0x3b6: {  	s2 =	simm.s32 $0x0;
	[sflag:s0] =	ssyncpa.u1 $0x1  }
0x3b7: {  	s0 =	simm.s32 $0x3658  }
0x3b8: {  	v0 =	vld.msk [tilespmem:s0+$0x0], $0x1;
	_ =	sdelay $0x4  }
0x3b9: {  	(v2sf) =	vpush v0, $0x0;
	_ =	sdelay $0xe  }
0x3ba: {  	s1 =	sadd.s32 $0xFFFFFFFF, s1;
	s0 =	spop (v2sf)  }
0x3bb: {  	p2 =	sne.s32 s1, $0x0;
	p1 =	sgt.u32 s0, $0xC34FE  }
.Ltmp41:
0x3bc: {  	s5 =	sand.u32 @!p1 $0xFFFF8, s0;
	(pc) =	sbr.rel @!p2 .LBB2_51-.Ltmp41, $4  }
0x3bd: {  	s4 =	simm.s32 $0x3678;
	s0 =	sand.u32 @!p1 $0x7, s0;
	s5 =	sadd.s32 @!p1 s3, s5  }
0x3be: {  	[hbm4b:s5+s0] =	stream.linear.scatter @!p1 [tilespmem:s4], [sflag:$0x7], $0x10, $0x38;
	[tilespmem:$0x1F0F8] =	vst v63  }
0x3bf: {  	s0 =	simm.s32 $0x0  }
0x3c0: {  	s5 =	simm.s32 $0x3659;
	s0 =	simm.s32 @!p1 $0x40  }
.LBB2_50:
0x3c1: {  	v0 =	vld.msk [tilespmem:s5+$0x0], $0x1;
	s1 =	sadd.s32 $0xFFFFFFFF, s1;
	s2 =	sadd.s32 s2, s0  }
0x3c2: {  	p1 =	sne.s32 s1, $0x0;
	_ =	sdelay $0x3  }
0x3c3: {  	(v2sf) =	vpush v0, $0x0;
	_ =	sdelay $0xe  }
.Ltmp42:
0x3c4: {  	s6 =	spop (v2sf);
	(pc) =	sbr.rel @p1 .LBB2_50-.Ltmp42, $4  }
0x3c5: {  	s0 =	simm.s32 $0x0;
	p2 =	sgt.u32 s6, $0xC34FE  }
0x3c6: {  	s4 =	sadd.s32 $0x10, s4;
	s0 =	simm.s32 @!p2 $0x40;
	s7 =	sand.u32 @!p2 $0xFFFF8, s6  }
0x3c7: {  	s5 =	sadd.s32 $0x1, s5;
	s6 =	sand.u32 @!p2 $0x7, s6;
	s7 =	sadd.s32 @!p2 s3, s7  }
0x3c8: {  	[hbm4b:s7+s6] =	stream.linear.scatter @!p2 [tilespmem:s4], [sflag:$0x7], $0x10, $0x38;
	[tilespmem:$0x1F0F8] =	vst v63  }
.LBB2_51:
0x3c9: {  	s0 =	sadd.s32 s2, s0  }
0x3ca: {  	s2 =	sshrl.u32 s0, $0x2  }
.LBB2_52:
0x3cb: {  	s0 =	simm.s32 $0x7  }
0x3cc: {  	_ =	swait.ge [sflag:s0], s2  }
0x3cd: {  	s1 =	ssub.s32 $0x0, s2;
	[sflag:s0] =	ssyncset.done $0x0  }
0x3ce: {  	[sflag:s0] =	ssyncadd.s32 s1  }
0x3cf: {  	[sflag:s0] =	ssyncpa.u1 $0x1  }
.LBB2_53:
0x3d0: {  	_ =	sfence;
	s0 =	simm.s32 $0x1  }
0x3d1: {  	[sflag:s0] =	ssyncpa.u1 $0x1  }
0x3d2: {  	_ =	strace $0x90000050  }
0x3d3: {  	[bflag:$0x2] =	sbarrier.arrive $0xFFFF  }
0x3d4: {  	s0 =	rddreg [dreg:$0x3]  }
0x3d5: {  	s0 =	sadd.s32 @!p0 $0x100000, s0  }
0x3d6: {  	[sflag:s0] =	ssyncadd.tile.s32 @!p0 $0x1;
	_ =	shalt  }
.Lfunc_end2:
_tile_overlayer_lowered:
.L_overlay_start_2:
0x3d7: {  	(tag) =	ssettag $0x2  }
0x3d8: {  	s0 =	rddreg [dreg:$0x0];
	s2 =	stileid.u32  }
0x3d9: {  	s1 =	rddreg [dreg:$0x1];
	p0 =	sne.s32 s2, $0x0  }
0x3da: {  	s3 =	rddreg [dreg:$0x2];
	[bflag:$0x3] =	sbarrier.arrive $0xFFFF;
	s2 =	simm.s32 @!p0 $0x1C01  }
0x3db: {  	[timem:s3], [sflag:s2] =	dma.local @!p0 [hbm:s0], s1  }
0x3dc: {  	s0 =	simm.s32 @!p0 $0x1  }
0x3dd: {  	_ =	swait.ge @!p0 [sflag:s0], s1  }
0x3de: {  	s1 =	ssub.s32 @!p0 $0x0, s1;
	[sflag:s0] =	ssyncset.done @!p0 $0x0  }
0x3df: {  	[sflag:s0] =	ssyncadd.s32 @!p0 s1  }
0x3e0: {  	[bflag:$0x3] =	sbarrier.arrive $0xFFFF  }
0x3e1: {  	_ =	shalt  }

// kernel: scatter_offload_async_start
scs
__scs_entry_jumppad:
0x0: {  	(pc) =	sbr.rel $0x88, $3  }
0x1: {  	(tag) =	ssettag $0x0;
	lr =	simm.s32 $0x1  }
0x2: {  	[smem:$0x3F88] =	sst lr;
	_ =	strace $0xD0000000  }
0x3: {  	_ = 	snop  }
0x4: {  	_ = 	snop  }
0x5: {  	_ = 	snop  }
0x6: {  	_ = 	snop  }
0x7: {  	_ = 	snop  }
__scs_overlays_trampoline_lowered:
0x8: {  	[smem:$0x3F97] =	sst s0  }
0x9: {  	[smem:$0x3F98] =	sst s1  }
0xa: {  	[smem:$0x3F99] =	sst s2  }
0xb: {  	[smem:$0x3F9A] =	sst s3  }
0xc: {  	[smem:$0x3F9B] =	sst s4  }
0xd: {  	[smem:$0x3F9C] =	sst s5  }
0xe: {  	[smem:$0x3F9D] =	sst s6  }
0xf: {  	[smem:$0x3F9E] =	sst s7  }
0x10: {  	[smem:$0x3F9F] =	sst s8  }
0x11: {  	[smem:$0x3FA0] =	sst s9;
	s0 =	simm.s32 @!p0 $0x0  }
0x12: {  	s1 =	sld [smem:$0x3F86];
	s0 =	simm.s32 @p0 $0x1  }
0x13: {  	[smem:$0x3FA1] =	sst s0;
	s0 =	simm.s32 @!p1 $0x0  }
0x14: {  	s2 =	sld [smem:$0x3F85];
	s0 =	simm.s32 @p1 $0x1  }
0x15: {  	[smem:$0x3FA2] =	sst s0;
	s0 =	simm.s32 @!p2 $0x0  }
0x16: {  	s3 =	sld [smem:$0x3FDB];
	s0 =	simm.s32 @p2 $0x1  }
0x17: {  	s4 =	simm.s32 $0x1BF5;
	[smem:$0x3FA4] =	sst s0  }
0x18: {  	s0 =	sld [smem:$0x3F87];
	_ =	swait.ge [sflag:s4], $0x0  }
0x19: {  	s7 =	sld [smem:$0x3F88]  }
0x1a: {  	s8 =	sadd.s32 $0xFFFFE003, lr  }
0x1b: {  	s9 =	sadd.s32 $0xFFFFFEF7, lr;
	s5 =	simm.s32 $0xFFFFFFFF;
	p2 =	slt.u32 s8, $0xFFFFF086  }
0x1c: {  	p1 =	slt.u32 s9, $0xF7A;
	s5 =	simm.s32 @!p2 $0x0  }
0x1d: {  	s5 =	simm.s32 @p1 $0x1;
	p0 =	seq.s32 s7, s2  }
0x1e: {  	s7 =	smul.u32 @!p0 $0xF7A, s2;
	p2 =	seq.s32 @!p0 s5, $0x0  }
0x1f: {  	s9 =	smul.u32 $0xF7A, s1;
	s8 =	simm.s32 @!p0 $0x1BF5;
	p2 =	por !p2, p0  }
0x20: {  	[sflag:s8] =	ssyncset.s32 @!p0 $0xFFFFF086;
	s6 =	sadd.s32 @!p0 s3, s7;
	s7 =	simm.s32 @!p0 $0x108  }
0x21: {  	s3 =	sadd.s32 s3, s9;
	s6 =	sadd.s32 @!p0 $0x88, s6;
	s7 =	simm.s32 @p2 $0x1082  }
0x22: {  	[simem:s7], [sflag:s8] =	dma.local @!p0 [hbm:s6], $0xF7A  }
0x23: {  	s9 =	sor.u32 $0xD0000000, s2;
	s6 =	simm.s32 $0x108;
	_ =	swait.ge @!p0 [sflag:s8], $0x0  }
0x24: {  	s3 =	sadd.s32 $0x88, s3;
	s6 =	simm.s32 @!p1 $0x1082;
	[sflag:s4] =	ssyncset.s32 $0xFFFFF086  }
0x25: {  	[simem:s6], [sflag:s4] =	dma.local [hbm:s3], $0xF7A  }
0x26: {  	[smem:$0x3F88] =	sst s1;
	(tag) =	ssettag s2;
	_ =	strace s9  }
0x27: {  	s1 =	sld [smem:$0x3F98]  }
0x28: {  	s2 =	sld [smem:$0x3F99]  }
0x29: {  	s4 =	sld [smem:$0x3F9B]  }
0x2a: {  	p0 =	seq.s32 s5, $0x0;
	s5 =	sld [smem:$0x3F9C]  }
0x2b: {  	s6 =	sld [smem:$0x3F9D]  }
0x2c: {  	s7 =	sld [smem:$0x3F9E]  }
0x2d: {  	s3 =	simm.s32 $0x108;
	s8 =	sld [smem:$0x3F9F]  }
0x2e: {  	s3 =	simm.s32 @!p0 $0x1082;
	s9 =	sld [smem:$0x3FA0]  }
0x2f: {  	lr =	sadd.s32 s0, s3;
	s0 =	sld [smem:$0x3F97]  }
0x30: {  	s3 =	sld [smem:$0x3F9A]  }
0x31: {  	[smem:$0x3FA3] =	sst s10  }
0x32: {  	s10 =	sld [smem:$0x3FA1];
	_ =	sdelay $0x3  }
0x33: {  	p0 =	seq.s32 s10, $0x1;
	s10 =	sld [smem:$0x3FA3];
	_ =	sdelay $0x3  }
0x34: {  	[smem:$0x3FA3] =	sst s10  }
0x35: {  	s10 =	sld [smem:$0x3FA2];
	_ =	sdelay $0x3  }
0x36: {  	p1 =	seq.s32 s10, $0x1;
	s10 =	sld [smem:$0x3FA3];
	_ =	sdelay $0x3  }
0x37: {  	[smem:$0x3FA3] =	sst s10  }
0x38: {  	s10 =	sld [smem:$0x3FA4]  }
0x39: {  	_ = 	snop;
	(pc) =	sbr.ind lr, $3  }
0x3a: {  	_ = 	snop  }
0x3b: {  	_ = 	snop  }
0x3c: {  	p2 =	seq.s32 s10, $0x1;
	s10 =	sld [smem:$0x3FA3]  }
0x3d: {  	_ =	shalt  }
0x3e: {  	_ =	shalt  }
0x3f: {  	_ =	shalt  }
0x40: {  	_ =	shalt  }
0x41: {  	_ =	shalt  }
0x42: {  	_ =	shalt  }
0x43: {  	_ =	shalt  }
0x44: {  	_ =	shalt  }
0x45: {  	_ =	shalt  }
0x46: {  	_ =	shalt  }
0x47: {  	_ =	shalt  }
0x48: {  	_ =	shalt  }
0x49: {  	_ =	shalt  }
0x4a: {  	_ =	shalt  }
0x4b: {  	_ =	shalt  }
0x4c: {  	_ =	shalt  }
0x4d: {  	_ =	shalt  }
0x4e: {  	_ =	shalt  }
0x4f: {  	_ =	shalt  }
0x50: {  	_ =	shalt  }
0x51: {  	_ =	shalt  }
0x52: {  	_ =	shalt  }
0x53: {  	_ =	shalt  }
0x54: {  	_ =	shalt  }
0x55: {  	_ =	shalt  }
0x56: {  	_ =	shalt  }
0x57: {  	_ =	shalt  }
0x58: {  	_ =	shalt  }
0x59: {  	_ =	shalt  }
0x5a: {  	_ =	shalt  }
0x5b: {  	_ =	shalt  }
0x5c: {  	_ =	shalt  }
0x5d: {  	_ =	shalt  }
0x5e: {  	_ =	shalt  }
0x5f: {  	_ =	shalt  }
0x60: {  	_ =	shalt  }
0x61: {  	_ =	shalt  }
0x62: {  	_ =	shalt  }
0x63: {  	_ =	shalt  }
0x64: {  	_ =	shalt  }
0x65: {  	_ =	shalt  }
0x66: {  	_ =	shalt  }
0x67: {  	_ =	shalt  }
0x68: {  	_ =	shalt  }
0x69: {  	_ =	shalt  }
0x6a: {  	_ =	shalt  }
0x6b: {  	_ =	shalt  }
0x6c: {  	_ =	shalt  }
0x6d: {  	_ =	shalt  }
0x6e: {  	_ =	shalt  }
0x6f: {  	_ =	shalt  }
0x70: {  	_ =	shalt  }
0x71: {  	_ =	shalt  }
0x72: {  	_ =	shalt  }
0x73: {  	_ =	shalt  }
0x74: {  	_ =	shalt  }
0x75: {  	_ =	shalt  }
0x76: {  	_ =	shalt  }
0x77: {  	_ =	shalt  }
0x78: {  	_ =	shalt  }
0x79: {  	_ =	shalt  }
0x7a: {  	_ =	shalt  }
0x7b: {  	_ =	shalt  }
0x7c: {  	_ =	shalt  }
0x7d: {  	_ =	shalt  }
0x7e: {  	_ =	shalt  }
0x7f: {  	_ =	shalt  }
0x80: {  	_ =	shalt  }
0x81: {  	_ =	shalt  }
0x82: {  	_ =	shalt  }
0x83: {  	_ =	shalt  }
0x84: {  	_ =	shalt  }
0x85: {  	_ =	shalt  }
0x86: {  	_ =	shalt  }
0x87: {  	_ =	shalt  }
.Lfunc_end0:
.L_simem_size_0:
called_computation_lowered:
.L_overlay_start_0:
0x88: {  	s2 =	sld [smem:$0x3FD9]  }
0x89: {  	s3 =	sld [smem:$0x3FFE];
	_ =	sdelay $0x1  }
0x8a: {  	s1 =	srdreg.scid  }
0x8b: {  	s0 =	sand.u32 $0x1, s1  }
0x8c: {  	s15 =	sshll.u32 s0, $0xA;
	s2 =	sadd.s32 s3, s2  }
0x8d: {  	s2 =	sadd.s32 s2, s15  }
0x8e: {  	[smem:$0x3FAF] =	sst s2  }
0x8f: {  	_ = 	snop  }
0x90: {  	(tm) =	ssettm $0x1  }
0x91: {  	s16 =	sld [smem:$0x3FFB];
	_ =	sdelay $0x3  }
0x92: {  	_ =	strace s16  }
0x93: {  	s2 =	sld [smem:$0x3FFC];
	_ =	sdelay $0x3  }
0x94: {  	_ =	strace s2  }
0x95: {  	s2 =	sld [smem:$0x3FFD];
	_ =	sdelay $0x3  }
0x96: {  	_ =	strace s2  }
0x97: {  	_ =	strace $0x8FFFFFFF  }
0x98: {  	s17 =	sld [smem:$0x3FDB];
	_ =	sdelay $0x1  }
0x99: {  	s18 =	simm.s32 $_scs_section_size  }
0x9a: {  	s4 =	simm.s32 $_size__tile_overlayer_lowered;
	s5 =	simm.s32 $_tile_overlayer_lowered  }
0x9b: {  	s21 =	simm.s32 $0x1BFF;
	s20 =	sshll.u32 s5, $0x1;
	s2 =	sadd.s32 s18, s17  }
0x9c: {  	s6 =	simm.s32 $0x0;
	s19 =	sshll.u32 s4, $0x1;
	s4 =	sadd.s32 s20, s2  }
0x9d: {  	[timem:s6], [sflag:s21] =	dma.local [hbm:s4], s19  }
0x9e: {  	_ =	swait.ge [sflag:s21], s19  }
0x9f: {  	s3 =	ssub.s32 $0x0, s19;
	[sflag:s21] =	ssyncset.done $0x0  }
0xa0: {  	[sflag:s21] =	ssyncadd.s32 s3;
	_ =	sdelay $0x1  }
0xa1: {  	s22 =	simm.s32 $0x1B8B  }
0xa2: {  	_ =	swait.ge [sflag:s22], $0x1  }
0xa3: {  	[sflag:s22] =	ssyncset.done $0x0  }
0xa4: {  	s23 =	sld [smem:$0x3FFE];
	[sflag:s22] =	ssyncadd.s32 $0xFFFFFFFF  }
0xa5: {  	s25 =	simm.s32 $0x1B8E;
	s24 =	sld [smem:$0x0]  }
0xa6: {  	s26 =	simm.s32 $execute0_lowered;
	[smem:$0x3FD2] =	sst s25  }
0xa7: {  	s5 =	sshll.u32 s26, $0x1;
	_ =	strace $0x80000049;
	[dreg:$0x1] =	wrdreg $0xFFFFFFFF  }
0xa8: {  	s28 =	simm.s32 $_size_execute0_lowered;
	s2 =	sadd.s32 s2, s5;
	[dreg:$0x0] =	wrdreg $0x0  }
0xa9: {  	s5 =	sshll.u32 s28, $0x1;
	[dreg:$0x2] =	wrdreg s2  }
0xaa: {  	[dreg:$0x3] =	wrdreg s5  }
0xab: {  	[dreg:$0x4] =	wrdreg $0xC0  }
0xac: {  	_ =	task [dreg:s6], $0x5FFFF  }
0xad: {  	[dreg:$0x1] =	wrdreg $0xFFFFFFFF  }
0xae: {  	[dreg:$0x0] =	wrdreg $0x60  }
0xaf: {  	[dreg:$0x2] =	wrdreg s23  }
0xb0: {  	[dreg:$0x3] =	wrdreg s1  }
0xb1: {  	[dreg:$0x4] =	wrdreg s24  }
0xb2: {  	[dreg:$0x5] =	wrdreg $0x9  }
0xb3: {  	_ =	task.clear_ibuf [dreg:s6], $0x6FFFF;
	_ =	strace $0x90000049  }
0xb4: {  	s29 =	simm.s32 $0x9;
	_ =	strace $0x8000004B  }
0xb5: {  	_ =	swait.ge [sflag:s29], $0x1  }
0xb6: {  	[sflag:s29] =	ssyncadd.s32 $0xFFFFFFFF  }
0xb7: {  	_ =	strace $0x9000004B  }
0xb8: {  	_ =	sfence  }
0xb9: {  	s30 =	sld [smem:$0x0];
	_ =	sdelay $0x2  }
0xba: {  	s31 =	sshll.u32 s1, $0xD;
	s1 =	sshrl.u32 s1, $0x2  }
0xbb: {  	s3 =	sand.u32 $0x4000, s31;
	s1 =	sadd.s32 s1, s30  }
0xbc: {  	s0 =	sor.u32 s3, s0;
	s1 =	sshll.u32 s1, $0x11  }
0xbd: {  	s0 =	sor.u32 s1, s0  }
0xbe: {  	s0 =	sadd.s32 $0x8F2B, s0  }
0xbf: {  	[sflag:s0] =	ssyncadd.remote.s32 $0x1  }
0xc0: {  	_ =	sfence.sel $0xFFFF  }
0xc1: {  	[dreg:$0x0] =	wrdreg $0xFFFFFFFF;
	(pc) =	sbr.abs _section_cstart, $3  }
0xc2: {  	[dreg:$0x1] =	wrdreg $0xFFFFFFFF  }
0xc3: {  	_ =	task.clear_ibuf [dreg:s6], $0x2FFFF;
	_ =	strace $0x9FFFFFFF  }
0xc4: {  	(tm) =	ssettm $0x7FFFFFFF  }
0xc5: {  	_ =	shalt  }
tec
execute0_lowered:
.L_overlay_start_1:
0x0: {  	(tag) =	ssettag $0x1  }
0x1: {  	s2 =	rddreg [dreg:$0x0]  }
0x2: {  	s3 =	rddreg [dreg:$0x1];
	_ =	strace $0x8000004A;
	s0 =	simm.s32 $0x1  }
0x3: {  	s4 =	simm.s32 $0x88;
	v0 =	vimm.s32 $0x0;
	[sflag:s0] =	ssyncpa.u1 $0x0  }
0x4: {  	[tilespmem:s4+$0x30] =	vst v0  }
0x5: {  	s1 =	sadd.s32 $0x4DC00, s2;
	s0 =	sadd.s32 $0x4400, s2;
	s6 =	sadd.s32 $0xF9B400, s2;
	[tilespmem:s4+$0x20] =	vst v0  }
0x6: {  	s14 =	sadd.s32 $0x35400, s2;
	s9 =	sand.u32 $0x1, s3;
	s2 =	simm.s32 $0x40;
	[tilespmem:s4+$0x10] =	vst v0  }
.LBB2_1:
0x7: {  	s2 =	sadd.s32 $0x40, s2  }
0x8: {  	[tilespmem:s4+$0x0] =	vst v0;
	s4 =	sadd.s32 $0x40, s4;
	p0 =	slt.u32 s2, $0x5040  }
.Ltmp0:
0x9: {  	(pc) =	sbr.rel @p0 .LBB2_1-.Ltmp0, $4  }
0xa: {  	_ = 	snop  }
0xb: {  	[tilespmem:s4+$0x30] =	vst v0  }
0xc: {  	[tilespmem:s4+$0x20] =	vst v0  }
0xd: {  	[tilespmem:s4+$0x10] =	vst v0  }
0xe: {  	s10 =	stileid.u32  }
0xf: {  	s2 =	smul.u32 $0x4E, s10  }
0x10: {  	s3 =	smin.u32 s10, $0x7  }
0x11: {  	s2 =	sadd.s32 s3, s2  }
0x12: {  	p0 =	slt.u32 s10, $0x7;
	s7 =	smul.u32 $0x140, s2;
	s2 =	simm.s32 $0x62C0  }
0x13: {  	s2 =	simm.s32 @!p0 $0x6180  }
0x14: {  	s2 =	sadd.s32 s2, s7  }
0x15: {  	s8 =	smin.u32 s2, $0x62000  }
0x16: {  	s2 =	ssub.s32 s8, s7  }
0x17: {  	s26 =	simm.s32 $0x2;
	s29 =	simm.s32 $0x9;
	p0 =	sgt.s32 s2, $0x0  }
0x18: {  	s30 =	simm.s32 $0xA;
	s31 =	smul.u32 $0xC400, s9;
	s2 =	simm.s32 @!p0 $0x0  }
0x19: {  	s11 =	simm.s32 $0xB;
	[dreg:$0x4] =	wrdreg s9;
	s28 =	smulhi.u32 $0x66666667, s2  }
0x1a: {  	s12 =	simm.s32 $0x1;
	s18 =	simm.s32 $0x0;
	p1 =	por $0x0, $0x0  }
0x1b: {  	s19 =	simm.s32 $0xC;
	s23 =	simm.s32 $0x0;
	s3 =	sshrl.u32 s28, $0x7  }
0x1c: {  	s20 =	simm.s32 $0x0;
	s22 =	simm.s32 $0x0;
	s5 =	smul.u32 $0x140, s3  }
.Ltmp1:
0x1d: {  	[tilespmem:s4+$0x0] =	vst v0;
	v0 =	vimm.s32 $0xFFFFFFFF;
	[sflag:s26] =	ssyncpa.u1 $0x0;
	s16 =	sshll.u32 s10, $0x7;
	(pc) =	sbr.rel .LBB2_3-.Ltmp1, $4  }
0x1e: {  	[tilespmem:$0xA108] =	vst v0;
	[sflag:s29] =	ssyncpa.u1 $0x0;
	p0 =	sne.s32 s2, s5;
	s2 =	simm.s32 $0x1  }
0x1f: {  	s14 =	sadd.s32 s31, s14;
	[sflag:s30] =	ssyncpa.u1 $0x0;
	s2 =	simm.s32 @!p0 $0x0  }
0x20: {  	s15 =	sadd.s32 s31, s0;
	[sflag:s11] =	ssyncpa.u1 $0x0;
	s13 =	sadd.s32 s2, s3  }
0x21: {  	v0 =	vlaneseq.u32;
	s21 =	smov.u32 s7;
	p0 =	por $0x1, $0x1;
	s17 =	sadd.s32 $0x1, s13  }
.LBB2_24:
0x22: {  	s0 =	sshrl.u32 s0, $0x2  }
.LBB2_26:
0x23: {  	_ =	swait.ge [sflag:s19], s0  }
0x24: {  	s30 =	ssub.s32 $0x0, s0;
	v1 =	vmov s25;
	vm0 =	veq.s32 v0, $0x0;
	[sflag:s19] =	ssyncset.done $0x0  }
0x25: {  	vm15 =	veq.s32 v0, $0x2;
	v1 =	vsel vm0, s31, v1;
	[sflag:s19] =	ssyncadd.s32 s30  }
0x26: {  	v1 =	vsel vm15, s23, v1;
	[sflag:s19] =	ssyncpa.u1 $0x1  }
0x27: {  	[tilespmem:$0xA108] =	vst v1  }
.LBB2_27:
0x28: {  	s0 =	sadd.s32 $0x140, s21  }
0x29: {  	s2 =	smov.u32 s7;
	p2 =	slt.s32 s0, s8  }
0x2a: {  	s2 =	smov.u32 @p2 s0;
	p2 =	sne.s32 s22, s17  }
.Ltmp2:
0x2b: {  	_ = 	snop;
	(pc) =	sbr.rel @!p2 .LBB2_28-.Ltmp2, $4  }
0x2c: {  	_ = 	snop  }
0x2d: {  	s23 =	smov.u32 s20  }
0x2e: {  	s31 =	sadd.s32 $0x1, s22;
	s20 =	smov.u32 s21;
	p0 =	por !p0, !p0  }
0x2f: {  	p1 =	por !p1, !p1;
	s22 =	smov.u32 s31;
	s21 =	smov.u32 s2  }
.LBB2_3:
0x30: {  	p2 =	sge.u32 s22, s13  }
0x31: {  	s0 =	smulhi.u32 @!p2 $0xAAAAAAAB, s22  }
0x32: {  	s2 =	smov.u32 s21;
	p3 =	sgt.s32 @!p2 s21, $0x61EC0  }
0x33: {  	s3 =	sshra.s32 @!p2 s21, $0x1F;
	p3 =	por !p3, p2;
	s0 =	sshrl.u32 @!p2 s0, $0x1  }
0x34: {  	s3 =	sand.u32 @!p2 s3, s21;
	s2 =	simm.s32 @p3 $0x61EC0;
	s0 =	smul.u32 @!p2 $0x3, s0  }
0x35: {  	s2 =	ssub.s32 @!p2 s2, s3  }
0x36: {  	s2 =	sadd.s32 @!p2 $0xFFF9E140, s2;
	s0 =	ssub.s32 @!p2 s22, s0  }
0x37: {  	s3 =	sshll.u32 @!p2 s2, $0x2;
	p3 =	sgt.s32 @!p2 s2, $0x13F;
	s0 =	smul.u32 @!p2 $0x500, s0  }
0x38: {  	s4 =	sand.u32 @!p2 $0x7, s21;
	s2 =	ssub.s32 @!p2 $0x500, s3;
	p3 =	por !p3, p2  }
0x39: {  	s3 =	sshrl.u32 @!p2 s21, $0x3;
	s2 =	sshrl.u32 @!p2 s2, $0x2;
	s0 =	sshrl.u32 @!p2 s0, $0x2  }
0x3a: {  	s3 =	sadd.s32 @!p2 s3, s14;
	s2 =	simm.s32 @!p3 $0x0;
	s0 =	sadd.s32 @!p2 $0xA948, s0  }
0x3b: {  	[tilespmem:s0], [sflag:$0xA] =	stream.linear.gather @!p2 [hbm4b:s3+s4], s2, $0x38;
	[tilespmem:$0x1EF88] =	vst v63  }
0x3c: {  	s4 =	sadd.s32 $0xFFFFFFFF, s22  }
0x3d: {  	p2 =	sge.u32 s4, s13  }
0x3e: {  	p3 =	sgt.s32 @!p2 s20, $0x61EC0  }
0x3f: {  	s0 =	smov.u32 s20;
	s2 =	sshra.s32 @!p2 s20, $0x1F;
	p3 =	por !p3, p2  }
0x40: {  	s2 =	sand.u32 @!p2 s2, s20;
	s0 =	simm.s32 @p3 $0x61EC0  }
0x41: {  	s0 =	ssub.s32 @!p2 s0, s2  }
0x42: {  	s0 =	sadd.s32 @!p2 $0xFFF9E140, s0  }
0x43: {  	s2 =	sshll.u32 @!p2 s0, $0x2  }
0x44: {  	p3 =	sgt.s32 @!p2 s0, $0x13F;
	s0 =	ssub.s32 @!p2 $0x500, s2  }
0x45: {  	p3 =	por !p3, p2;
	s0 =	sshrl.u32 @!p2 s0, $0x2  }
0x46: {  	s3 =	simm.s32 @!p2 $0xA;
	s2 =	sand.u32 @!p2 $0x1, s4;
	s0 =	simm.s32 @!p3 $0x0  }
0x47: {  	s2 =	smul.u32 @!p2 $0x500, s2;
	_ =	swait.ge @!p2 [sflag:s3], s0  }
0x48: {  	s5 =	ssub.s32 @!p2 $0x0, s0;
	[sflag:s3] =	ssyncset.done @!p2 $0x0  }
0x49: {  	s2 =	sshrl.u32 @!p2 s2, $0x2;
	[sflag:s3] =	ssyncadd.s32 @!p2 s5;
	s3 =	sshrl.u32 @!p2 s20, $0x3  }
0x4a: {  	s2 =	sadd.s32 @!p2 $0xAD08, s2;
	s5 =	sand.u32 @!p2 $0x7, s20;
	s3 =	sadd.s32 @!p2 s3, s15  }
0x4b: {  	[tilespmem:s2], [sflag:$0xB] =	stream.linear.gather @!p2 [hbm4b:s3+s5], s0, $0x38;
	[tilespmem:$0x1EF88] =	vst v63  }
0x4c: {  	s0 =	ssub.s32 @!p2 $0x62000, s20  }
0x4d: {  	p3 =	slt.s32 @!p2 s0, $0x1  }
0x4e: {  	p3 =	por p2, p3  }
.Ltmp3:
0x4f: {  	_ = 	snop;
	(pc) =	sbr.rel @p3 .LBB2_9-.Ltmp3, $1  }
0x50: {  	_ =	sdelay $0x3  }
0x51: {  	s2 =	smulhi.u32 $0xAAAAAAAB, s4;
	_ =	sdelay $0x1  }
0x52: {  	s2 =	sshrl.u32 s2, $0x1  }
0x53: {  	s2 =	smul.u32 $0x3, s2;
	_ =	sdelay $0x1  }
0x54: {  	s2 =	ssub.s32 s4, s2  }
0x55: {  	s3 =	simm.s32 $0x1;
	s2 =	smul.u32 $0x500, s2  }
.Ltmp4:
0x56: {  	s3 =	simm.s32 @!p0 $0x0;
	(pc) =	sbr.rel .LBB2_6-.Ltmp4, $4  }
0x57: {  	s3 =	smul.u32 $0x28000, s3  }
0x58: {  	p3 =	slt.s32 @!p2 s0, $0x140;
	s2 =	sshrl.u32 s2, $0x2  }
0x59: {  	p2 =	por !p3, p2;
	s3 =	sshrl.u32 s3, $0x2;
	s2 =	sadd.s32 $0xA948, s2  }
0x5a: {  	s24 =	simm.s32 $0x0;
	s0 =	simm.s32 @p2 $0x140;
	s4 =	sadd.s32 $0xAF88, s3;
	v1 =	vmov s2  }
.LBB2_5:
0x5b: {  	p2 =	sge.s32 s24, s0  }
.Ltmp5:
0x5c: {  	_ = 	snop;
	(pc) =	sbr.rel @p2 .LBB2_9-.Ltmp5, $2  }
0x5d: {  	_ =	sdelay $0x2  }
0x5e: {  	s4 =	sadd.s32 $0x800, s4  }
.LBB2_6:
0x5f: {  	p2 =	sle.s32 s0, s24  }
.Ltmp6:
0x60: {  	_ = 	snop;
	(pc) =	sbr.rel @p2 .LBB2_5-.Ltmp6, $2  }
0x61: {  	_ =	sdelay $0x2  }
0x62: {  	s5 =	smov.u32 s24;
	s24 =	sadd.s32 $0x10, s24  }
0x63: {  	s2 =	ssub.s32 s0, s5  }
0x64: {  	p2 =	slt.s32 s2, $0x10  }
0x65: {  	s2 =	simm.s32 @!p2 $0x10  }
0x66: {  	v2 =	vmov s2  }
0x67: {  	vm0 =	vgt.s32 v2, v0;
	_ =	sdelay $0x5  }
0x68: {  	v2 =	vld.idx.msk [tilespmem:v1+s5+$0x0 ss:$0x1], vm0;
	_ =	sdelay $0x2  }
0x69: {  	p2 =	slt.s32 s24, s0;
	s2 =	smov.u32 s0  }
0x6a: {  	s3 =	smov.u32 s4;
	s25 =	simm.s32 $0x0;
	s2 =	smov.u32 @p2 s24  }
.LBB2_8:
0x6b: {  	(v2sf) =	vpush v2, s25;
	_ =	sdelay $0xc  }
0x6c: {  	s25 =	sadd.s32 $0x1, s25  }
0x6d: {  	s31 =	sadd.s32 s25, s5  }
0x6e: {  	p2 =	slt.s32 s31, s2;
	s9 =	spop (v2sf)  }
.Ltmp7:
0x6f: {  	s9 =	sshll.u32 s9, $0x4;
	(pc) =	sbr.rel @p2 .LBB2_8-.Ltmp7, $4  }
0x70: {  	s9 =	sand.u32 $0x1FFFFFF0, s9  }
0x71: {  	s9 =	sadd.s32 s6, s9  }
0x72: {  	[tilespmem:s3], [sflag:$0x9] =	stream.linear.gather [hbm4b:s9+s18], $0x40, $0x38;
	[tilespmem:$0x1EF88] =	vst v63  }
0x73: {  	s3 =	sadd.s32 $0x80, s3  }
.Ltmp8:
0x74: {  	_ = 	snop;
	(pc) =	sbr.rel .LBB2_5-.Ltmp8, $1  }
0x75: {  	_ =	sdelay $0x3  }
.LBB2_9:
0x76: {  	p2 =	slt.u32 s22, $0x2  }
.Ltmp9:
0x77: {  	_ = 	snop;
	(pc) =	sbr.rel @p2 .LBB2_27-.Ltmp9, $1  }
0x78: {  	_ =	sdelay $0x3  }
0x79: {  	p2 =	sgt.s32 s23, $0x61EC0  }
0x7a: {  	s0 =	smov.u32 s23;
	s2 =	sshra.s32 s23, $0x1F;
	s3 =	ssub.s32 $0x62000, s23  }
0x7b: {  	s0 =	simm.s32 @!p2 $0x61EC0;
	s2 =	sand.u32 s2, s23;
	p2 =	slt.s32 s3, $0x140  }
0x7c: {  	s0 =	ssub.s32 s0, s2;
	s3 =	simm.s32 @!p2 $0x140  }
0x7d: {  	s0 =	sadd.s32 $0xFFF9E140, s0;
	s10 =	sshll.u32 s3, $0x6  }
0x7e: {  	s26 =	simm.s32 $0x9;
	s24 =	sshll.u32 s0, $0x2;
	s2 =	sand.u32 $0x3FFFFFC0, s10  }
0x7f: {  	p2 =	sgt.s32 s0, $0x13F;
	s25 =	ssub.s32 $0x500, s24;
	_ =	swait.ge [sflag:s26], s2  }
0x80: {  	s2 =	ssub.s32 $0x0, s2;
	[sflag:s26] =	ssyncset.done $0x0;
	s0 =	sshrl.u32 s25, $0x2  }
0x81: {  	[sflag:s26] =	ssyncadd.s32 s2;
	s0 =	simm.s32 @p2 $0x0  }
0x82: {  	_ =	swait.ge [sflag:s11], s0  }
0x83: {  	s0 =	ssub.s32 $0x0, s0;
	[sflag:s11] =	ssyncset.done $0x0  }
0x84: {  	[sflag:s11] =	ssyncadd.s32 s0  }
0x85: {  	v1 =	vld [tilespmem:$0xA108];
	_ =	sdelay $0x4  }
0x86: {  	(v2sf) =	vpush v1, $0x0  }
0x87: {  	(v2sf) =	vpush v1, $0x1  }
0x88: {  	(v2sf) =	vpush v1, $0x2;
	_ =	sdelay $0x3  }
0x89: {  	s0 =	sadd.s32 $0x140, s23  }
0x8a: {  	s2 =	ssub.s32 $0xC4000, s23;
	p2 =	slt.s32 s8, s0  }
0x8b: {  	s0 =	smov.u32 @p2 s8;
	p2 =	sgt.s32 s2, $0x0  }
0x8c: {  	s0 =	ssub.s32 s0, s23;
	s2 =	simm.s32 @!p2 $0x0  }
0x8d: {  	p2 =	slt.s32 s2, s0  }
0x8e: {  	s0 =	smov.u32 @p2 s2  }
0x8f: {  	s26 =	simm.s32 $0x1;
	p2 =	slt.s32 s0, $0x1  }
.Ltmp10:
0x90: {  	s26 =	simm.s32 @!p1 $0x0;
	(pc) =	sbr.rel @p2 .LBB2_14-.Ltmp10, $4  }
0x91: {  	s30 =	smul.u32 $0x500, s26  }
0x92: {  	s28 =	spop (v2sf)  }
0x93: {  	s31 =	sshrl.u32 s30, $0x2;
	s29 =	spop (v2sf)  }
0x94: {  	s24 =	sadd.s32 $0xAD08, s31;
	s23 =	spop (v2sf)  }
0x95: {  	s2 =	smin.u32 s0, $0x10  }
0x96: {  	v1 =	vmov s2  }
0x97: {  	p3 =	sgt.s32 s0, $0x10;
	vm1 =	vgt.u32 v1, v0  }
.Ltmp11:
0x98: {  	_ = 	snop;
	(pc) =	sbr.rel @!p3 .LBB2_13-.Ltmp11, $2  }
0x99: {  	_ =	sdelay $0x2  }
0x9a: {  	s5 =	simm.s32 $0x10;
	s25 =	sadd.s32 $0xFFFFFFF0, s0;
	s4 =	smov.u32 s24;
	vm0 =	vmmov vm1  }
.LBB2_12:
0x9b: {  	s2 =	smin.u32 s25, $0x10;
	s5 =	sadd.s32 $0x10, s5;
	v1 =	vld.msk [tilespmem:s4+$0x0 ss:$0x1], vm1  }
0x9c: {  	v2 =	vmov s2;
	p3 =	slt.s32 s5, s0  }
0x9d: {  	vm1 =	vgt.u32 v2, v0  }
.Ltmp12:
0x9e: {  	(pc) =	sbr.rel @p3 .LBB2_12-.Ltmp12, $3  }
0x9f: {  	_ =	sdelay $0x1  }
0xa0: {  	v1 =	vshll.u32 v1, $0x4  }
0xa1: {  	s25 =	sadd.s32 $0xFFFFFFF0, s25;
	[tilespmem:s4+$0x0] =	vst.msk vm0, v1;
	s4 =	sadd.s32 $0x10, s4;
	vm0 =	vmmov vm1  }
.LBB2_13:
0xa2: {  	_ =	sdelay $0x4  }
0xa3: {  	v1 =	vld.msk [tilespmem:s4+$0x0 ss:$0x1], vm1;
	_ =	sdelay $0x4  }
0xa4: {  	v1 =	vshll.u32 v1, $0x4  }
0xa5: {  	[tilespmem:s4+$0x0] =	vst.msk vm0, v1  }
.LBB2_14:
0xa6: {  	s2 =	sand.u32 $0x1, s22  }
0xa7: {  	s2 =	smul.u32 $0x140, s2  }
0xa8: {  	p3 =	sne.s32 s29, $0xFFFFFFFF  }
0xa9: {  	v1 =	vld.msk @!p3 [tilespmem:s2+$0xAD08], $0x1;
	_ =	sdelay $0x4  }
0xaa: {  	(v2sf) =	vpush @!p3 v1, $0x0;
	_ =	sdelay $0xc  }
.Ltmp13:
0xab: {  	_ = 	snop;
	(pc) =	sbr.rel @p2 .LBB2_25-.Ltmp13, $4  }
0xac: {  	_ = 	snop  }
0xad: {  	s30 =	spop @!p3 (v2sf)  }
0xae: {  	s23 =	simm.s32 @!p3 $0x0;
	s25 =	smov.u32 s30  }
0xaf: {  	[sflag:s19] =	ssyncpa.u1 $0x0;
	s30 =	smov.u32 @p3 s28;
	s25 =	smov.u32 @p3 s29  }
0xb0: {  	v1 =	vld.msk [tilespmem:s24+$0x0], $0x1;
	_ =	sdelay $0x4  }
0xb1: {  	(v2sf) =	vpush v1, $0x0;
	_ =	sdelay $0xe  }
0xb2: {  	s2 =	smul.u32 $0x28000, s26;
	s4 =	spop (v2sf)  }
0xb3: {  	s28 =	ssub.s32 $0x0, s0;
	p2 =	seq.s32 s30, s4  }
0xb4: {  	s0 =	sadd.s32 $0x1, s28;
	s2 =	sshrl.u32 s2, $0x2;
	p3 =	sgt.s32 @!p2 s30, $0x0  }
0xb5: {  	s26 =	sadd.s32 $0xAFA8, s2;
	s2 =	smov.u32 s30;
	p3 =	por !p3, p2  }
0xb6: {  	s2 =	simm.s32 @p3 $0x0;
	p3 =	seq.s32 s0, $0x0  }
.Ltmp14:
0xb7: {  	_ = 	snop;
	(pc) =	sbr.rel @p3 .LBB2_17-.Ltmp14, $4  }
0xb8: {  	_ = 	snop  }
0xb9: {  	s29 =	simm.s32 $0x0;
	s5 =	simm.s32 @!p2 $0x1;
	s3 =	smin.u32 @!p2 s2, $0xC34F8  }
0xba: {  	s31 =	sadd.s32 $0x1, s24;
	s5 =	smov.u32 @p2 s29;
	s9 =	sand.u32 @!p2 $0xFFFF8, s3  }
0xbb: {  	s2 =	simm.s32 @!p2 $0x50C8;
	s3 =	sand.u32 @!p2 $0x7, s3;
	s9 =	sadd.s32 @!p2 s1, s9  }
.LBB2_16:
0xbc: {  	s10 =	smov.u32 s5  }
0xbd: {  	[tilespmem:s2], [sflag:$0x2] =	stream.linear.gather @!p2 [hbm4b:s9+s3], $0x40, $0x38;
	[tilespmem:$0x1EF88] =	vst v63  }
0xbe: {  	s0 =	sadd.s32 $0x1, s0;
	s3 =	smov.u32 s4;
	v1 =	vld.msk [tilespmem:s31+$0x0], $0x1  }
0xbf: {  	p3 =	seq.s32 s0, $0x0;
	_ =	sdelay $0x3  }
0xc0: {  	(v2sf) =	vpush v1, $0x0;
	_ =	sdelay $0xe  }
0xc1: {  	s4 =	spop (v2sf)  }
0xc2: {  	p2 =	seq.s32 s3, s4  }
0xc3: {  	p4 =	sgt.s32 @!p2 s3, $0x0;
	s2 =	sshll.u32 @!p2 s5, $0x8;
	s5 =	sadd.s32 @!p2 $0x1, s5  }
.Ltmp15:
0xc4: {  	p4 =	por !p4, p2;
	s2 =	sshra.s32 @!p2 s2, $0x2;
	(pc) =	sbr.rel @!p3 .LBB2_16-.Ltmp15, $4  }
0xc5: {  	s5 =	smov.u32 @p2 s10;
	s3 =	simm.s32 @p4 $0x0;
	s2 =	sadd.s32 @!p2 $0x50C8, s2  }
0xc6: {  	s3 =	smin.u32 @!p2 s3, $0xC34F8  }
0xc7: {  	s9 =	sand.u32 @!p2 $0xFFFF8, s3;
	s3 =	sand.u32 @!p2 $0x7, s3  }
0xc8: {  	s31 =	sadd.s32 $0x1, s31;
	s9 =	sadd.s32 @!p2 s1, s9  }
.LBB2_17:
0xc9: {  	[tilespmem:s2], [sflag:$0x2] =	stream.linear.gather @!p2 [hbm4b:s9+s3], $0x40, $0x38;
	[tilespmem:$0x1EF88] =	vst v63  }
.Ltmp16:
0xca: {  	s0 =	sshll.u32 s5, $0x6;
	(pc) =	sbr.rel .LBB2_18-.Ltmp16, $4  }
0xcb: {  	s31 =	simm.s32 $0x2;
	s0 =	sand.u32 $0x3FFFFFC0, s0  }
0xcc: {  	_ =	swait.ge [sflag:s31], s0  }
0xcd: {  	s0 =	ssub.s32 $0x0, s0;
	[sflag:s31] =	ssyncset.done $0x0  }
0xce: {  	[sflag:s31] =	ssyncadd.s32 s0;
	s0 =	simm.s32 $0x0  }
.LBB2_19:
0xcf: {  	v1 =	vld [tilespmem:s26+$0xFFFFFFE0];
	_ =	sdelay $0x4  }
0xd0: {  	[tilespmem:s4+$0x88] =	vst.add.f32.msk $0xffff, v1  }
0xd1: {  	v1 =	vld [tilespmem:s26+$0xFFFFFFF0];
	_ =	sdelay $0x4  }
0xd2: {  	[tilespmem:s4+$0x98] =	vst.add.f32.msk $0xffff, v1  }
0xd3: {  	v1 =	vld [tilespmem:s26+$0x0];
	_ =	sdelay $0x4  }
0xd4: {  	[tilespmem:s4+$0xA8] =	vst.add.f32.msk $0xffff, v1  }
0xd5: {  	v1 =	vld [tilespmem:s26+$0x10];
	_ =	sdelay $0x4  }
0xd6: {  	[tilespmem:s4+$0xB8] =	vst.add.f32.msk $0xffff, v1  }
.LBB2_23:
0xd7: {  	s28 =	sadd.s32 $0x1, s28  }
0xd8: {  	p2 =	seq.s32 s28, $0x0  }
.Ltmp17:
0xd9: {  	_ = 	snop;
	(pc) =	sbr.rel @p2 .LBB2_24-.Ltmp17, $2  }
0xda: {  	_ =	sdelay $0x2  }
0xdb: {  	s26 =	sadd.s32 $0x80, s26;
	s24 =	sadd.s32 $0x1, s24;
	s30 =	smov.u32 s31  }
.LBB2_18:
0xdc: {  	v1 =	vld.msk [tilespmem:s24+$0x0], $0x1;
	_ =	sdelay $0x4  }
0xdd: {  	(v2sf) =	vpush v1, $0x0;
	_ =	sdelay $0xe  }
0xde: {  	s31 =	spop (v2sf)  }
0xdf: {  	p2 =	sne.s32 s30, s31  }
.Ltmp18:
0xe0: {  	_ = 	snop;
	(pc) =	sbr.rel @!p2 .LBB2_19-.Ltmp18, $3  }
0xe1: {  	_ =	sdelay $0x1  }
0xe2: {  	s2 =	sshll.u32 s23, $0x8  }
0xe3: {  	s4 =	sshra.s32 s2, $0x2  }
0xe4: {  	p2 =	seq.s32 s30, s25  }
.Ltmp19:
0xe5: {  	_ = 	snop;
	(pc) =	sbr.rel @!p2 .LBB2_21-.Ltmp19, $1  }
0xe6: {  	_ =	sdelay $0x3  }
.Ltmp20:
0xe7: {  	s2 =	sadd.s32 $0x88, s4;
	(pc) =	sbr.rel .LBB2_22-.Ltmp20, $4  }
0xe8: {  	[spmem:s16] =	stream.linear.scatter [tilespmem:s2], [sflag:$0x1], $0x40, $0x38;
	[tilespmem:$0x1EF88] =	vst v63  }
0xe9: {  	_ =	swait.ge [sflag:s12], $0x40  }
0xea: {  	[sflag:s12] =	ssyncset.done $0x0  }
0xeb: {  	[sflag:s12] =	ssyncadd.s32 $0xFFFFFFC0  }
.LBB2_21:
0xec: {  	s2 =	sshll.u32 s29, $0x8  }
0xed: {  	s2 =	sshra.s32 s2, $0x2  }
0xee: {  	v1 =	vld [tilespmem:s2+$0x50C8];
	_ =	sdelay $0x4  }
0xef: {  	[tilespmem:s4+$0x88] =	vst.add.f32.msk $0xffff, v1  }
0xf0: {  	v1 =	vld [tilespmem:s2+$0x50D8];
	_ =	sdelay $0x4  }
0xf1: {  	[tilespmem:s4+$0x98] =	vst.add.f32.msk $0xffff, v1  }
0xf2: {  	v1 =	vld [tilespmem:s2+$0x50E8];
	_ =	sdelay $0x4  }
0xf3: {  	[tilespmem:s4+$0xA8] =	vst.add.f32.msk $0xffff, v1  }
0xf4: {  	v1 =	vld [tilespmem:s2+$0x50F8];
	_ =	sdelay $0x2  }
0xf5: {  	p2 =	sgt.u32 s30, $0xC34F8  }
0xf6: {  	s2 =	sand.u32 @!p2 $0xFFFF8, s30  }
0xf7: {  	s3 =	sadd.s32 $0x88, s4;
	s2 =	sadd.s32 @!p2 s1, s2;
	[tilespmem:s4+$0xB8] =	vst.add.f32.msk $0xffff, v1;
	s4 =	sand.u32 @!p2 $0x7, s30  }
0xf8: {  	[hbm4b:s2+s4] =	stream.linear.scatter @!p2 [tilespmem:s3], [sflag:$0xC], $0x40, $0x38;
	[tilespmem:$0x1EF88] =	vst v63  }
0xf9: {  	s2 =	simm.s32 $0x0  }
0xfa: {  	s2 =	simm.s32 @!p2 $0x100  }
0xfb: {  	s0 =	sadd.s32 s2, s0  }
.LBB2_22:
0xfc: {  	s2 =	sadd.s32 $0x1, s23  }
0xfd: {  	s3 =	smulhi.u32 $0xCCCCCCCD, s2;
	_ =	sdelay $0x1  }
0xfe: {  	v1 =	vld [tilespmem:s26+$0xFFFFFFE0];
	s3 =	sshrl.u32 s3, $0x8  }
0xff: {  	s3 =	smul.u32 $0x140, s3;
	_ =	sdelay $0x1  }
0x100: {  	s23 =	ssub.s32 s2, s3  }
0x101: {  	s2 =	sshll.u32 s23, $0x6  }
0x102: {  	[tilespmem:s2+$0x88] =	vst v1  }
0x103: {  	v1 =	vld [tilespmem:s26+$0xFFFFFFF0];
	_ =	sdelay $0x4  }
0x104: {  	[tilespmem:s2+$0x98] =	vst v1  }
0x105: {  	v1 =	vld [tilespmem:s26+$0x0];
	_ =	sdelay $0x4  }
0x106: {  	[tilespmem:s2+$0xA8] =	vst v1  }
0x107: {  	v1 =	vld [tilespmem:s26+$0x10]  }
.Ltmp21:
0x108: {  	_ = 	snop;
	(pc) =	sbr.rel .LBB2_23-.Ltmp21, $2  }
0x109: {  	_ =	sdelay $0x2  }
0x10a: {  	s29 =	sadd.s32 $0x1, s29;
	[tilespmem:s2+$0xB8] =	vst v1  }
.LBB2_25:
.Ltmp22:
0x10b: {  	(pc) =	sbr.rel .LBB2_26-.Ltmp22, $4  }
0x10c: {  	_ = 	snop  }
0x10d: {  	s0 =	simm.s32 $0x2  }
0x10e: {  	_ =	swait.ge [sflag:s0], $0x0  }
0x10f: {  	s31 =	smov.u32 s30;
	[sflag:s0] =	ssyncset.done $0x0;
	s0 =	simm.s32 $0x0  }
.LBB2_28:
0x110: {  	_ =	sfence.sel $0x180000  }
0x111: {  	s0 =	simm.s32 $0x9;
	[bflag:$0x0] =	sbarrier.arrive $0xFFFF  }
0x112: {  	s24 =	simm.s32 $0xA;
	[sflag:s0] =	ssyncpa.u1 $0x1  }
0x113: {  	s25 =	simm.s32 $0xB;
	[sflag:s24] =	ssyncpa.u1 $0x1  }
0x114: {  	s26 =	simm.s32 $0x2;
	[sflag:s25] =	ssyncpa.u1 $0x1  }
0x115: {  	[sflag:s26] =	ssyncpa.u1 $0x1  }
0x116: {  	v0 =	vld [tilespmem:$0xA108];
	_ =	sdelay $0x4  }
0x117: {  	(v2sf) =	vpush v0, $0x0  }
0x118: {  	(v2sf) =	vpush v0, $0x1;
	_ =	sdelay $0x1  }
0x119: {  	(v2sf) =	vpush v0, $0x2;
	_ =	sdelay $0xb  }
0x11a: {  	s0 =	spop (v2sf)  }
0x11b: {  	s2 =	spop (v2sf)  }
0x11c: {  	s3 =	smov.u32 s0;
	p0 =	sne.s32 s0, s2  }
0x11d: {  	s4 =	spop (v2sf);
	s3 =	simm.s32 @!p0 $0xFFFFFFFF  }
0x11e: {  	v2 =	vimm.s32 $0x1;
	v3 =	vlaneseq.u32;
	p0 =	seq.s32 s4, $0xFFFFFFFF;
	v1 =	vmov s3  }
0x11f: {  	s15 =	stileid.u32;
	v0 =	vperm.xlane v0, v2;
	p1 =	sne.s32 @!p0 s0, s2;
	v1 =	vperm.xlane v1, v3  }
0x120: {  	vm0 =	vcmask $0x3F04;
	s6 =	simm.s32 $0xA108;
	s0 =	simm.s32 @!p0 $0x1;
	p1 =	por !p1, p0  }
0x121: {  	s3 =	sshll.u32 s15, $0x1;
	s2 =	sshll.u32 @!p0 s4, $0x8;
	s0 =	simm.s32 @p1 $0x0;
	v0 =	vsel vm0, v1, v0  }
0x122: {  	s5 =	sor.u32 $0x800, s3;
	s2 =	sshra.s32 @!p0 s2, $0x2;
	s0 =	sor.u32 @!p0 s0, s3;
	[tilespmem:$0xA108] =	vst v0  }
0x123: {  	[spmem:s5] =	stream.linear.scatter [tilespmem:s6], [sflag:$0x1], $0x2, $0x38;
	[tilespmem:$0x1EF88] =	vst v63  }
0x124: {  	s2 =	sadd.s32 @!p0 $0x88, s2;
	s0 =	sshll.u32 @!p0 s0, $0x6  }
0x125: {  	[spmem:s0] =	stream.linear.scatter @!p0 [tilespmem:s2], [sflag:$0x1], $0x40, $0x38;
	[tilespmem:$0x1EF88] =	vst v63  }
0x126: {  	s0 =	simm.s32 @!p0 $0x42  }
0x127: {  	s28 =	simm.s32 $0x1;
	s0 =	simm.s32 @p0 $0x2  }
0x128: {  	_ =	swait.ge [sflag:s28], s0  }
0x129: {  	s0 =	ssub.s32 $0x0, s0;
	[sflag:s28] =	ssyncset.done $0x0  }
0x12a: {  	p0 =	sne.s32 s15, $0x0;
	[sflag:s28] =	ssyncadd.s32 s0  }
.Ltmp23:
0x12b: {  	_ =	sfence.stream.spmem;
	(pc) =	sbr.rel @p0 .LBB2_45-.Ltmp23, $4  }
0x12c: {  	s29 =	simm.s32 $0x3;
	[bflag:$0x0] =	sbarrier.arrive $0xFFFF  }
0x12d: {  	s30 =	simm.s32 $0x4;
	[sflag:s29] =	ssyncpa.u1 $0x1  }
0x12e: {  	s31 =	simm.s32 $0x3C;
	[sflag:s30] =	ssyncpa.u1 $0x1  }
0x12f: {  	s14 =	rddreg [dreg:$0x4];
	[sflag:s31] =	ssyncpa.u1 $0x1  }
0x130: {  	_ =	sfence.stream.spmem;
	s0 =	simm.s32 $0x5  }
0x131: {  	s2 =	simm.s32 $0x800;
	s3 =	simm.s32 $0xA118;
	[sflag:s0] =	ssyncpa.u1 $0x0  }
0x132: {  	[tilespmem:s3], [sflag:$0x5] =	stream.linear.gather [spmem:s2], $0x20, $0x38;
	[tilespmem:$0x1EF88] =	vst v63  }
0x133: {  	s26 =	simm.s32 $0x0;
	s28 =	simm.s32 $0xA138  }
0x134: {  	[tilespmem:s28], [sflag:$0x5] =	stream.linear.gather [spmem:s26], $0x800, $0x38;
	[tilespmem:$0x1EF88] =	vst v63  }
0x135: {  	_ =	swait.ge [sflag:s0], $0x820  }
0x136: {  	[sflag:s0] =	ssyncset.done $0x0  }
0x137: {  	s29 =	simm.s32 $0x0;
	[sflag:s0] =	ssyncadd.s32 $0xFFFFF7E0  }
0x138: {  	v0 =	vld.msk [tilespmem:s29+$0xA118], $0x1;
	_ =	sdelay $0x1  }
0x139: {  	s30 =	simm.s32 $0x1  }
0x13a: {  	v1 =	vld.msk [tilespmem:s30+$0xA118], $0x1;
	_ =	sdelay $0x1  }
0x13b: {  	(v2sf) =	vpush v0, $0x0;
	_ =	sdelay $0x2  }
0x13c: {  	(v2sf) =	vpush v1, $0x0;
	_ =	sdelay $0x2  }
0x13d: {  	s31 =	simm.s32 $0x2  }
0x13e: {  	v0 =	vld.msk [tilespmem:s31+$0xA118], $0x1;
	_ =	sdelay $0x2  }
0x13f: {  	s4 =	simm.s32 $0xFFFFFFFF;
	s2 =	simm.s32 $0xFFFFFFFF;
	s0 =	simm.s32 $0xC  }
.LBB2_30:
0x140: {  	s3 =	smov.u32 s4;
	s5 =	smov.u32 s2  }
0x141: {  	s2 =	sshra.s32 s0, $0x2;
	p1 =	sne.s32 s0, $0x7C;
	s0 =	sadd.s32 $0x4, s0;
	(v2sf) =	vpush v0, $0x0  }
0x142: {  	v0 =	vld.msk [tilespmem:s2+$0xA118], $0x1  }
.Ltmp24:
0x143: {  	(pc) =	sbr.rel @p1 .LBB2_30-.Ltmp24, $4  }
0x144: {  	s4 =	spop (v2sf)  }
0x145: {  	p2 =	sne.s32 s5, $0xFFFFFFFF;
	s2 =	smov.u32 s4  }
0x146: {  	p3 =	seq.s32 s4, $0xFFFFFFFF;
	s2 =	smov.u32 @p2 s5  }
0x147: {  	s4 =	smov.u32 @p3 s3;
	s2 =	smov.u32 @p3 s5  }
0x148: {  	(v2sf) =	vpush v0, $0x0;
	_ =	sdelay $0x8  }
0x149: {  	s0 =	spop (v2sf)  }
0x14a: {  	p1 =	sne.s32 s2, $0xFFFFFFFF;
	s3 =	smov.u32 s0  }
0x14b: {  	s9 =	simm.s32 $0x6;
	p2 =	seq.s32 s0, $0xFFFFFFFF;
	s3 =	smov.u32 @p1 s2  }
0x14c: {  	s6 =	simm.s32 $0x0;
	s3 =	smov.u32 @p2 s2;
	s2 =	spop (v2sf)  }
0x14d: {  	s0 =	smov.u32 @p2 s4;
	p1 =	sne.s32 s3, $0xFFFFFFFF;
	s5 =	smov.u32 s2  }
.Ltmp25:
0x14e: {  	p2 =	seq.s32 s2, $0xFFFFFFFF;
	s5 =	smov.u32 @p1 s3;
	(pc) =	sbr.rel .LBB2_32-.Ltmp25, $4  }
0x14f: {  	s10 =	simm.s32 $0xA0C8;
	s5 =	smov.u32 @p2 s3;
	s7 =	spop (v2sf)  }
0x150: {  	s11 =	simm.s32 $0x0;
	p1 =	sne.s32 s5, $0xFFFFFFFF;
	s8 =	smov.u32 s7  }
0x151: {  	s2 =	smov.u32 @p2 s0;
	p2 =	seq.s32 s7, $0xFFFFFFFF;
	s8 =	smov.u32 @p1 s5  }
0x152: {  	[sflag:s9] =	ssyncpa.u1 $0x0;
	s7 =	smov.u32 @p2 s2;
	s8 =	smov.u32 @p2 s5  }
.LBB2_38:
0x153: {  	p1 =	sgt.u32 s12, $0xC34F8  }
0x154: {  	p2 =	seq.s32 @!p1 s12, s8  }
0x155: {  	p1 =	por p1, p2  }
0x156: {  	p2 =	sne.s32 @!p1 s12, s7  }
0x157: {  	p1 =	por p1, !p2  }
0x158: {  	s0 =	sshll.u32 @p1 s11, $0x8  }
0x159: {  	s0 =	sand.u32 @!p1 $0xFFFF8, s12  }
0x15a: {  	s2 =	sand.u32 @!p1 $0x7, s12;
	s0 =	sadd.s32 @!p1 s1, s0  }
0x15b: {  	[tilespmem:s10], [sflag:$0x6] =	stream.linear.gather @!p1 [hbm4b:s0+s2], $0x40, $0x38;
	[tilespmem:$0x1EF88] =	vst v63  }
0x15c: {  	_ =	swait.ge @!p1 [sflag:s9], $0x40  }
0x15d: {  	[sflag:s9] =	ssyncset.done @!p1 $0x0  }
0x15e: {  	[sflag:s9] =	ssyncadd.s32 @!p1 $0xFFFFFFC0  }
0x15f: {  	v1 =	vld @!p1 [tilespmem:$0xA0C8];
	_ =	sdelay $0x2  }
0x160: {  	s0 =	sshll.u32 @!p1 s11, $0x8  }
0x161: {  	s2 =	sshrl.u32 @!p1 s0, $0x2  }
0x162: {  	[tilespmem:s2+$0xA138] =	vst.add.f32.msk @!p1 $0xffff, v1  }
0x163: {  	v1 =	vld @!p1 [tilespmem:$0xA0D8];
	_ =	sdelay $0x4  }
0x164: {  	[tilespmem:s2+$0xA148] =	vst.add.f32.msk @!p1 $0xffff, v1  }
0x165: {  	v1 =	vld @!p1 [tilespmem:$0xA0E8];
	_ =	sdelay $0x4  }
0x166: {  	[tilespmem:s2+$0xA158] =	vst.add.f32.msk @!p1 $0xffff, v1  }
0x167: {  	v1 =	vld @!p1 [tilespmem:$0xA0F8];
	_ =	sdelay $0x4  }
0x168: {  	[tilespmem:s2+$0xA168] =	vst.add.f32.msk @!p1 $0xffff, v1  }
0x169: {  	s0 =	sshrl.u32 s0, $0x2;
	[tilespmem:s6+$0xA118] =	vst.msk $0x1, v0  }
0x16a: {  	v0 =	vld [tilespmem:s0+$0xA138];
	_ =	sdelay $0x2  }
0x16b: {  	s31 =	sshll.u32 s6, $0x8  }
0x16c: {  	s2 =	sshra.s32 s31, $0x2  }
0x16d: {  	[tilespmem:s2+$0xA138] =	vst v0  }
0x16e: {  	v0 =	vld [tilespmem:s0+$0xA148];
	_ =	sdelay $0x4  }
0x16f: {  	[tilespmem:s2+$0xA148] =	vst v0  }
0x170: {  	v0 =	vld [tilespmem:s0+$0xA158];
	_ =	sdelay $0x4  }
0x171: {  	[tilespmem:s2+$0xA158] =	vst v0  }
0x172: {  	v0 =	vld [tilespmem:s0+$0xA168];
	_ =	sdelay $0x4  }
0x173: {  	s6 =	sadd.s32 $0x1, s6;
	[tilespmem:s2+$0xA168] =	vst v0  }
.LBB2_39:
0x174: {  	s11 =	sadd.s32 $0x1, s11  }
0x175: {  	p1 =	sne.s32 s11, $0x20  }
.Ltmp26:
0x176: {  	_ = 	snop;
	(pc) =	sbr.rel @!p1 .LBB2_40-.Ltmp26, $1  }
0x177: {  	_ =	sdelay $0x3  }
.LBB2_32:
0x178: {  	v0 =	vld.msk [tilespmem:s11+$0xA118], $0x1;
	_ =	sdelay $0x4  }
0x179: {  	(v2sf) =	vpush v0, $0x0;
	_ =	sdelay $0xe  }
0x17a: {  	s12 =	spop (v2sf)  }
0x17b: {  	p1 =	seq.s32 s12, $0xFFFFFFFF  }
.Ltmp27:
0x17c: {  	_ = 	snop;
	(pc) =	sbr.rel @p1 .LBB2_39-.Ltmp27, $1  }
0x17d: {  	_ =	sdelay $0x3  }
0x17e: {  	p1 =	slt.s32 s6, $0x1  }
.Ltmp28:
0x17f: {  	_ = 	snop;
	(pc) =	sbr.rel @p1 .LBB2_38-.Ltmp28, $1  }
0x180: {  	_ =	sdelay $0x3  }
0x181: {  	s0 =	simm.s32 $0xA118;
	p1 =	por $0x0, $0x0  }
0x182: {  	v1 =	vld.msk @!p1 [tilespmem:s0+$0x0], $0x1;
	_ =	sdelay $0x4  }
0x183: {  	(v2sf) =	vpush @!p1 v1, $0x0;
	_ =	sdelay $0xd  }
0x184: {  	p3 =	sne.s32 s6, $0x1  }
.Ltmp29:
0x185: {  	s2 =	spop @!p1 (v2sf);
	(pc) =	sbr.rel @!p3 .LBB2_36-.Ltmp29, $4  }
0x186: {  	p2 =	seq.s32 @!p1 s12, s2  }
0x187: {  	s13 =	simm.s32 $0x0;
	p2 =	por !p2, p1  }
0x188: {  	s2 =	simm.s32 $0xFFFFFFFF;
	s13 =	simm.s32 @p2 $0xFFFFFFFF  }
0x189: {  	s4 =	simm.s32 $0x1;
	s13 =	smov.u32 @p1 s2  }
.LBB2_35:
0x18a: {  	s2 =	smov.u32 s13;
	p1 =	sne.s32 s13, $0xFFFFFFFF  }
0x18b: {  	s0 =	sadd.s32 $0x1, s0;
	s13 =	smov.u32 s4;
	s4 =	sadd.s32 $0x1, s4  }
0x18c: {  	p2 =	sne.s32 s6, s4;
	v1 =	vld.msk @!p1 [tilespmem:s0+$0x0], $0x1;
	_ =	sdelay $0x4  }
0x18d: {  	(v2sf) =	vpush @!p1 v1, $0x0;
	_ =	sdelay $0xe  }
.Ltmp30:
0x18e: {  	s3 =	spop @!p1 (v2sf);
	(pc) =	sbr.rel @p2 .LBB2_35-.Ltmp30, $4  }
0x18f: {  	p3 =	seq.s32 @!p1 s12, s3  }
0x190: {  	p3 =	por !p3, p1  }
0x191: {  	s13 =	simm.s32 @p3 $0xFFFFFFFF  }
0x192: {  	s13 =	smov.u32 @p1 s2  }
.LBB2_36:
0x193: {  	p1 =	seq.s32 s13, $0xFFFFFFFF  }
.Ltmp31:
0x194: {  	_ = 	snop;
	(pc) =	sbr.rel @p1 .LBB2_38-.Ltmp31, $1  }
0x195: {  	_ =	sdelay $0x3  }
0x196: {  	s0 =	sshll.u32 s11, $0x6  }
0x197: {  	s0 =	sand.u32 $0x3FFFFFC0, s0  }
0x198: {  	v0 =	vld [tilespmem:s0+$0xA138];
	_ =	sdelay $0x2  }
0x199: {  	s2 =	sshll.u32 s13, $0x8  }
0x19a: {  	s2 =	sshra.s32 s2, $0x2  }
0x19b: {  	[tilespmem:s2+$0xA138] =	vst.add.f32.msk $0xffff, v0  }
0x19c: {  	v0 =	vld [tilespmem:s0+$0xA148];
	_ =	sdelay $0x4  }
0x19d: {  	[tilespmem:s2+$0xA148] =	vst.add.f32.msk $0xffff, v0  }
0x19e: {  	v0 =	vld [tilespmem:s0+$0xA158];
	_ =	sdelay $0x4  }
0x19f: {  	[tilespmem:s2+$0xA158] =	vst.add.f32.msk $0xffff, v0  }
0x1a0: {  	v0 =	vld [tilespmem:s0+$0xA168]  }
.Ltmp32:
0x1a1: {  	_ = 	snop;
	(pc) =	sbr.rel .LBB2_39-.Ltmp32, $2  }
0x1a2: {  	_ =	sdelay $0x2  }
0x1a3: {  	[tilespmem:s2+$0xA168] =	vst.add.f32.msk $0xffff, v0  }
.LBB2_40:
0x1a4: {  	s0 =	simm.s32 $0x6;
	p1 =	seq.s32 s6, $0x0  }
0x1a5: {  	[sflag:s0] =	ssyncpa.u1 $0x1;
	v0 =	vimm.s32 @p1 $0xFFFFFFFF  }
0x1a6: {  	s0 =	sadd.s32 $0xFFFFFFFF, s6;
	[tilespmem:$0xA938] =	vst @p1 v0  }
0x1a7: {  	v0 =	vld.msk @!p1 [tilespmem:s0+$0xA118], $0x1;
	_ =	sdelay $0x1  }
0x1a8: {  	v1 =	vld.msk @!p1 [tilespmem:$0xA118], $0x1;
	_ =	sdelay $0x2  }
0x1a9: {  	p2 =	seq.s32 @!p1 s0, $0x0;
	v0 =	vbroadcast @!p1 v0, $0x0  }
0x1aa: {  	vm0 =	vmmov @!p1 $0x1;
	p2 =	por !p2, p1  }
0x1ab: {  	v1 =	vnsel @!p1 vm0, $0xFFFFFFFF, v1;
	vm0 =	vcmask @!p1 $0x308;
	v0 =	vpsel !p2, $0xFFFFFFFF, v0  }
0x1ac: {  	p2 =	sne.s32 @!p1 s8, s7;
	v0 =	vsel @!p1 vm0, v1, v0  }
0x1ad: {  	s2 =	simm.s32 @!p1 $0xA138;
	s3 =	simm.s32 @!p1 $0x0;
	p3 =	por !p2, p1;
	[tilespmem:$0xA938] =	vst @!p1 v0  }
0x1ae: {  	[spmem:s3] =	stream.linear.scatter @!p1 [tilespmem:s2], [sflag:$0x1], $0x40, $0x38;
	[tilespmem:$0x1EF88] =	vst v63  }
0x1af: {  	s2 =	sshll.u32 @!p3 s0, $0x8  }
0x1b0: {  	s2 =	sshra.s32 @!p3 s2, $0x2  }
0x1b1: {  	s3 =	simm.s32 @!p3 $0x40;
	s2 =	sadd.s32 @!p3 $0xA138, s2  }
0x1b2: {  	[spmem:s3] =	stream.linear.scatter @!p3 [tilespmem:s2], [sflag:$0x1], $0x40, $0x38;
	[tilespmem:$0x1EF88] =	vst v63  }
0x1b3: {  	s2 =	simm.s32 @!p3 $0x1  }
0x1b4: {  	_ =	swait.ge @!p3 [sflag:s2], $0x80  }
0x1b5: {  	p1 =	por p2, p1;
	[sflag:s2] =	ssyncset.done @!p3 $0x0  }
0x1b6: {  	[sflag:s2] =	ssyncadd.s32 @!p3 $0xFFFFFF80;
	s2 =	simm.s32 @!p1 $0x1  }
0x1b7: {  	_ =	swait.ge @!p1 [sflag:s2], $0x40  }
0x1b8: {  	s29 =	simm.s32 $0xA938;
	[sflag:s2] =	ssyncset.done @!p1 $0x0  }
0x1b9: {  	s30 =	simm.s32 $0x800;
	s31 =	simm.s32 $0x1;
	[sflag:s2] =	ssyncadd.s32 @!p1 $0xFFFFFFC0  }
0x1ba: {  	[spmem:s30] =	stream.linear.scatter [tilespmem:s29], [sflag:$0x1], $0x10, $0x38;
	[tilespmem:$0x1EF88] =	vst v63  }
0x1bb: {  	_ =	swait.ge [sflag:s31], $0x10  }
0x1bc: {  	[sflag:s31] =	ssyncset.done $0x0  }
0x1bd: {  	p1 =	seq.s32 s14, $0x0;
	s9 =	rddreg [dreg:$0x1];
	[sflag:s31] =	ssyncadd.s32 $0xFFFFFFF0  }
0x1be: {  	s3 =	sshll.u32 @p1 s9, $0xE;
	s8 =	rddreg [dreg:$0x2]  }
0x1bf: {  	s2 =	sadd.s32 @p1 $0x15C3C, s3;
	s3 =	sshll.u32 @p1 s8, $0x11  }
0x1c0: {  	_ =	sfence.stream.spmem;
	s2 =	sor.u32 @p1 s3, s2  }
0x1c1: {  	[sflag:s2] =	ssyncadd.remote.s32 @p1 $0x1;
	s2 =	simm.s32 @p1 $0x4  }
0x1c2: {  	s4 =	simm.s32 @!p1 $0x3C;
	s3 =	sand.u32 $0xFFFFFFFE, s9;
	_ =	swait.ge @p1 [sflag:s2], $0x12  }
0x1c3: {  	s5 =	simm.s32 @!p1 $0x0;
	s3 =	sadd.s32 @!p1 $0x4, s3;
	[sflag:s2] =	ssyncset.done @p1 $0x0  }
0x1c4: {  	s7 =	simm.s32 @!p1 $0x80;
	[sflag:s2] =	ssyncadd.s32 @p1 $0xFFFFFFEE;
	s2 =	sshll.u32 @!p1 s3, $0x1A  }
0x1c5: {  	s3 =	sshll.u32 @!p1 s3, $0xD;
	s2 =	sor.u32 @!p1 s2, s8;
	_ =	swait.eq @!p1 [sflag:s4], $0x1  }
0x1c6: {  	s3 =	sor.u32 @!p1 $0x1C04, s3;
	s4 =	simm.s32 @!p1 $0x1C03;
	s2 =	sor.u32 @!p1 $0x80004000, s2  }
0x1c7: {  	[spmem:s7], [sflag:s3] =	dma.general @!p1 [spmem:s5], [sflag:s4], length:$0x10, [dreg:$0x0], stride_count:$0x0, ici_dest:s2, dma_misc:DstOpCode:WRITE  }
0x1c8: {  	p2 =	slt.s32 s0, $0x2;
	s5 =	simm.s32 @!p1 $0x100;
	s7 =	simm.s32 @!p1 $0x102  }
0x1c9: {  	[spmem:s7], [sflag:s3] =	dma.general @!p1 [spmem:s5], [sflag:s4], length:$0x2, [dreg:$0x0], stride_count:$0x0, ici_dest:s2, dma_misc:DstOpCode:WRITE  }
.Ltmp33:
0x1ca: {  	s2 =	simm.s32 @!p1 $0x3;
	(pc) =	sbr.rel @p2 .LBB2_44-.Ltmp33, $4  }
0x1cb: {  	s3 =	sshll.u32 @!p1 s9, $0xE;
	_ =	swait.ge @!p1 [sflag:s2], $0x12  }
0x1cc: {  	s4 =	sshll.u32 @!p1 s8, $0x11;
	s3 =	sadd.s32 @!p1 $0x11C3C, s3;
	[sflag:s2] =	ssyncset.done @!p1 $0x0  }
0x1cd: {  	[sflag:s2] =	ssyncadd.s32 @!p1 $0xFFFFFFEE;
	s2 =	sor.u32 @!p1 s4, s3  }
0x1ce: {  	s0 =	simm.s32 $0x0;
	[sflag:s2] =	ssyncadd.remote.s32 @!p1 $0xFFFFFFFF  }
0x1cf: {  	s0 =	simm.s32 $0xA119  }
0x1d0: {  	v0 =	vld.msk [tilespmem:s0+$0x0], $0x1;
	_ =	sdelay $0x4  }
0x1d1: {  	(v2sf) =	vpush v0, $0x0;
	_ =	sdelay $0xd  }
0x1d2: {  	s3 =	sadd.s32 $0xFFFFFFFE, s6  }
0x1d3: {  	s4 =	sadd.s32 $0xFFFFFFFF, s3;
	s2 =	spop (v2sf)  }
0x1d4: {  	p2 =	sne.s32 s4, $0x0;
	p1 =	sgt.u32 s2, $0xC34F8  }
.Ltmp34:
0x1d5: {  	s5 =	sand.u32 @!p1 $0xFFFF8, s2;
	(pc) =	sbr.rel @!p2 .LBB2_43-.Ltmp34, $4  }
0x1d6: {  	s0 =	simm.s32 $0xA178;
	s2 =	sand.u32 @!p1 $0x7, s2;
	s3 =	sadd.s32 @!p1 s1, s5  }
0x1d7: {  	[hbm4b:s3+s2] =	stream.linear.scatter @!p1 [tilespmem:s0], [sflag:$0x5], $0x40, $0x38;
	[tilespmem:$0x1EF88] =	vst v63  }
0x1d8: {  	s2 =	simm.s32 $0x0  }
0x1d9: {  	s6 =	simm.s32 $0xA11A;
	s5 =	simm.s32 $0x0;
	s2 =	simm.s32 @!p1 $0x100  }
.LBB2_42:
0x1da: {  	v0 =	vld.msk [tilespmem:s6+$0x0], $0x1;
	s4 =	sadd.s32 $0xFFFFFFFF, s4;
	s5 =	sadd.s32 s5, s2  }
0x1db: {  	p1 =	sne.s32 s4, $0x0;
	_ =	sdelay $0x3  }
0x1dc: {  	(v2sf) =	vpush v0, $0x0;
	_ =	sdelay $0xe  }
.Ltmp35:
0x1dd: {  	s3 =	spop (v2sf);
	(pc) =	sbr.rel @p1 .LBB2_42-.Ltmp35, $4  }
0x1de: {  	s2 =	simm.s32 $0x0;
	p2 =	sgt.u32 s3, $0xC34F8  }
0x1df: {  	s0 =	sadd.s32 $0x40, s0;
	s2 =	simm.s32 @!p2 $0x100;
	s7 =	sand.u32 @!p2 $0xFFFF8, s3  }
0x1e0: {  	s6 =	sadd.s32 $0x1, s6;
	s3 =	sand.u32 @!p2 $0x7, s3;
	s7 =	sadd.s32 @!p2 s1, s7  }
0x1e1: {  	[hbm4b:s7+s3] =	stream.linear.scatter @!p2 [tilespmem:s0], [sflag:$0x5], $0x40, $0x38;
	[tilespmem:$0x1EF88] =	vst v63  }
.LBB2_43:
0x1e2: {  	s0 =	sadd.s32 s5, s2  }
0x1e3: {  	s0 =	sshrl.u32 s0, $0x2  }
.LBB2_44:
0x1e4: {  	s2 =	simm.s32 $0x5  }
0x1e5: {  	_ =	swait.ge [sflag:s2], s0  }
0x1e6: {  	s31 =	ssub.s32 $0x0, s0;
	[sflag:s2] =	ssyncset.done $0x0  }
0x1e7: {  	[sflag:s2] =	ssyncadd.s32 s31  }
0x1e8: {  	[sflag:s2] =	ssyncpa.u1 $0x1  }
.LBB2_45:
0x1e9: {  	s0 =	sor.u32 s14, s15  }
0x1ea: {  	p1 =	sne.s32 s0, $0x0  }
.Ltmp36:
0x1eb: {  	_ = 	snop;
	(pc) =	sbr.rel @p1 .LBB2_60-.Ltmp36, $3  }
0x1ec: {  	_ =	sdelay $0x1  }
0x1ed: {  	[bflag:$0x0] =	sbarrier.arrive $0xFFFF  }
0x1ee: {  	_ =	sfence  }
0x1ef: {  	s0 =	simm.s32 $0x7  }
0x1f0: {  	s2 =	simm.s32 $0x800;
	s3 =	simm.s32 $0xA118;
	[sflag:s0] =	ssyncpa.u1 $0x0  }
0x1f1: {  	[tilespmem:s3], [sflag:$0x7] =	stream.linear.gather [spmem:s2], $0x20, $0x38;
	[tilespmem:$0x1EF88] =	vst v63  }
0x1f2: {  	s30 =	simm.s32 $0xA138;
	s2 =	simm.s32 $0x0  }
0x1f3: {  	[tilespmem:s30], [sflag:$0x7] =	stream.linear.gather [spmem:s2], $0x800, $0x38;
	[tilespmem:$0x1EF88] =	vst v63  }
.Ltmp37:
0x1f4: {  	_ = 	snop;
	(pc) =	sbr.rel .LBB2_47-.Ltmp37, $4  }
0x1f5: {  	_ =	swait.ge [sflag:s0], $0x820  }
0x1f6: {  	[sflag:s0] =	ssyncset.done $0x0  }
0x1f7: {  	s31 =	simm.s32 $0x8;
	[sflag:s0] =	ssyncadd.s32 $0xFFFFF7E0  }
0x1f8: {  	s3 =	simm.s32 $0x0;
	[sflag:s31] =	ssyncpa.u1 $0x0  }
.LBB2_53:
0x1f9: {  	p1 =	slt.u32 s0, $0xC34F9  }
0x1fa: {  	s4 =	sand.u32 @p1 $0xFFFF8, s0  }
0x1fb: {  	s0 =	sand.u32 @p1 $0x7, s0;
	s5 =	simm.s32 @p1 $0xA0C8;
	s4 =	sadd.s32 @p1 s1, s4  }
0x1fc: {  	[tilespmem:s5], [sflag:$0x8] =	stream.linear.gather @p1 [hbm4b:s4+s0], $0x40, $0x38;
	[tilespmem:$0x1EF88] =	vst v63  }
0x1fd: {  	s0 =	simm.s32 @p1 $0x8  }
0x1fe: {  	_ =	swait.ge @p1 [sflag:s0], $0x40  }
0x1ff: {  	[sflag:s0] =	ssyncset.done @p1 $0x0  }
0x200: {  	[sflag:s0] =	ssyncadd.s32 @p1 $0xFFFFFFC0  }
0x201: {  	v1 =	vld @p1 [tilespmem:$0xA0C8];
	_ =	sdelay $0x2  }
0x202: {  	s0 =	sshll.u32 @p1 s3, $0x8  }
0x203: {  	s4 =	sshrl.u32 @p1 s0, $0x2  }
0x204: {  	[tilespmem:s4+$0xA138] =	vst.add.f32.msk @p1 $0xffff, v1  }
0x205: {  	v1 =	vld @p1 [tilespmem:$0xA0D8];
	_ =	sdelay $0x4  }
0x206: {  	[tilespmem:s4+$0xA148] =	vst.add.f32.msk @p1 $0xffff, v1  }
0x207: {  	v1 =	vld @p1 [tilespmem:$0xA0E8];
	_ =	sdelay $0x4  }
0x208: {  	[tilespmem:s4+$0xA158] =	vst.add.f32.msk @p1 $0xffff, v1  }
0x209: {  	v1 =	vld @p1 [tilespmem:$0xA0F8];
	_ =	sdelay $0x3  }
0x20a: {  	s5 =	sshll.u32 @!p1 s3, $0x8  }
0x20b: {  	s5 =	smov.u32 @p1 s0;
	[tilespmem:s4+$0xA168] =	vst.add.f32.msk @p1 $0xffff, v1  }
0x20c: {  	s0 =	sshrl.u32 s5, $0x2;
	[tilespmem:s2+$0xA118] =	vst.msk $0x1, v0  }
0x20d: {  	v0 =	vld [tilespmem:s0+$0xA138];
	_ =	sdelay $0x2  }
0x20e: {  	s31 =	sshll.u32 s2, $0x8  }
0x20f: {  	s4 =	sshra.s32 s31, $0x2  }
0x210: {  	[tilespmem:s4+$0xA138] =	vst v0  }
0x211: {  	v0 =	vld [tilespmem:s0+$0xA148];
	_ =	sdelay $0x4  }
0x212: {  	[tilespmem:s4+$0xA148] =	vst v0  }
0x213: {  	v0 =	vld [tilespmem:s0+$0xA158];
	_ =	sdelay $0x4  }
0x214: {  	[tilespmem:s4+$0xA158] =	vst v0  }
0x215: {  	v0 =	vld [tilespmem:s0+$0xA168];
	_ =	sdelay $0x4  }
0x216: {  	s2 =	sadd.s32 $0x1, s2;
	[tilespmem:s4+$0xA168] =	vst v0  }
.LBB2_54:
0x217: {  	s3 =	sadd.s32 $0x1, s3  }
0x218: {  	p1 =	sne.s32 s3, $0x20  }
.Ltmp38:
0x219: {  	_ = 	snop;
	(pc) =	sbr.rel @!p1 .LBB2_55-.Ltmp38, $1  }
0x21a: {  	_ =	sdelay $0x3  }
.LBB2_47:
0x21b: {  	v0 =	vld.msk [tilespmem:s3+$0xA118], $0x1;
	_ =	sdelay $0x4  }
0x21c: {  	(v2sf) =	vpush v0, $0x0;
	_ =	sdelay $0xe  }
0x21d: {  	s0 =	spop (v2sf)  }
0x21e: {  	p1 =	seq.s32 s0, $0xFFFFFFFF  }
.Ltmp39:
0x21f: {  	_ = 	snop;
	(pc) =	sbr.rel @p1 .LBB2_54-.Ltmp39, $1  }
0x220: {  	_ =	sdelay $0x3  }
0x221: {  	p1 =	slt.s32 s2, $0x1  }
.Ltmp40:
0x222: {  	_ = 	snop;
	(pc) =	sbr.rel @p1 .LBB2_53-.Ltmp40, $1  }
0x223: {  	_ =	sdelay $0x3  }
0x224: {  	s4 =	simm.s32 $0xA118;
	p1 =	por $0x0, $0x0  }
0x225: {  	v1 =	vld.msk @!p1 [tilespmem:s4+$0x0], $0x1;
	_ =	sdelay $0x4  }
0x226: {  	(v2sf) =	vpush @!p1 v1, $0x0;
	_ =	sdelay $0xd  }
0x227: {  	p3 =	sne.s32 s2, $0x1  }
.Ltmp41:
0x228: {  	s5 =	spop @!p1 (v2sf);
	(pc) =	sbr.rel @!p3 .LBB2_51-.Ltmp41, $4  }
0x229: {  	p2 =	seq.s32 @!p1 s0, s5  }
0x22a: {  	s5 =	simm.s32 $0x0;
	p2 =	por !p2, p1  }
0x22b: {  	s7 =	simm.s32 $0xFFFFFFFF;
	s5 =	simm.s32 @p2 $0xFFFFFFFF  }
0x22c: {  	s6 =	simm.s32 $0x1;
	s5 =	smov.u32 @p1 s7  }
.LBB2_50:
0x22d: {  	s7 =	smov.u32 s5;
	p1 =	sne.s32 s5, $0xFFFFFFFF  }
0x22e: {  	s4 =	sadd.s32 $0x1, s4;
	s5 =	smov.u32 s6;
	s6 =	sadd.s32 $0x1, s6  }
0x22f: {  	p2 =	sne.s32 s2, s6;
	v1 =	vld.msk @!p1 [tilespmem:s4+$0x0], $0x1;
	_ =	sdelay $0x4  }
0x230: {  	(v2sf) =	vpush @!p1 v1, $0x0;
	_ =	sdelay $0xe  }
.Ltmp42:
0x231: {  	s8 =	spop @!p1 (v2sf);
	(pc) =	sbr.rel @p2 .LBB2_50-.Ltmp42, $4  }
0x232: {  	p3 =	seq.s32 @!p1 s0, s8  }
0x233: {  	p3 =	por !p3, p1  }
0x234: {  	s5 =	simm.s32 @p3 $0xFFFFFFFF  }
0x235: {  	s5 =	smov.u32 @p1 s7  }
.LBB2_51:
0x236: {  	p1 =	seq.s32 s5, $0xFFFFFFFF  }
.Ltmp43:
0x237: {  	_ = 	snop;
	(pc) =	sbr.rel @p1 .LBB2_53-.Ltmp43, $1  }
0x238: {  	_ =	sdelay $0x3  }
0x239: {  	s0 =	sshll.u32 s3, $0x6  }
0x23a: {  	s0 =	sand.u32 $0x3FFFFFC0, s0  }
0x23b: {  	v0 =	vld [tilespmem:s0+$0xA138];
	_ =	sdelay $0x2  }
0x23c: {  	s4 =	sshll.u32 s5, $0x8  }
0x23d: {  	s4 =	sshra.s32 s4, $0x2  }
0x23e: {  	[tilespmem:s4+$0xA138] =	vst.add.f32.msk $0xffff, v0  }
0x23f: {  	v0 =	vld [tilespmem:s0+$0xA148];
	_ =	sdelay $0x4  }
0x240: {  	[tilespmem:s4+$0xA148] =	vst.add.f32.msk $0xffff, v0  }
0x241: {  	v0 =	vld [tilespmem:s0+$0xA158];
	_ =	sdelay $0x4  }
0x242: {  	[tilespmem:s4+$0xA158] =	vst.add.f32.msk $0xffff, v0  }
0x243: {  	v0 =	vld [tilespmem:s0+$0xA168]  }
.Ltmp44:
0x244: {  	_ = 	snop;
	(pc) =	sbr.rel .LBB2_54-.Ltmp44, $2  }
0x245: {  	_ =	sdelay $0x2  }
0x246: {  	[tilespmem:s4+$0xA168] =	vst.add.f32.msk $0xffff, v0  }
.LBB2_55:
0x247: {  	p1 =	slt.s32 s2, $0x1  }
.Ltmp45:
0x248: {  	_ = 	snop;
	(pc) =	sbr.rel @p1 .LBB2_59-.Ltmp45, $3  }
0x249: {  	_ =	sdelay $0x1  }
0x24a: {  	s0 =	simm.s32 $0x8  }
0x24b: {  	[sflag:s0] =	ssyncpa.u1 $0x1;
	s0 =	simm.s32 $0x0  }
0x24c: {  	s3 =	simm.s32 $0xA118  }
0x24d: {  	v0 =	vld.msk [tilespmem:s3+$0x0], $0x1;
	_ =	sdelay $0x4  }
0x24e: {  	(v2sf) =	vpush v0, $0x0;
	_ =	sdelay $0xe  }
0x24f: {  	s2 =	sadd.s32 $0xFFFFFFFF, s2;
	s4 =	spop (v2sf)  }
0x250: {  	p2 =	sne.s32 s2, $0x0;
	p1 =	sgt.u32 s4, $0xC34F8  }
.Ltmp46:
0x251: {  	s5 =	sand.u32 @!p1 $0xFFFF8, s4;
	(pc) =	sbr.rel @!p2 .LBB2_58-.Ltmp46, $4  }
0x252: {  	s3 =	simm.s32 $0xA138;
	s4 =	sand.u32 @!p1 $0x7, s4;
	s5 =	sadd.s32 @!p1 s1, s5  }
0x253: {  	[hbm4b:s5+s4] =	stream.linear.scatter @!p1 [tilespmem:s3], [sflag:$0x7], $0x40, $0x38;
	[tilespmem:$0x1EF88] =	vst v63  }
0x254: {  	s5 =	simm.s32 $0x0  }
0x255: {  	s4 =	simm.s32 $0xA119;
	s5 =	simm.s32 @!p1 $0x100  }
.LBB2_57:
0x256: {  	v0 =	vld.msk [tilespmem:s4+$0x0], $0x1;
	s2 =	sadd.s32 $0xFFFFFFFF, s2;
	s0 =	sadd.s32 s0, s5  }
0x257: {  	p1 =	sne.s32 s2, $0x0;
	_ =	sdelay $0x3  }
0x258: {  	(v2sf) =	vpush v0, $0x0;
	_ =	sdelay $0xe  }
.Ltmp47:
0x259: {  	s6 =	spop (v2sf);
	(pc) =	sbr.rel @p1 .LBB2_57-.Ltmp47, $4  }
0x25a: {  	s5 =	simm.s32 $0x0;
	p2 =	sgt.u32 s6, $0xC34F8  }
0x25b: {  	s3 =	sadd.s32 $0x40, s3;
	s5 =	simm.s32 @!p2 $0x100;
	s7 =	sand.u32 @!p2 $0xFFFF8, s6  }
0x25c: {  	s4 =	sadd.s32 $0x1, s4;
	s6 =	sand.u32 @!p2 $0x7, s6;
	s7 =	sadd.s32 @!p2 s1, s7  }
0x25d: {  	[hbm4b:s7+s6] =	stream.linear.scatter @!p2 [tilespmem:s3], [sflag:$0x7], $0x40, $0x38;
	[tilespmem:$0x1EF88] =	vst v63  }
.LBB2_58:
0x25e: {  	s0 =	sadd.s32 s0, s5  }
0x25f: {  	s0 =	sshrl.u32 s0, $0x2  }
.LBB2_59:
0x260: {  	s1 =	simm.s32 $0x7  }
0x261: {  	_ =	swait.ge [sflag:s1], s0  }
0x262: {  	s31 =	ssub.s32 $0x0, s0;
	[sflag:s1] =	ssyncset.done $0x0  }
0x263: {  	[sflag:s1] =	ssyncadd.s32 s31  }
0x264: {  	[sflag:s1] =	ssyncpa.u1 $0x1  }
.LBB2_60:
0x265: {  	_ =	sfence;
	s0 =	simm.s32 $0x1  }
0x266: {  	[sflag:s0] =	ssyncpa.u1 $0x1  }
0x267: {  	_ =	strace $0x9000004A  }
0x268: {  	[bflag:$0x2] =	sbarrier.arrive $0xFFFF  }
0x269: {  	s0 =	rddreg [dreg:$0x3]  }
0x26a: {  	s0 =	sadd.s32 @!p0 $0x100000, s0  }
0x26b: {  	[sflag:s0] =	ssyncadd.tile.s32 @!p0 $0x1;
	_ =	shalt  }
.Lfunc_end2:
_tile_overlayer_lowered:
.L_overlay_start_2:
0x26c: {  	(tag) =	ssettag $0x2  }
0x26d: {  	s0 =	rddreg [dreg:$0x0];
	s2 =	stileid.u32  }
0x26e: {  	s1 =	rddreg [dreg:$0x1];
	p0 =	sne.s32 s2, $0x0  }
0x26f: {  	s3 =	rddreg [dreg:$0x2];
	[bflag:$0x3] =	sbarrier.arrive $0xFFFF;
	s2 =	simm.s32 @!p0 $0x1C01  }
0x270: {  	[timem:s3], [sflag:s2] =	dma.local @!p0 [hbm:s0], s1  }
0x271: {  	s0 =	simm.s32 @!p0 $0x1  }
0x272: {  	_ =	swait.ge @!p0 [sflag:s0], s1  }
0x273: {  	s1 =	ssub.s32 @!p0 $0x0, s1;
	[sflag:s0] =	ssyncset.done @!p0 $0x0  }
0x274: {  	[sflag:s0] =	ssyncadd.s32 @!p0 s1  }
0x275: {  	[bflag:$0x3] =	sbarrier.arrive $0xFFFF  }
0x276: {  	_ =	shalt  }

</sc_bundles>
